<compile_context>
chip_gen: v7x
topology: tpu7x:2x2x1
jax: 0.10.2.dev20260603
libtpu: 0.0.44.dev20260713+nightly
codegen_flags: <defaults>
</compile_context>

<pallas_src>
import functools

import jax
import jax.numpy as jnp
from jax import lax
from jax.experimental import pallas as pl
from jax.experimental.pallas import tpu as pltpu
from jax.experimental.pallas import tpu_sc as plsc

N_ROWS = 1_000_000
K = 64
B = 16384

_UNROLL = 32


def _build():
    info = plsc.get_sparse_core_info()
    nc, ns = info.num_cores, info.num_subcores
    nw = nc * ns
    b_per_w = B // nw
    mesh = plsc.VectorSubcoreMesh(core_axis_name="c", subcore_axis_name="s")

    @functools.partial(
        pl.kernel,
        mesh=mesh,
        out_type=jax.ShapeDtypeStruct((B, K), jnp.float32),
        scratch_types=[
            pltpu.VMEM_SHARED((ns, b_per_w), jnp.int32),
            pltpu.SMEM((b_per_w,), jnp.int32),
            pltpu.VMEM((b_per_w, K), jnp.float32),
            pltpu.SemaphoreType.DMA,
        ],
        compiler_params=pltpu.CompilerParams(needs_layout_passes=False),
    )
    def k(idx_hbm, tbl_hbm, out_hbm, idx_sh, idx_s, rows_v, sem):
        cid = lax.axis_index("c")
        sid = lax.axis_index("s")
        wid = sid * nc + cid
        base = wid * b_per_w
        pltpu.sync_copy(idx_hbm.at[pl.ds(base, b_per_w)], idx_sh.at[sid])
        pltpu.sync_copy(idx_sh.at[sid], idx_s)

        def fire(g, _):
            for j in range(_UNROLL):
                i = g * _UNROLL + j
                pltpu.async_copy(tbl_hbm.at[idx_s[i]], rows_v.at[i], sem)
            return _

        lax.fori_loop(0, b_per_w // _UNROLL, fire, None)
        pltpu.make_async_copy(
            tbl_hbm.at[pl.ds(0, b_per_w)], rows_v, sem
        ).wait()
        pltpu.sync_copy(rows_v, out_hbm.at[pl.ds(base, b_per_w)])

    return k


_gather = _build()


def kernel(indices, mu, log_sigma):
    idx = indices.astype(jnp.int32)
    mu_out = _gather(idx, mu)
    ls_out = _gather(idx, log_sigma)
    return (mu_out, ls_out)

# --- scband reference (transcript-rebuilt; emitter-appended) ---
"""Pipeline reference for scband-gaussian-embeddings-10024453669632 (READ-ONLY COPY).

The authoritative reference and input builder live on the scoring server;
editing this copy changes nothing except your own understanding.
"""

import jax, jax.numpy as jnp
import numpy as np

N_SAMPLES = 1000000
K = 64
BATCH = 16384
PRIOR_PRECISION = 10.0

def setup_inputs(seed: int = 0) -> dict:
    key = jax.random.key(seed)
    k1, k2, k3 = jax.random.split(key, 3)
    indices = jax.random.randint(k1, (BATCH,), 0, N_SAMPLES)
    # learned parameters: mu initialized near prior_mean, log_sigma near -0.5*log(prior_precision)
    mu = jax.random.normal(k2, (N_SAMPLES, K), dtype=jnp.float32) * 0.01
    log_sigma = jnp.ones((N_SAMPLES, K), dtype=jnp.float32) * (jnp.log(PRIOR_PRECISION) * -0.5) + jax.random.normal(k3, (N_SAMPLES, K), dtype=jnp.float32) * 0.01
    return {"indices": indices, "mu": mu, "log_sigma": log_sigma}

def reference(indices, mu, log_sigma):
    # Faithful translation of GaussianEmbeddings.forward with cov_type='diag':
    # return [self.mu[indices, :], self.log_sigma[indices, :]]
    mu_out = jnp.take(mu, indices, axis=0)
    log_sigma_out = jnp.take(log_sigma, indices, axis=0)
    return (mu_out, log_sigma_out)

if __name__ == "__main__":
    import jax
    _d = setup_inputs()
    print(jax.jit(kernel)(*tuple(_d.values())))

</pallas_src>

<mosaic_0001>
#map = affine_map<(d0, d1) -> (0)>
#map1 = affine_map<(d0, d1) -> (0, 0)>
module attributes {stable_mosaic.version = 14 : i64} {
  func.func @k(%arg0: i32, %arg1: i32, %arg2: memref<16384xi32, #tpu.memory_space<hbm>>, %arg3: memref<1000000x64xf32, #tpu.memory_space<hbm>>, %arg4: memref<16384x64xf32, #tpu.memory_space<hbm>>, %arg5: memref<16x512xi32, #tpu.memory_space<vmem_shared>>, %arg6: memref<512xi32, #tpu.memory_space<smem>>, %arg7: memref<512x64xf32, #tpu.memory_space<vmem>>, %arg8: memref<!tpu.dma_semaphore, #tpu.memory_space<semaphore_mem>>) attributes {dimension_semantics = [#tpu.dimension_semantics<core_parallel>, #tpu.dimension_semantics<subcore_parallel>], iteration_bounds = array<i64: 2, 16>, scalar_prefetch = 0 : i64, scratch_operands = 4 : i64, tpu.core_type = #tpu.core_type<sc_vector_subcore>, window_params = [{transform_indices = #map}, {transform_indices = #map1}, {transform_indices = #map1}]} {
    %mul3A = arith.constant 2 : i32
    %mul3A_0 = arith.muli %arg1, %mul3A : i32
    %add3A = arith.addi %mul3A_0, %arg0 : i32
    %mul3A_1 = arith.constant 512 : i32
    %mul3A_2 = arith.muli %add3A, %mul3A_1 : i32
    "tpu.region"() ({
      %run_scoped3A = tpu.sem_alloc : memref<!tpu.dma_semaphore, #tpu.memory_space<semaphore_mem>>
      %dma_start3A = arith.constant 0 : i32
      %dma_start3A_12 = tpu.memref_slice %arg5[%arg1, %dma_start3A] : memref<16x512xi32, #tpu.memory_space<vmem_shared>> -> memref<1x512xi32, #tpu.memory_space<vmem_shared>>
      %dma_start3A_13 = tpu.memref_squeeze %dma_start3A_12 : memref<1x512xi32, #tpu.memory_space<vmem_shared>> -> memref<512xi32, #tpu.memory_space<vmem_shared>>
      %dma_start3A_14 = tpu.memref_slice %arg2[%mul3A_2] : memref<16384xi32, #tpu.memory_space<hbm>> -> memref<512xi32, #tpu.memory_space<hbm>>
      tpu.enqueue_dma source(%dma_start3A_14 : memref<512xi32, #tpu.memory_space<hbm>>) target(%dma_start3A_13 : memref<512xi32, #tpu.memory_space<vmem_shared>>) target_semaphore(%run_scoped3A : memref<!tpu.dma_semaphore, #tpu.memory_space<semaphore_mem>>)
      %dma_wait3A_15 = arith.constant 0 : i32
      %dma_wait3A_16 = tpu.memref_slice %arg5[%arg1, %dma_wait3A_15] : memref<16x512xi32, #tpu.memory_space<vmem_shared>> -> memref<1x512xi32, #tpu.memory_space<vmem_shared>>
      %dma_wait3A_17 = tpu.memref_squeeze %dma_wait3A_16 : memref<1x512xi32, #tpu.memory_space<vmem_shared>> -> memref<512xi32, #tpu.memory_space<vmem_shared>>
      %dma_wait3A_18 = tpu.memref_slice %arg2[%mul3A_2] : memref<16384xi32, #tpu.memory_space<hbm>> -> memref<512xi32, #tpu.memory_space<hbm>>
      tpu.wait_dma2 semaphore(%run_scoped3A : memref<!tpu.dma_semaphore, #tpu.memory_space<semaphore_mem>>) src(%dma_wait3A_18 : memref<512xi32, #tpu.memory_space<hbm>>) dst(%dma_wait3A_17 : memref<512xi32, #tpu.memory_space<vmem_shared>>)
      tpu.yield
    }) : () -> ()
    "tpu.region"() ({
      %run_scoped3A = tpu.sem_alloc : memref<!tpu.dma_semaphore, #tpu.memory_space<semaphore_mem>>
      %dma_start3A = arith.constant 0 : i32
      %dma_start3A_12 = tpu.memref_slice %arg5[%arg1, %dma_start3A] : memref<16x512xi32, #tpu.memory_space<vmem_shared>> -> memref<1x512xi32, #tpu.memory_space<vmem_shared>>
      %dma_start3A_13 = tpu.memref_squeeze %dma_start3A_12 : memref<1x512xi32, #tpu.memory_space<vmem_shared>> -> memref<512xi32, #tpu.memory_space<vmem_shared>>
      tpu.enqueue_dma source(%dma_start3A_13 : memref<512xi32, #tpu.memory_space<vmem_shared>>) target(%arg6 : memref<512xi32, #tpu.memory_space<smem>>) target_semaphore(%run_scoped3A : memref<!tpu.dma_semaphore, #tpu.memory_space<semaphore_mem>>)
      %dma_wait3A_14 = arith.constant 0 : i32
      %dma_wait3A_15 = tpu.memref_slice %arg5[%arg1, %dma_wait3A_14] : memref<16x512xi32, #tpu.memory_space<vmem_shared>> -> memref<1x512xi32, #tpu.memory_space<vmem_shared>>
      %dma_wait3A_16 = tpu.memref_squeeze %dma_wait3A_15 : memref<1x512xi32, #tpu.memory_space<vmem_shared>> -> memref<512xi32, #tpu.memory_space<vmem_shared>>
      tpu.wait_dma2 semaphore(%run_scoped3A : memref<!tpu.dma_semaphore, #tpu.memory_space<semaphore_mem>>) src(%dma_wait3A_16 : memref<512xi32, #tpu.memory_space<vmem_shared>>) dst(%arg6 : memref<512xi32, #tpu.memory_space<smem>>)
      tpu.yield
    }) : () -> ()
    %scan3A = arith.constant 0 : i32
    %scan3A_3 = arith.constant 16 : i32
    %scan3A_4 = arith.addi %scan3A, %scan3A_3 : i32
    %scan3A_5 = arith.constant 1 : i32
    scf.for %scan3A_12 = %scan3A to %scan3A_4 step %scan3A_5  : i32 {
      %mul3A_13 = arith.constant 32 : i32
      %mul3A_14 = arith.muli %scan3A_12, %mul3A_13 : i32
      %add3A_15 = arith.constant 0 : i32
      %add3A_16 = arith.addi %mul3A_14, %add3A_15 : i32
      %get3A = arith.index_cast %add3A_16 : i32 to index
      %get3A_17 = memref.load %arg6[%get3A] : memref<512xi32, #tpu.memory_space<smem>>
      %dma_start3A = arith.constant 0 : i32
      %dma_start3A_18 = tpu.memref_slice %arg7[%add3A_16, %dma_start3A] : memref<512x64xf32, #tpu.memory_space<vmem>> -> memref<1x64xf32, #tpu.memory_space<vmem>>
      %dma_start3A_19 = tpu.memref_squeeze %dma_start3A_18 : memref<1x64xf32, #tpu.memory_space<vmem>> -> memref<64xf32, #tpu.memory_space<vmem>>
      %dma_start3A_20 = arith.constant 0 : i32
      %dma_start3A_21 = tpu.memref_slice %arg3[%get3A_17, %dma_start3A_20] : memref<1000000x64xf32, #tpu.memory_space<hbm>> -> memref<1x64xf32, #tpu.memory_space<hbm>>
      %dma_start3A_22 = tpu.memref_squeeze %dma_start3A_21 : memref<1x64xf32, #tpu.memory_space<hbm>> -> memref<64xf32, #tpu.memory_space<hbm>>
      %dma_start3A_23 = arith.constant 0 : i32
      %dma_start3A_24 = tpu.memref_slice %arg7[%add3A_16, %dma_start3A_23] : memref<512x64xf32, #tpu.memory_space<vmem>> -> memref<1x64xf32, #tpu.memory_space<vmem>>
      %dma_start3A_25 = tpu.memref_squeeze %dma_start3A_24 : memref<1x64xf32, #tpu.memory_space<vmem>> -> memref<64xf32, #tpu.memory_space<vmem>>
      %dma_start3A_26 = arith.constant 0 : i32
      %dma_start3A_27 = tpu.memref_slice %arg3[%get3A_17, %dma_start3A_26] : memref<1000000x64xf32, #tpu.memory_space<hbm>> -> memref<1x64xf32, #tpu.memory_space<hbm>>
      %dma_start3A_28 = tpu.memref_squeeze %dma_start3A_27 : memref<1x64xf32, #tpu.memory_space<hbm>> -> memref<64xf32, #tpu.memory_space<hbm>>
      tpu.enqueue_dma source(%dma_start3A_28 : memref<64xf32, #tpu.memory_space<hbm>>) target(%dma_start3A_25 : memref<64xf32, #tpu.memory_space<vmem>>) target_semaphore(%arg8 : memref<!tpu.dma_semaphore, #tpu.memory_space<semaphore_mem>>)
      %mul3A_29 = arith.constant 32 : i32
      %mul3A_30 = arith.muli %scan3A_12, %mul3A_29 : i32
      %add3A_31 = arith.constant 1 : i32
      %add3A_32 = arith.addi %mul3A_30, %add3A_31 : i32
      %get3A_33 = arith.index_cast %add3A_32 : i32 to index
      %get3A_34 = memref.load %arg6[%get3A_33] : memref<512xi32, #tpu.memory_space<smem>>
      %dma_start3A_35 = arith.constant 0 : i32
      %dma_start3A_36 = tpu.memref_slice %arg7[%add3A_32, %dma_start3A_35] : memref<512x64xf32, #tpu.memory_space<vmem>> -> memref<1x64xf32, #tpu.memory_space<vmem>>
      %dma_start3A_37 = tpu.memref_squeeze %dma_start3A_36 : memref<1x64xf32, #tpu.memory_space<vmem>> -> memref<64xf32, #tpu.memory_space<vmem>>
      %dma_start3A_38 = arith.constant 0 : i32
      %dma_start3A_39 = tpu.memref_slice %arg3[%get3A_34, %dma_start3A_38] : memref<1000000x64xf32, #tpu.memory_space<hbm>> -> memref<1x64xf32, #tpu.memory_space<hbm>>
      %dma_start3A_40 = tpu.memref_squeeze %dma_start3A_39 : memref<1x64xf32, #tpu.memory_space<hbm>> -> memref<64xf32, #tpu.memory_space<hbm>>
      %dma_start3A_41 = arith.constant 0 : i32
      %dma_start3A_42 = tpu.memref_slice %arg7[%add3A_32, %dma_start3A_41] : memref<512x64xf32, #tpu.memory_space<vmem>> -> memref<1x64xf32, #tpu.memory_space<vmem>>
      %dma_start3A_43 = tpu.memref_squeeze %dma_start3A_42 : memref<1x64xf32, #tpu.memory_space<vmem>> -> memref<64xf32, #tpu.memory_space<vmem>>
      %dma_start3A_44 = arith.constant 0 : i32
      %dma_start3A_45 = tpu.memref_slice %arg3[%get3A_34, %dma_start3A_44] : memref<1000000x64xf32, #tpu.memory_space<hbm>> -> memref<1x64xf32, #tpu.memory_space<hbm>>
      %dma_start3A_46 = tpu.memref_squeeze %dma_start3A_45 : memref<1x64xf32, #tpu.memory_space<hbm>> -> memref<64xf32, #tpu.memory_space<hbm>>
      tpu.enqueue_dma source(%dma_start3A_46 : memref<64xf32, #tpu.memory_space<hbm>>) target(%dma_start3A_43 : memref<64xf32, #tpu.memory_space<vmem>>) target_semaphore(%arg8 : memref<!tpu.dma_semaphore, #tpu.memory_space<semaphore_mem>>)
      %mul3A_47 = arith.constant 32 : i32
      %mul3A_48 = arith.muli %scan3A_12, %mul3A_47 : i32
      %add3A_49 = arith.constant 2 : i32
      %add3A_50 = arith.addi %mul3A_48, %add3A_49 : i32
      %get3A_51 = arith.index_cast %add3A_50 : i32 to index
      %get3A_52 = memref.load %arg6[%get3A_51] : memref<512xi32, #tpu.memory_space<smem>>
      %dma_start3A_53 = arith.constant 0 : i32
      %dma_start3A_54 = tpu.memref_slice %arg7[%add3A_50, %dma_start3A_53] : memref<512x64xf32, #tpu.memory_space<vmem>> -> memref<1x64xf32, #tpu.memory_space<vmem>>
      %dma_start3A_55 = tpu.memref_squeeze %dma_start3A_54 : memref<1x64xf32, #tpu.memory_space<vmem>> -> memref<64xf32, #tpu.memory_space<vmem>>
      %dma_start3A_56 = arith.constant 0 : i32
      %dma_start3A_57 = tpu.memref_slice %arg3[%get3A_52, %dma_start3A_56] : memref<1000000x64xf32, #tpu.memory_space<hbm>> -> memref<1x64xf32, #tpu.memory_space<hbm>>
      %dma_start3A_58 = tpu.memref_squeeze %dma_start3A_57 : memref<1x64xf32, #tpu.memory_space<hbm>> -> memref<64xf32, #tpu.memory_space<hbm>>
      %dma_start3A_59 = arith.constant 0 : i32
      %dma_start3A_60 = tpu.memref_slice %arg7[%add3A_50, %dma_start3A_59] : memref<512x64xf32, #tpu.memory_space<vmem>> -> memref<1x64xf32, #tpu.memory_space<vmem>>
      %dma_start3A_61 = tpu.memref_squeeze %dma_start3A_60 : memref<1x64xf32, #tpu.memory_space<vmem>> -> memref<64xf32, #tpu.memory_space<vmem>>
      %dma_start3A_62 = arith.constant 0 : i32
      %dma_start3A_63 = tpu.memref_slice %arg3[%get3A_52, %dma_start3A_62] : memref<1000000x64xf32, #tpu.memory_space<hbm>> -> memref<1x64xf32, #tpu.memory_space<hbm>>
      %dma_start3A_64 = tpu.memref_squeeze %dma_start3A_63 : memref<1x64xf32, #tpu.memory_space<hbm>> -> memref<64xf32, #tpu.memory_space<hbm>>
      tpu.enqueue_dma source(%dma_start3A_64 : memref<64xf32, #tpu.memory_space<hbm>>) target(%dma_start3A_61 : memref<64xf32, #tpu.memory_space<vmem>>) target_semaphore(%arg8 : memref<!tpu.dma_semaphore, #tpu.memory_space<semaphore_mem>>)
      %mul3A_65 = arith.constant 32 : i32
      %mul3A_66 = arith.muli %scan3A_12, %mul3A_65 : i32
      %add3A_67 = arith.constant 3 : i32
      %add3A_68 = arith.addi %mul3A_66, %add3A_67 : i32
      %get3A_69 = arith.index_cast %add3A_68 : i32 to index
      %get3A_70 = memref.load %arg6[%get3A_69] : memref<512xi32, #tpu.memory_space<smem>>
      %dma_start3A_71 = arith.constant 0 : i32
      %dma_start3A_72 = tpu.memref_slice %arg7[%add3A_68, %dma_start3A_71] : memref<512x64xf32, #tpu.memory_space<vmem>> -> memref<1x64xf32, #tpu.memory_space<vmem>>
      %dma_start3A_73 = tpu.memref_squeeze %dma_start3A_72 : memref<1x64xf32, #tpu.memory_space<vmem>> -> memref<64xf32, #tpu.memory_space<vmem>>
      %dma_start3A_74 = arith.constant 0 : i32
      %dma_start3A_75 = tpu.memref_slice %arg3[%get3A_70, %dma_start3A_74] : memref<1000000x64xf32, #tpu.memory_space<hbm>> -> memref<1x64xf32, #tpu.memory_space<hbm>>
      %dma_start3A_76 = tpu.memref_squeeze %dma_start3A_75 : memref<1x64xf32, #tpu.memory_space<hbm>> -> memref<64xf32, #tpu.memory_space<hbm>>
      %dma_start3A_77 = arith.constant 0 : i32
      %dma_start3A_78 = tpu.memref_slice %arg7[%add3A_68, %dma_start3A_77] : memref<512x64xf32, #tpu.memory_space<vmem>> -> memref<1x64xf32, #tpu.memory_space<vmem>>
      %dma_start3A_79 = tpu.memref_squeeze %dma_start3A_78 : memref<1x64xf32, #tpu.memory_space<vmem>> -> memref<64xf32, #tpu.memory_space<vmem>>
      %dma_start3A_80 = arith.constant 0 : i32
      %dma_start3A_81 = tpu.memref_slice %arg3[%get3A_70, %dma_start3A_80] : memref<1000000x64xf32, #tpu.memory_space<hbm>> -> memref<1x64xf32, #tpu.memory_space<hbm>>
      %dma_start3A_82 = tpu.memref_squeeze %dma_start3A_81 : memref<1x64xf32, #tpu.memory_space<hbm>> -> memref<64xf32, #tpu.memory_space<hbm>>
      tpu.enqueue_dma source(%dma_start3A_82 : memref<64xf32, #tpu.memory_space<hbm>>) target(%dma_start3A_79 : memref<64xf32, #tpu.memory_space<vmem>>) target_semaphore(%arg8 : memref<!tpu.dma_semaphore, #tpu.memory_space<semaphore_mem>>)
      %mul3A_83 = arith.constant 32 : i32
      %mul3A_84 = arith.muli %scan3A_12, %mul3A_83 : i32
      %add3A_85 = arith.constant 4 : i32
      %add3A_86 = arith.addi %mul3A_84, %add3A_85 : i32
      %get3A_87 = arith.index_cast %add3A_86 : i32 to index
      %get3A_88 = memref.load %arg6[%get3A_87] : memref<512xi32, #tpu.memory_space<smem>>
      %dma_start3A_89 = arith.constant 0 : i32
      %dma_start3A_90 = tpu.memref_slice %arg7[%add3A_86, %dma_start3A_89] : memref<512x64xf32, #tpu.memory_space<vmem>> -> memref<1x64xf32, #tpu.memory_space<vmem>>
      %dma_start3A_91 = tpu.memref_squeeze %dma_start3A_90 : memref<1x64xf32, #tpu.memory_space<vmem>> -> memref<64xf32, #tpu.memory_space<vmem>>
      %dma_start3A_92 = arith.constant 0 : i32
      %dma_start3A_93 = tpu.memref_slice %arg3[%get3A_88, %dma_start3A_92] : memref<1000000x64xf32, #tpu.memory_space<hbm>> -> memref<1x64xf32, #tpu.memory_space<hbm>>
      %dma_start3A_94 = tpu.memref_squeeze %dma_start3A_93 : memref<1x64xf32, #tpu.memory_space<hbm>> -> memref<64xf32, #tpu.memory_space<hbm>>
      %dma_start3A_95 = arith.constant 0 : i32
      %dma_start3A_96 = tpu.memref_slice %arg7[%add3A_86, %dma_start3A_95] : memref<512x64xf32, #tpu.memory_space<vmem>> -> memref<1x64xf32, #tpu.memory_space<vmem>>
      %dma_start3A_97 = tpu.memref_squeeze %dma_start3A_96 : memref<1x64xf32, #tpu.memory_space<vmem>> -> memref<64xf32, #tpu.memory_space<vmem>>
      %dma_start3A_98 = arith.constant 0 : i32
      %dma_start3A_99 = tpu.memref_slice %arg3[%get3A_88, %dma_start3A_98] : memref<1000000x64xf32, #tpu.memory_space<hbm>> -> memref<1x64xf32, #tpu.memory_space<hbm>>
      %dma_start3A_100 = tpu.memref_squeeze %dma_start3A_99 : memref<1x64xf32, #tpu.memory_space<hbm>> -> memref<64xf32, #tpu.memory_space<hbm>>
      tpu.enqueue_dma source(%dma_start3A_100 : memref<64xf32, #tpu.memory_space<hbm>>) target(%dma_start3A_97 : memref<64xf32, #tpu.memory_space<vmem>>) target_semaphore(%arg8 : memref<!tpu.dma_semaphore, #tpu.memory_space<semaphore_mem>>)
      %mul3A_101 = arith.constant 32 : i32
      %mul3A_102 = arith.muli %scan3A_12, %mul3A_101 : i32
      %add3A_103 = arith.constant 5 : i32
      %add3A_104 = arith.addi %mul3A_102, %add3A_103 : i32
      %get3A_105 = arith.index_cast %add3A_104 : i32 to index
      %get3A_106 = memref.load %arg6[%get3A_105] : memref<512xi32, #tpu.memory_space<smem>>
      %dma_start3A_107 = arith.constant 0 : i32
      %dma_start3A_108 = tpu.memref_slice %arg7[%add3A_104, %dma_start3A_107] : memref<512x64xf32, #tpu.memory_space<vmem>> -> memref<1x64xf32, #tpu.memory_space<vmem>>
      %dma_start3A_109 = tpu.memref_squeeze %dma_start3A_108 : memref<1x64xf32, #tpu.memory_space<vmem>> -> memref<64xf32, #tpu.memory_space<vmem>>
      %dma_start3A_110 = arith.constant 0 : i32
      %dma_start3A_111 = tpu.memref_slice %arg3[%get3A_106, %dma_start3A_110] : memref<1000000x64xf32, #tpu.memory_space<hbm>> -> memref<1x64xf32, #tpu.memory_space<hbm>>
      %dma_start3A_112 = tpu.memref_squeeze %dma_start3A_111 : memref<1x64xf32, #tpu.memory_space<hbm>> -> memref<64xf32, #tpu.memory_space<hbm>>
      %dma_start3A_113 = arith.constant 0 : i32
      %dma_start3A_114 = tpu.memref_slice %arg7[%add3A_104, %dma_start3A_113] : memref<512x64xf32, #tpu.memory_space<vmem>> -> memref<1x64xf32, #tpu.memory_space<vmem>>
      %dma_start3A_115 = tpu.memref_squeeze %dma_start3A_114 : memref<1x64xf32, #tpu.memory_space<vmem>> -> memref<64xf32, #tpu.memory_space<vmem>>
      %dma_start3A_116 = arith.constant 0 : i32
      %dma_start3A_117 = tpu.memref_slice %arg3[%get3A_106, %dma_start3A_116] : memref<1000000x64xf32, #tpu.memory_space<hbm>> -> memref<1x64xf32, #tpu.memory_space<hbm>>
      %dma_start3A_118 = tpu.memref_squeeze %dma_start3A_117 : memref<1x64xf32, #tpu.memory_space<hbm>> -> memref<64xf32, #tpu.memory_space<hbm>>
      tpu.enqueue_dma source(%dma_start3A_118 : memref<64xf32, #tpu.memory_space<hbm>>) target(%dma_start3A_115 : memref<64xf32, #tpu.memory_space<vmem>>) target_semaphore(%arg8 : memref<!tpu.dma_semaphore, #tpu.memory_space<semaphore_mem>>)
      %mul3A_119 = arith.constant 32 : i32
      %mul3A_120 = arith.muli %scan3A_12, %mul3A_119 : i32
      %add3A_121 = arith.constant 6 : i32
      %add3A_122 = arith.addi %mul3A_120, %add3A_121 : i32
      %get3A_123 = arith.index_cast %add3A_122 : i32 to index
      %get3A_124 = memref.load %arg6[%get3A_123] : memref<512xi32, #tpu.memory_space<smem>>
      %dma_start3A_125 = arith.constant 0 : i32
      %dma_start3A_126 = tpu.memref_slice %arg7[%add3A_122, %dma_start3A_125] : memref<512x64xf32, #tpu.memory_space<vmem>> -> memref<1x64xf32, #tpu.memory_space<vmem>>
      %dma_start3A_127 = tpu.memref_squeeze %dma_start3A_126 : memref<1x64xf32, #tpu.memory_space<vmem>> -> memref<64xf32, #tpu.memory_space<vmem>>
      %dma_start3A_128 = arith.constant 0 : i32
      %dma_start3A_129 = tpu.memref_slice %arg3[%get3A_124, %dma_start3A_128] : memref<1000000x64xf32, #tpu.memory_space<hbm>> -> memref<1x64xf32, #tpu.memory_space<hbm>>
      %dma_start3A_130 = tpu.memref_squeeze %dma_start3A_129 : memref<1x64xf32, #tpu.memory_space<hbm>> -> memref<64xf32, #tpu.memory_space<hbm>>
      %dma_start3A_131 = arith.constant 0 : i32
      %dma_start3A_132 = tpu.memref_slice %arg7[%add3A_122, %dma_start3A_131] : memref<512x64xf32, #tpu.memory_space<vmem>> -> memref<1x64xf32, #tpu.memory_space<vmem>>
      %dma_start3A_133 = tpu.memref_squeeze %dma_start3A_132 : memref<1x64xf32, #tpu.memory_space<vmem>> -> memref<64xf32, #tpu.memory_space<vmem>>
      %dma_start3A_134 = arith.constant 0 : i32
      %dma_start3A_135 = tpu.memref_slice %arg3[%get3A_124, %dma_start3A_134] : memref<1000000x64xf32, #tpu.memory_space<hbm>> -> memref<1x64xf32, #tpu.memory_space<hbm>>
      %dma_start3A_136 = tpu.memref_squeeze %dma_start3A_135 : memref<1x64xf32, #tpu.memory_space<hbm>> -> memref<64xf32, #tpu.memory_space<hbm>>
      tpu.enqueue_dma source(%dma_start3A_136 : memref<64xf32, #tpu.memory_space<hbm>>) target(%dma_start3A_133 : memref<64xf32, #tpu.memory_space<vmem>>) target_semaphore(%arg8 : memref<!tpu.dma_semaphore, #tpu.memory_space<semaphore_mem>>)
      %mul3A_137 = arith.constant 32 : i32
      %mul3A_138 = arith.muli %scan3A_12, %mul3A_137 : i32
      %add3A_139 = arith.constant 7 : i32
      %add3A_140 = arith.addi %mul3A_138, %add3A_139 : i32
      %get3A_141 = arith.index_cast %add3A_140 : i32 to index
      %get3A_142 = memref.load %arg6[%get3A_141] : memref<512xi32, #tpu.memory_space<smem>>
      %dma_start3A_143 = arith.constant 0 : i32
      %dma_start3A_144 = tpu.memref_slice %arg7[%add3A_140, %dma_start3A_143] : memref<512x64xf32, #tpu.memory_space<vmem>> -> memref<1x64xf32, #tpu.memory_space<vmem>>
      %dma_start3A_145 = tpu.memref_squeeze %dma_start3A_144 : memref<1x64xf32, #tpu.memory_space<vmem>> -> memref<64xf32, #tpu.memory_space<vmem>>
      %dma_start3A_146 = arith.constant 0 : i32
      %dma_start3A_147 = tpu.memref_slice %arg3[%get3A_142, %dma_start3A_146] : memref<1000000x64xf32, #tpu.memory_space<hbm>> -> memref<1x64xf32, #tpu.memory_space<hbm>>
      %dma_start3A_148 = tpu.memref_squeeze %dma_start3A_147 : memref<1x64xf32, #tpu.memory_space<hbm>> -> memref<64xf32, #tpu.memory_space<hbm>>
      %dma_start3A_149 = arith.constant 0 : i32
      %dma_start3A_150 = tpu.memref_slice %arg7[%add3A_140, %dma_start3A_149] : memref<512x64xf32, #tpu.memory_space<vmem>> -> memref<1x64xf32, #tpu.memory_space<vmem>>
      %dma_start3A_151 = tpu.memref_squeeze %dma_start3A_150 : memref<1x64xf32, #tpu.memory_space<vmem>> -> memref<64xf32, #tpu.memory_space<vmem>>
      %dma_start3A_152 = arith.constant 0 : i32
      %dma_start3A_153 = tpu.memref_slice %arg3[%get3A_142, %dma_start3A_152] : memref<1000000x64xf32, #tpu.memory_space<hbm>> -> memref<1x64xf32, #tpu.memory_space<hbm>>
      %dma_start3A_154 = tpu.memref_squeeze %dma_start3A_153 : memref<1x64xf32, #tpu.memory_space<hbm>> -> memref<64xf32, #tpu.memory_space<hbm>>
      tpu.enqueue_dma source(%dma_start3A_154 : memref<64xf32, #tpu.memory_space<hbm>>) target(%dma_start3A_151 : memref<64xf32, #tpu.memory_space<vmem>>) target_semaphore(%arg8 : memref<!tpu.dma_semaphore, #tpu.memory_space<semaphore_mem>>)
      %mul3A_155 = arith.constant 32 : i32
      %mul3A_156 = arith.muli %scan3A_12, %mul3A_155 : i32
      %add3A_157 = arith.constant 8 : i32
      %add3A_158 = arith.addi %mul3A_156, %add3A_157 : i32
      %get3A_159 = arith.index_cast %add3A_158 : i32 to index
      %get3A_160 = memref.load %arg6[%get3A_159] : memref<512xi32, #tpu.memory_space<smem>>
      %dma_start3A_161 = arith.constant 0 : i32
      %dma_start3A_162 = tpu.memref_slice %arg7[%add3A_158, %dma_start3A_161] : memref<512x64xf32, #tpu.memory_space<vmem>> -> memref<1x64xf32, #tpu.memory_space<vmem>>
      %dma_start3A_163 = tpu.memref_squeeze %dma_start3A_162 : memref<1x64xf32, #tpu.memory_space<vmem>> -> memref<64xf32, #tpu.memory_space<vmem>>
      %dma_start3A_164 = arith.constant 0 : i32
      %dma_start3A_165 = tpu.memref_slice %arg3[%get3A_160, %dma_start3A_164] : memref<1000000x64xf32, #tpu.memory_space<hbm>> -> memref<1x64xf32, #tpu.memory_space<hbm>>
      %dma_start3A_166 = tpu.memref_squeeze %dma_start3A_165 : memref<1x64xf32, #tpu.memory_space<hbm>> -> memref<64xf32, #tpu.memory_space<hbm>>
      %dma_start3A_167 = arith.constant 0 : i32
      %dma_start3A_168 = tpu.memref_slice %arg7[%add3A_158, %dma_start3A_167] : memref<512x64xf32, #tpu.memory_space<vmem>> -> memref<1x64xf32, #tpu.memory_space<vmem>>
      %dma_start3A_169 = tpu.memref_squeeze %dma_start3A_168 : memref<1x64xf32, #tpu.memory_space<vmem>> -> memref<64xf32, #tpu.memory_space<vmem>>
      %dma_start3A_170 = arith.constant 0 : i32
      %dma_start3A_171 = tpu.memref_slice %arg3[%get3A_160, %dma_start3A_170] : memref<1000000x64xf32, #tpu.memory_space<hbm>> -> memref<1x64xf32, #tpu.memory_space<hbm>>
      %dma_start3A_172 = tpu.memref_squeeze %dma_start3A_171 : memref<1x64xf32, #tpu.memory_space<hbm>> -> memref<64xf32, #tpu.memory_space<hbm>>
      tpu.enqueue_dma source(%dma_start3A_172 : memref<64xf32, #tpu.memory_space<hbm>>) target(%dma_start3A_169 : memref<64xf32, #tpu.memory_space<vmem>>) target_semaphore(%arg8 : memref<!tpu.dma_semaphore, #tpu.memory_space<semaphore_mem>>)
      %mul3A_173 = arith.constant 32 : i32
      %mul3A_174 = arith.muli %scan3A_12, %mul3A_173 : i32
      %add3A_175 = arith.constant 9 : i32
      %add3A_176 = arith.addi %mul3A_174, %add3A_175 : i32
      %get3A_177 = arith.index_cast %add3A_176 : i32 to index
      %get3A_178 = memref.load %arg6[%get3A_177] : memref<512xi32, #tpu.memory_space<smem>>
      %dma_start3A_179 = arith.constant 0 : i32
      %dma_start3A_180 = tpu.memref_slice %arg7[%add3A_176, %dma_start3A_179] : memref<512x64xf32, #tpu.memory_space<vmem>> -> memref<1x64xf32, #tpu.memory_space<vmem>>
      %dma_start3A_181 = tpu.memref_squeeze %dma_start3A_180 : memref<1x64xf32, #tpu.memory_space<vmem>> -> memref<64xf32, #tpu.memory_space<vmem>>
      %dma_start3A_182 = arith.constant 0 : i32
      %dma_start3A_183 = tpu.memref_slice %arg3[%get3A_178, %dma_start3A_182] : memref<1000000x64xf32, #tpu.memory_space<hbm>> -> memref<1x64xf32, #tpu.memory_space<hbm>>
      %dma_start3A_184 = tpu.memref_squeeze %dma_start3A_183 : memref<1x64xf32, #tpu.memory_space<hbm>> -> memref<64xf32, #tpu.memory_space<hbm>>
      %dma_start3A_185 = arith.constant 0 : i32
      %dma_start3A_186 = tpu.memref_slice %arg7[%add3A_176, %dma_start3A_185] : memref<512x64xf32, #tpu.memory_space<vmem>> -> memref<1x64xf32, #tpu.memory_space<vmem>>
      %dma_start3A_187 = tpu.memref_squeeze %dma_start3A_186 : memref<1x64xf32, #tpu.memory_space<vmem>> -> memref<64xf32, #tpu.memory_space<vmem>>
      %dma_start3A_188 = arith.constant 0 : i32
      %dma_start3A_189 = tpu.memref_slice %arg3[%get3A_178, %dma_start3A_188] : memref<1000000x64xf32, #tpu.memory_space<hbm>> -> memref<1x64xf32, #tpu.memory_space<hbm>>
      %dma_start3A_190 = tpu.memref_squeeze %dma_start3A_189 : memref<1x64xf32, #tpu.memory_space<hbm>> -> memref<64xf32, #tpu.memory_space<hbm>>
      tpu.enqueue_dma source(%dma_start3A_190 : memref<64xf32, #tpu.memory_space<hbm>>) target(%dma_start3A_187 : memref<64xf32, #tpu.memory_space<vmem>>) target_semaphore(%arg8 : memref<!tpu.dma_semaphore, #tpu.memory_space<semaphore_mem>>)
      %mul3A_191 = arith.constant 32 : i32
      %mul3A_192 = arith.muli %scan3A_12, %mul3A_191 : i32
      %add3A_193 = arith.constant 10 : i32
      %add3A_194 = arith.addi %mul3A_192, %add3A_193 : i32
      %get3A_195 = arith.index_cast %add3A_194 : i32 to index
      %get3A_196 = memref.load %arg6[%get3A_195] : memref<512xi32, #tpu.memory_space<smem>>
      %dma_start3A_197 = arith.constant 0 : i32
      %dma_start3A_198 = tpu.memref_slice %arg7[%add3A_194, %dma_start3A_197] : memref<512x64xf32, #tpu.memory_space<vmem>> -> memref<1x64xf32, #tpu.memory_space<vmem>>
      %dma_start3A_199 = tpu.memref_squeeze %dma_start3A_198 : memref<1x64xf32, #tpu.memory_space<vmem>> -> memref<64xf32, #tpu.memory_space<vmem>>
      %dma_start3A_200 = arith.constant 0 : i32
      %dma_start3A_201 = tpu.memref_slice %arg3[%get3A_196, %dma_start3A_200] : memref<1000000x64xf32, #tpu.memory_space<hbm>> -> memref<1x64xf32, #tpu.memory_space<hbm>>
      %dma_start3A_202 = tpu.memref_squeeze %dma_start3A_201 : memref<1x64xf32, #tpu.memory_space<hbm>> -> memref<64xf32, #tpu.memory_space<hbm>>
      %dma_start3A_203 = arith.constant 0 : i32
      %dma_start3A_204 = tpu.memref_slice %arg7[%add3A_194, %dma_start3A_203] : memref<512x64xf32, #tpu.memory_space<vmem>> -> memref<1x64xf32, #tpu.memory_space<vmem>>
      %dma_start3A_205 = tpu.memref_squeeze %dma_start3A_204 : memref<1x64xf32, #tpu.memory_space<vmem>> -> memref<64xf32, #tpu.memory_space<vmem>>
      %dma_start3A_206 = arith.constant 0 : i32
      %dma_start3A_207 = tpu.memref_slice %arg3[%get3A_196, %dma_start3A_206] : memref<1000000x64xf32, #tpu.memory_space<hbm>> -> memref<1x64xf32, #tpu.memory_space<hbm>>
      %dma_start3A_208 = tpu.memref_squeeze %dma_start3A_207 : memref<1x64xf32, #tpu.memory_space<hbm>> -> memref<64xf32, #tpu.memory_space<hbm>>
      tpu.enqueue_dma source(%dma_start3A_208 : memref<64xf32, #tpu.memory_space<hbm>>) target(%dma_start3A_205 : memref<64xf32, #tpu.memory_space<vmem>>) target_semaphore(%arg8 : memref<!tpu.dma_semaphore, #tpu.memory_space<semaphore_mem>>)
      %mul3A_209 = arith.constant 32 : i32
      %mul3A_210 = arith.muli %scan3A_12, %mul3A_209 : i32
      %add3A_211 = arith.constant 11 : i32
      %add3A_212 = arith.addi %mul3A_210, %add3A_211 : i32
      %get3A_213 = arith.index_cast %add3A_212 : i32 to index
      %get3A_214 = memref.load %arg6[%get3A_213] : memref<512xi32, #tpu.memory_space<smem>>
      %dma_start3A_215 = arith.constant 0 : i32
      %dma_start3A_216 = tpu.memref_slice %arg7[%add3A_212, %dma_start3A_215] : memref<512x64xf32, #tpu.memory_space<vmem>> -> memref<1x64xf32, #tpu.memory_space<vmem>>
      %dma_start3A_217 = tpu.memref_squeeze %dma_start3A_216 : memref<1x64xf32, #tpu.memory_space<vmem>> -> memref<64xf32, #tpu.memory_space<vmem>>
      %dma_start3A_218 = arith.constant 0 : i32
      %dma_start3A_219 = tpu.memref_slice %arg3[%get3A_214, %dma_start3A_218] : memref<1000000x64xf32, #tpu.memory_space<hbm>> -> memref<1x64xf32, #tpu.memory_space<hbm>>
      %dma_start3A_220 = tpu.memref_squeeze %dma_start3A_219 : memref<1x64xf32, #tpu.memory_space<hbm>> -> memref<64xf32, #tpu.memory_space<hbm>>
      %dma_start3A_221 = arith.constant 0 : i32
      %dma_start3A_222 = tpu.memref_slice %arg7[%add3A_212, %dma_start3A_221] : memref<512x64xf32, #tpu.memory_space<vmem>> -> memref<1x64xf32, #tpu.memory_space<vmem>>
      %dma_start3A_223 = tpu.memref_squeeze %dma_start3A_222 : memref<1x64xf32, #tpu.memory_space<vmem>> -> memref<64xf32, #tpu.memory_space<vmem>>
      %dma_start3A_224 = arith.constant 0 : i32
      %dma_start3A_225 = tpu.memref_slice %arg3[%get3A_214, %dma_start3A_224] : memref<1000000x64xf32, #tpu.memory_space<hbm>> -> memref<1x64xf32, #tpu.memory_space<hbm>>
      %dma_start3A_226 = tpu.memref_squeeze %dma_start3A_225 : memref<1x64xf32, #tpu.memory_space<hbm>> -> memref<64xf32, #tpu.memory_space<hbm>>
      tpu.enqueue_dma source(%dma_start3A_226 : memref<64xf32, #tpu.memory_space<hbm>>) target(%dma_start3A_223 : memref<64xf32, #tpu.memory_space<vmem>>) target_semaphore(%arg8 : memref<!tpu.dma_semaphore, #tpu.memory_space<semaphore_mem>>)
      %mul3A_227 = arith.constant 32 : i32
      %mul3A_228 = arith.muli %scan3A_12, %mul3A_227 : i32
      %add3A_229 = arith.constant 12 : i32
      %add3A_230 = arith.addi %mul3A_228, %add3A_229 : i32
      %get3A_231 = arith.index_cast %add3A_230 : i32 to index
      %get3A_232 = memref.load %arg6[%get3A_231] : memref<512xi32, #tpu.memory_space<smem>>
      %dma_start3A_233 = arith.constant 0 : i32
      %dma_start3A_234 = tpu.memref_slice %arg7[%add3A_230, %dma_start3A_233] : memref<512x64xf32, #tpu.memory_space<vmem>> -> memref<1x64xf32, #tpu.memory_space<vmem>>
      %dma_start3A_235 = tpu.memref_squeeze %dma_start3A_234 : memref<1x64xf32, #tpu.memory_space<vmem>> -> memref<64xf32, #tpu.memory_space<vmem>>
      %dma_start3A_236 = arith.constant 0 : i32
      %dma_start3A_237 = tpu.memref_slice %arg3[%get3A_232, %dma_start3A_236] : memref<1000000x64xf32, #tpu.memory_space<hbm>> -> memref<1x64xf32, #tpu.memory_space<hbm>>
      %dma_start3A_238 = tpu.memref_squeeze %dma_start3A_237 : memref<1x64xf32, #tpu.memory_space<hbm>> -> memref<64xf32, #tpu.memory_space<hbm>>
      %dma_start3A_239 = arith.constant 0 : i32
      %dma_start3A_240 = tpu.memref_slice %arg7[%add3A_230, %dma_start3A_239] : memref<512x64xf32, #tpu.memory_space<vmem>> -> memref<1x64xf32, #tpu.memory_space<vmem>>
      %dma_start3A_241 = tpu.memref_squeeze %dma_start3A_240 : memref<1x64xf32, #tpu.memory_space<vmem>> -> memref<64xf32, #tpu.memory_space<vmem>>
      %dma_start3A_242 = arith.constant 0 : i32
      %dma_start3A_243 = tpu.memref_slice %arg3[%get3A_232, %dma_start3A_242] : memref<1000000x64xf32, #tpu.memory_space<hbm>> -> memref<1x64xf32, #tpu.memory_space<hbm>>
      %dma_start3A_244 = tpu.memref_squeeze %dma_start3A_243 : memref<1x64xf32, #tpu.memory_space<hbm>> -> memref<64xf32, #tpu.memory_space<hbm>>
      tpu.enqueue_dma source(%dma_start3A_244 : memref<64xf32, #tpu.memory_space<hbm>>) target(%dma_start3A_241 : memref<64xf32, #tpu.memory_space<vmem>>) target_semaphore(%arg8 : memref<!tpu.dma_semaphore, #tpu.memory_space<semaphore_mem>>)
      %mul3A_245 = arith.constant 32 : i32
      %mul3A_246 = arith.muli %scan3A_12, %mul3A_245 : i32
      %add3A_247 = arith.constant 13 : i32
      %add3A_248 = arith.addi %mul3A_246, %add3A_247 : i32
      %get3A_249 = arith.index_cast %add3A_248 : i32 to index
      %get3A_250 = memref.load %arg6[%get3A_249] : memref<512xi32, #tpu.memory_space<smem>>
      %dma_start3A_251 = arith.constant 0 : i32
      %dma_start3A_252 = tpu.memref_slice %arg7[%add3A_248, %dma_start3A_251] : memref<512x64xf32, #tpu.memory_space<vmem>> -> memref<1x64xf32, #tpu.memory_space<vmem>>
      %dma_start3A_253 = tpu.memref_squeeze %dma_start3A_252 : memref<1x64xf32, #tpu.memory_space<vmem>> -> memref<64xf32, #tpu.memory_space<vmem>>
      %dma_start3A_254 = arith.constant 0 : i32
      %dma_start3A_255 = tpu.memref_slice %arg3[%get3A_250, %dma_start3A_254] : memref<1000000x64xf32, #tpu.memory_space<hbm>> -> memref<1x64xf32, #tpu.memory_space<hbm>>
      %dma_start3A_256 = tpu.memref_squeeze %dma_start3A_255 : memref<1x64xf32, #tpu.memory_space<hbm>> -> memref<64xf32, #tpu.memory_space<hbm>>
      %dma_start3A_257 = arith.constant 0 : i32
      %dma_start3A_258 = tpu.memref_slice %arg7[%add3A_248, %dma_start3A_257] : memref<512x64xf32, #tpu.memory_space<vmem>> -> memref<1x64xf32, #tpu.memory_space<vmem>>
      %dma_start3A_259 = tpu.memref_squeeze %dma_start3A_258 : memref<1x64xf32, #tpu.memory_space<vmem>> -> memref<64xf32, #tpu.memory_space<vmem>>
      %dma_start3A_260 = arith.constant 0 : i32
      %dma_start3A_261 = tpu.memref_slice %arg3[%get3A_250, %dma_start3A_260] : memref<1000000x64xf32, #tpu.memory_space<hbm>> -> memref<1x64xf32, #tpu.memory_space<hbm>>
      %dma_start3A_262 = tpu.memref_squeeze %dma_start3A_261 : memref<1x64xf32, #tpu.memory_space<hbm>> -> memref<64xf32, #tpu.memory_space<hbm>>
      tpu.enqueue_dma source(%dma_start3A_262 : memref<64xf32, #tpu.memory_space<hbm>>) target(%dma_start3A_259 : memref<64xf32, #tpu.memory_space<vmem>>) target_semaphore(%arg8 : memref<!tpu.dma_semaphore, #tpu.memory_space<semaphore_mem>>)
      %mul3A_263 = arith.constant 32 : i32
      %mul3A_264 = arith.muli %scan3A_12, %mul3A_263 : i32
      %add3A_265 = arith.constant 14 : i32
      %add3A_266 = arith.addi %mul3A_264, %add3A_265 : i32
      %get3A_267 = arith.index_cast %add3A_266 : i32 to index
      %get3A_268 = memref.load %arg6[%get3A_267] : memref<512xi32, #tpu.memory_space<smem>>
      %dma_start3A_269 = arith.constant 0 : i32
      %dma_start3A_270 = tpu.memref_slice %arg7[%add3A_266, %dma_start3A_269] : memref<512x64xf32, #tpu.memory_space<vmem>> -> memref<1x64xf32, #tpu.memory_space<vmem>>
      %dma_start3A_271 = tpu.memref_squeeze %dma_start3A_270 : memref<1x64xf32, #tpu.memory_space<vmem>> -> memref<64xf32, #tpu.memory_space<vmem>>
      %dma_start3A_272 = arith.constant 0 : i32
      %dma_start3A_273 = tpu.memref_slice %arg3[%get3A_268, %dma_start3A_272] : memref<1000000x64xf32, #tpu.memory_space<hbm>> -> memref<1x64xf32, #tpu.memory_space<hbm>>
      %dma_start3A_274 = tpu.memref_squeeze %dma_start3A_273 : memref<1x64xf32, #tpu.memory_space<hbm>> -> memref<64xf32, #tpu.memory_space<hbm>>
      %dma_start3A_275 = arith.constant 0 : i32
      %dma_start3A_276 = tpu.memref_slice %arg7[%add3A_266, %dma_start3A_275] : memref<512x64xf32, #tpu.memory_space<vmem>> -> memref<1x64xf32, #tpu.memory_space<vmem>>
      %dma_start3A_277 = tpu.memref_squeeze %dma_start3A_276 : memref<1x64xf32, #tpu.memory_space<vmem>> -> memref<64xf32, #tpu.memory_space<vmem>>
      %dma_start3A_278 = arith.constant 0 : i32
      %dma_start3A_279 = tpu.memref_slice %arg3[%get3A_268, %dma_start3A_278] : memref<1000000x64xf32, #tpu.memory_space<hbm>> -> memref<1x64xf32, #tpu.memory_space<hbm>>
      %dma_start3A_280 = tpu.memref_squeeze %dma_start3A_279 : memref<1x64xf32, #tpu.memory_space<hbm>> -> memref<64xf32, #tpu.memory_space<hbm>>
      tpu.enqueue_dma source(%dma_start3A_280 : memref<64xf32, #tpu.memory_space<hbm>>) target(%dma_start3A_277 : memref<64xf32, #tpu.memory_space<vmem>>) target_semaphore(%arg8 : memref<!tpu.dma_semaphore, #tpu.memory_space<semaphore_mem>>)
      %mul3A_281 = arith.constant 32 : i32
      %mul3A_282 = arith.muli %scan3A_12, %mul3A_281 : i32
      %add3A_283 = arith.constant 15 : i32
      %add3A_284 = arith.addi %mul3A_282, %add3A_283 : i32
      %get3A_285 = arith.index_cast %add3A_284 : i32 to index
      %get3A_286 = memref.load %arg6[%get3A_285] : memref<512xi32, #tpu.memory_space<smem>>
      %dma_start3A_287 = arith.constant 0 : i32
      %dma_start3A_288 = tpu.memref_slice %arg7[%add3A_284, %dma_start3A_287] : memref<512x64xf32, #tpu.memory_space<vmem>> -> memref<1x64xf32, #tpu.memory_space<vmem>>
      %dma_start3A_289 = tpu.memref_squeeze %dma_start3A_288 : memref<1x64xf32, #tpu.memory_space<vmem>> -> memref<64xf32, #tpu.memory_space<vmem>>
      %dma_start3A_290 = arith.constant 0 : i32
      %dma_start3A_291 = tpu.memref_slice %arg3[%get3A_286, %dma_start3A_290] : memref<1000000x64xf32, #tpu.memory_space<hbm>> -> memref<1x64xf32, #tpu.memory_space<hbm>>
      %dma_start3A_292 = tpu.memref_squeeze %dma_start3A_291 : memref<1x64xf32, #tpu.memory_space<hbm>> -> memref<64xf32, #tpu.memory_space<hbm>>
      %dma_start3A_293 = arith.constant 0 : i32
      %dma_start3A_294 = tpu.memref_slice %arg7[%add3A_284, %dma_start3A_293] : memref<512x64xf32, #tpu.memory_space<vmem>> -> memref<1x64xf32, #tpu.memory_space<vmem>>
      %dma_start3A_295 = tpu.memref_squeeze %dma_start3A_294 : memref<1x64xf32, #tpu.memory_space<vmem>> -> memref<64xf32, #tpu.memory_space<vmem>>
      %dma_start3A_296 = arith.constant 0 : i32
      %dma_start3A_297 = tpu.memref_slice %arg3[%get3A_286, %dma_start3A_296] : memref<1000000x64xf32, #tpu.memory_space<hbm>> -> memref<1x64xf32, #tpu.memory_space<hbm>>
      %dma_start3A_298 = tpu.memref_squeeze %dma_start3A_297 : memref<1x64xf32, #tpu.memory_space<hbm>> -> memref<64xf32, #tpu.memory_space<hbm>>
      tpu.enqueue_dma source(%dma_start3A_298 : memref<64xf32, #tpu.memory_space<hbm>>) target(%dma_start3A_295 : memref<64xf32, #tpu.memory_space<vmem>>) target_semaphore(%arg8 : memref<!tpu.dma_semaphore, #tpu.memory_space<semaphore_mem>>)
      %mul3A_299 = arith.constant 32 : i32
      %mul3A_300 = arith.muli %scan3A_12, %mul3A_299 : i32
      %add3A_301 = arith.constant 16 : i32
      %add3A_302 = arith.addi %mul3A_300, %add3A_301 : i32
      %get3A_303 = arith.index_cast %add3A_302 : i32 to index
      %get3A_304 = memref.load %arg6[%get3A_303] : memref<512xi32, #tpu.memory_space<smem>>
      %dma_start3A_305 = arith.constant 0 : i32
      %dma_start3A_306 = tpu.memref_slice %arg7[%add3A_302, %dma_start3A_305] : memref<512x64xf32, #tpu.memory_space<vmem>> -> memref<1x64xf32, #tpu.memory_space<vmem>>
      %dma_start3A_307 = tpu.memref_squeeze %dma_start3A_306 : memref<1x64xf32, #tpu.memory_space<vmem>> -> memref<64xf32, #tpu.memory_space<vmem>>
      %dma_start3A_308 = arith.constant 0 : i32
      %dma_start3A_309 = tpu.memref_slice %arg3[%get3A_304, %dma_start3A_308] : memref<1000000x64xf32, #tpu.memory_space<hbm>> -> memref<1x64xf32, #tpu.memory_space<hbm>>
      %dma_start3A_310 = tpu.memref_squeeze %dma_start3A_309 : memref<1x64xf32, #tpu.memory_space<hbm>> -> memref<64xf32, #tpu.memory_space<hbm>>
      %dma_start3A_311 = arith.constant 0 : i32
      %dma_start3A_312 = tpu.memref_slice %arg7[%add3A_302, %dma_start3A_311] : memref<512x64xf32, #tpu.memory_space<vmem>> -> memref<1x64xf32, #tpu.memory_space<vmem>>
      %dma_start3A_313 = tpu.memref_squeeze %dma_start3A_312 : memref<1x64xf32, #tpu.memory_space<vmem>> -> memref<64xf32, #tpu.memory_space<vmem>>
      %dma_start3A_314 = arith.constant 0 : i32
      %dma_start3A_315 = tpu.memref_slice %arg3[%get3A_304, %dma_start3A_314] : memref<1000000x64xf32, #tpu.memory_space<hbm>> -> memref<1x64xf32, #tpu.memory_space<hbm>>
      %dma_start3A_316 = tpu.memref_squeeze %dma_start3A_315 : memref<1x64xf32, #tpu.memory_space<hbm>> -> memref<64xf32, #tpu.memory_space<hbm>>
      tpu.enqueue_dma source(%dma_start3A_316 : memref<64xf32, #tpu.memory_space<hbm>>) target(%dma_start3A_313 : memref<64xf32, #tpu.memory_space<vmem>>) target_semaphore(%arg8 : memref<!tpu.dma_semaphore, #tpu.memory_space<semaphore_mem>>)
      %mul3A_317 = arith.constant 32 : i32
      %mul3A_318 = arith.muli %scan3A_12, %mul3A_317 : i32
      %add3A_319 = arith.constant 17 : i32
      %add3A_320 = arith.addi %mul3A_318, %add3A_319 : i32
      %get3A_321 = arith.index_cast %add3A_320 : i32 to index
      %get3A_322 = memref.load %arg6[%get3A_321] : memref<512xi32, #tpu.memory_space<smem>>
      %dma_start3A_323 = arith.constant 0 : i32
      %dma_start3A_324 = tpu.memref_slice %arg7[%add3A_320, %dma_start3A_323] : memref<512x64xf32, #tpu.memory_space<vmem>> -> memref<1x64xf32, #tpu.memory_space<vmem>>
      %dma_start3A_325 = tpu.memref_squeeze %dma_start3A_324 : memref<1x64xf32, #tpu.memory_space<vmem>> -> memref<64xf32, #tpu.memory_space<vmem>>
      %dma_start3A_326 = arith.constant 0 : i32
      %dma_start3A_327 = tpu.memref_slice %arg3[%get3A_322, %dma_start3A_326] : memref<1000000x64xf32, #tpu.memory_space<hbm>> -> memref<1x64xf32, #tpu.memory_space<hbm>>
      %dma_start3A_328 = tpu.memref_squeeze %dma_start3A_327 : memref<1x64xf32, #tpu.memory_space<hbm>> -> memref<64xf32, #tpu.memory_space<hbm>>
      %dma_start3A_329 = arith.constant 0 : i32
      %dma_start3A_330 = tpu.memref_slice %arg7[%add3A_320, %dma_start3A_329] : memref<512x64xf32, #tpu.memory_space<vmem>> -> memref<1x64xf32, #tpu.memory_space<vmem>>
      %dma_start3A_331 = tpu.memref_squeeze %dma_start3A_330 : memref<1x64xf32, #tpu.memory_space<vmem>> -> memref<64xf32, #tpu.memory_space<vmem>>
      %dma_start3A_332 = arith.constant 0 : i32
      %dma_start3A_333 = tpu.memref_slice %arg3[%get3A_322, %dma_start3A_332] : memref<1000000x64xf32, #tpu.memory_space<hbm>> -> memref<1x64xf32, #tpu.memory_space<hbm>>
      %dma_start3A_334 = tpu.memref_squeeze %dma_start3A_333 : memref<1x64xf32, #tpu.memory_space<hbm>> -> memref<64xf32, #tpu.memory_space<hbm>>
      tpu.enqueue_dma source(%dma_start3A_334 : memref<64xf32, #tpu.memory_space<hbm>>) target(%dma_start3A_331 : memref<64xf32, #tpu.memory_space<vmem>>) target_semaphore(%arg8 : memref<!tpu.dma_semaphore, #tpu.memory_space<semaphore_mem>>)
      %mul3A_335 = arith.constant 32 : i32
      %mul3A_336 = arith.muli %scan3A_12, %mul3A_335 : i32
      %add3A_337 = arith.constant 18 : i32
      %add3A_338 = arith.addi %mul3A_336, %add3A_337 : i32
      %get3A_339 = arith.index_cast %add3A_338 : i32 to index
      %get3A_340 = memref.load %arg6[%get3A_339] : memref<512xi32, #tpu.memory_space<smem>>
      %dma_start3A_341 = arith.constant 0 : i32
      %dma_start3A_342 = tpu.memref_slice %arg7[%add3A_338, %dma_start3A_341] : memref<512x64xf32, #tpu.memory_space<vmem>> -> memref<1x64xf32, #tpu.memory_space<vmem>>
      %dma_start3A_343 = tpu.memref_squeeze %dma_start3A_342 : memref<1x64xf32, #tpu.memory_space<vmem>> -> memref<64xf32, #tpu.memory_space<vmem>>
      %dma_start3A_344 = arith.constant 0 : i32
      %dma_start3A_345 = tpu.memref_slice %arg3[%get3A_340, %dma_start3A_344] : memref<1000000x64xf32, #tpu.memory_space<hbm>> -> memref<1x64xf32, #tpu.memory_space<hbm>>
      %dma_start3A_346 = tpu.memref_squeeze %dma_start3A_345 : memref<1x64xf32, #tpu.memory_space<hbm>> -> memref<64xf32, #tpu.memory_space<hbm>>
      %dma_start3A_347 = arith.constant 0 : i32
      %dma_start3A_348 = tpu.memref_slice %arg7[%add3A_338, %dma_start3A_347] : memref<512x64xf32, #tpu.memory_space<vmem>> -> memref<1x64xf32, #tpu.memory_space<vmem>>
      %dma_start3A_349 = tpu.memref_squeeze %dma_start3A_348 : memref<1x64xf32, #tpu.memory_space<vmem>> -> memref<64xf32, #tpu.memory_space<vmem>>
      %dma_start3A_350 = arith.constant 0 : i32
      %dma_start3A_351 = tpu.memref_slice %arg3[%get3A_340, %dma_start3A_350] : memref<1000000x64xf32, #tpu.memory_space<hbm>> -> memref<1x64xf32, #tpu.memory_space<hbm>>
      %dma_start3A_352 = tpu.memref_squeeze %dma_start3A_351 : memref<1x64xf32, #tpu.memory_space<hbm>> -> memref<64xf32, #tpu.memory_space<hbm>>
      tpu.enqueue_dma source(%dma_start3A_352 : memref<64xf32, #tpu.memory_space<hbm>>) target(%dma_start3A_349 : memref<64xf32, #tpu.memory_space<vmem>>) target_semaphore(%arg8 : memref<!tpu.dma_semaphore, #tpu.memory_space<semaphore_mem>>)
      %mul3A_353 = arith.constant 32 : i32
      %mul3A_354 = arith.muli %scan3A_12, %mul3A_353 : i32
      %add3A_355 = arith.constant 19 : i32
      %add3A_356 = arith.addi %mul3A_354, %add3A_355 : i32
      %get3A_357 = arith.index_cast %add3A_356 : i32 to index
      %get3A_358 = memref.load %arg6[%get3A_357] : memref<512xi32, #tpu.memory_space<smem>>
      %dma_start3A_359 = arith.constant 0 : i32
      %dma_start3A_360 = tpu.memref_slice %arg7[%add3A_356, %dma_start3A_359] : memref<512x64xf32, #tpu.memory_space<vmem>> -> memref<1x64xf32, #tpu.memory_space<vmem>>
      %dma_start3A_361 = tpu.memref_squeeze %dma_start3A_360 : memref<1x64xf32, #tpu.memory_space<vmem>> -> memref<64xf32, #tpu.memory_space<vmem>>
      %dma_start3A_362 = arith.constant 0 : i32
      %dma_start3A_363 = tpu.memref_slice %arg3[%get3A_358, %dma_start3A_362] : memref<1000000x64xf32, #tpu.memory_space<hbm>> -> memref<1x64xf32, #tpu.memory_space<hbm>>
      %dma_start3A_364 = tpu.memref_squeeze %dma_start3A_363 : memref<1x64xf32, #tpu.memory_space<hbm>> -> memref<64xf32, #tpu.memory_space<hbm>>
      %dma_start3A_365 = arith.constant 0 : i32
      %dma_start3A_366 = tpu.memref_slice %arg7[%add3A_356, %dma_start3A_365] : memref<512x64xf32, #tpu.memory_space<vmem>> -> memref<1x64xf32, #tpu.memory_space<vmem>>
      %dma_start3A_367 = tpu.memref_squeeze %dma_start3A_366 : memref<1x64xf32, #tpu.memory_space<vmem>> -> memref<64xf32, #tpu.memory_space<vmem>>
      %dma_start3A_368 = arith.constant 0 : i32
      %dma_start3A_369 = tpu.memref_slice %arg3[%get3A_358, %dma_start3A_368] : memref<1000000x64xf32, #tpu.memory_space<hbm>> -> memref<1x64xf32, #tpu.memory_space<hbm>>
      %dma_start3A_370 = tpu.memref_squeeze %dma_start3A_369 : memref<1x64xf32, #tpu.memory_space<hbm>> -> memref<64xf32, #tpu.memory_space<hbm>>
      tpu.enqueue_dma source(%dma_start3A_370 : memref<64xf32, #tpu.memory_space<hbm>>) target(%dma_start3A_367 : memref<64xf32, #tpu.memory_space<vmem>>) target_semaphore(%arg8 : memref<!tpu.dma_semaphore, #tpu.memory_space<semaphore_mem>>)
      %mul3A_371 = arith.constant 32 : i32
      %mul3A_372 = arith.muli %scan3A_12, %mul3A_371 : i32
      %add3A_373 = arith.constant 20 : i32
      %add3A_374 = arith.addi %mul3A_372, %add3A_373 : i32
      %get3A_375 = arith.index_cast %add3A_374 : i32 to index
      %get3A_376 = memref.load %arg6[%get3A_375] : memref<512xi32, #tpu.memory_space<smem>>
      %dma_start3A_377 = arith.constant 0 : i32
      %dma_start3A_378 = tpu.memref_slice %arg7[%add3A_374, %dma_start3A_377] : memref<512x64xf32, #tpu.memory_space<vmem>> -> memref<1x64xf32, #tpu.memory_space<vmem>>
      %dma_start3A_379 = tpu.memref_squeeze %dma_start3A_378 : memref<1x64xf32, #tpu.memory_space<vmem>> -> memref<64xf32, #tpu.memory_space<vmem>>
      %dma_start3A_380 = arith.constant 0 : i32
      %dma_start3A_381 = tpu.memref_slice %arg3[%get3A_376, %dma_start3A_380] : memref<1000000x64xf32, #tpu.memory_space<hbm>> -> memref<1x64xf32, #tpu.memory_space<hbm>>
      %dma_start3A_382 = tpu.memref_squeeze %dma_start3A_381 : memref<1x64xf32, #tpu.memory_space<hbm>> -> memref<64xf32, #tpu.memory_space<hbm>>
      %dma_start3A_383 = arith.constant 0 : i32
      %dma_start3A_384 = tpu.memref_slice %arg7[%add3A_374, %dma_start3A_383] : memref<512x64xf32, #tpu.memory_space<vmem>> -> memref<1x64xf32, #tpu.memory_space<vmem>>
      %dma_start3A_385 = tpu.memref_squeeze %dma_start3A_384 : memref<1x64xf32, #tpu.memory_space<vmem>> -> memref<64xf32, #tpu.memory_space<vmem>>
      %dma_start3A_386 = arith.constant 0 : i32
      %dma_start3A_387 = tpu.memref_slice %arg3[%get3A_376, %dma_start3A_386] : memref<1000000x64xf32, #tpu.memory_space<hbm>> -> memref<1x64xf32, #tpu.memory_space<hbm>>
      %dma_start3A_388 = tpu.memref_squeeze %dma_start3A_387 : memref<1x64xf32, #tpu.memory_space<hbm>> -> memref<64xf32, #tpu.memory_space<hbm>>
      tpu.enqueue_dma source(%dma_start3A_388 : memref<64xf32, #tpu.memory_space<hbm>>) target(%dma_start3A_385 : memref<64xf32, #tpu.memory_space<vmem>>) target_semaphore(%arg8 : memref<!tpu.dma_semaphore, #tpu.memory_space<semaphore_mem>>)
      %mul3A_389 = arith.constant 32 : i32
      %mul3A_390 = arith.muli %scan3A_12, %mul3A_389 : i32
      %add3A_391 = arith.constant 21 : i32
      %add3A_392 = arith.addi %mul3A_390, %add3A_391 : i32
      %get3A_393 = arith.index_cast %add3A_392 : i32 to index
      %get3A_394 = memref.load %arg6[%get3A_393] : memref<512xi32, #tpu.memory_space<smem>>
      %dma_start3A_395 = arith.constant 0 : i32
      %dma_start3A_396 = tpu.memref_slice %arg7[%add3A_392, %dma_start3A_395] : memref<512x64xf32, #tpu.memory_space<vmem>> -> memref<1x64xf32, #tpu.memory_space<vmem>>
      %dma_start3A_397 = tpu.memref_squeeze %dma_start3A_396 : memref<1x64xf32, #tpu.memory_space<vmem>> -> memref<64xf32, #tpu.memory_space<vmem>>
      %dma_start3A_398 = arith.constant 0 : i32
      %dma_start3A_399 = tpu.memref_slice %arg3[%get3A_394, %dma_start3A_398] : memref<1000000x64xf32, #tpu.memory_space<hbm>> -> memref<1x64xf32, #tpu.memory_space<hbm>>
      %dma_start3A_400 = tpu.memref_squeeze %dma_start3A_399 : memref<1x64xf32, #tpu.memory_space<hbm>> -> memref<64xf32, #tpu.memory_space<hbm>>
      %dma_start3A_401 = arith.constant 0 : i32
      %dma_start3A_402 = tpu.memref_slice %arg7[%add3A_392, %dma_start3A_401] : memref<512x64xf32, #tpu.memory_space<vmem>> -> memref<1x64xf32, #tpu.memory_space<vmem>>
      %dma_start3A_403 = tpu.memref_squeeze %dma_start3A_402 : memref<1x64xf32, #tpu.memory_space<vmem>> -> memref<64xf32, #tpu.memory_space<vmem>>
      %dma_start3A_404 = arith.constant 0 : i32
      %dma_start3A_405 = tpu.memref_slice %arg3[%get3A_394, %dma_start3A_404] : memref<1000000x64xf32, #tpu.memory_space<hbm>> -> memref<1x64xf32, #tpu.memory_space<hbm>>
      %dma_start3A_406 = tpu.memref_squeeze %dma_start3A_405 : memref<1x64xf32, #tpu.memory_space<hbm>> -> memref<64xf32, #tpu.memory_space<hbm>>
      tpu.enqueue_dma source(%dma_start3A_406 : memref<64xf32, #tpu.memory_space<hbm>>) target(%dma_start3A_403 : memref<64xf32, #tpu.memory_space<vmem>>) target_semaphore(%arg8 : memref<!tpu.dma_semaphore, #tpu.memory_space<semaphore_mem>>)
      %mul3A_407 = arith.constant 32 : i32
      %mul3A_408 = arith.muli %scan3A_12, %mul3A_407 : i32
      %add3A_409 = arith.constant 22 : i32
      %add3A_410 = arith.addi %mul3A_408, %add3A_409 : i32
      %get3A_411 = arith.index_cast %add3A_410 : i32 to index
      %get3A_412 = memref.load %arg6[%get3A_411] : memref<512xi32, #tpu.memory_space<smem>>
      %dma_start3A_413 = arith.constant 0 : i32
      %dma_start3A_414 = tpu.memref_slice %arg7[%add3A_410, %dma_start3A_413] : memref<512x64xf32, #tpu.memory_space<vmem>> -> memref<1x64xf32, #tpu.memory_space<vmem>>
      %dma_start3A_415 = tpu.memref_squeeze %dma_start3A_414 : memref<1x64xf32, #tpu.memory_space<vmem>> -> memref<64xf32, #tpu.memory_space<vmem>>
      %dma_start3A_416 = arith.constant 0 : i32
      %dma_start3A_417 = tpu.memref_slice %arg3[%get3A_412, %dma_start3A_416] : memref<1000000x64xf32, #tpu.memory_space<hbm>> -> memref<1x64xf32, #tpu.memory_space<hbm>>
      %dma_start3A_418 = tpu.memref_squeeze %dma_start3A_417 : memref<1x64xf32, #tpu.memory_space<hbm>> -> memref<64xf32, #tpu.memory_space<hbm>>
      %dma_start3A_419 = arith.constant 0 : i32
      %dma_start3A_420 = tpu.memref_slice %arg7[%add3A_410, %dma_start3A_419] : memref<512x64xf32, #tpu.memory_space<vmem>> -> memref<1x64xf32, #tpu.memory_space<vmem>>
      %dma_start3A_421 = tpu.memref_squeeze %dma_start3A_420 : memref<1x64xf32, #tpu.memory_space<vmem>> -> memref<64xf32, #tpu.memory_space<vmem>>
      %dma_start3A_422 = arith.constant 0 : i32
      %dma_start3A_423 = tpu.memref_slice %arg3[%get3A_412, %dma_start3A_422] : memref<1000000x64xf32, #tpu.memory_space<hbm>> -> memref<1x64xf32, #tpu.memory_space<hbm>>
      %dma_start3A_424 = tpu.memref_squeeze %dma_start3A_423 : memref<1x64xf32, #tpu.memory_space<hbm>> -> memref<64xf32, #tpu.memory_space<hbm>>
      tpu.enqueue_dma source(%dma_start3A_424 : memref<64xf32, #tpu.memory_space<hbm>>) target(%dma_start3A_421 : memref<64xf32, #tpu.memory_space<vmem>>) target_semaphore(%arg8 : memref<!tpu.dma_semaphore, #tpu.memory_space<semaphore_mem>>)
      %mul3A_425 = arith.constant 32 : i32
      %mul3A_426 = arith.muli %scan3A_12, %mul3A_425 : i32
      %add3A_427 = arith.constant 23 : i32
      %add3A_428 = arith.addi %mul3A_426, %add3A_427 : i32
      %get3A_429 = arith.index_cast %add3A_428 : i32 to index
      %get3A_430 = memref.load %arg6[%get3A_429] : memref<512xi32, #tpu.memory_space<smem>>
      %dma_start3A_431 = arith.constant 0 : i32
      %dma_start3A_432 = tpu.memref_slice %arg7[%add3A_428, %dma_start3A_431] : memref<512x64xf32, #tpu.memory_space<vmem>> -> memref<1x64xf32, #tpu.memory_space<vmem>>
      %dma_start3A_433 = tpu.memref_squeeze %dma_start3A_432 : memref<1x64xf32, #tpu.memory_space<vmem>> -> memref<64xf32, #tpu.memory_space<vmem>>
      %dma_start3A_434 = arith.constant 0 : i32
      %dma_start3A_435 = tpu.memref_slice %arg3[%get3A_430, %dma_start3A_434] : memref<1000000x64xf32, #tpu.memory_space<hbm>> -> memref<1x64xf32, #tpu.memory_space<hbm>>
      %dma_start3A_436 = tpu.memref_squeeze %dma_start3A_435 : memref<1x64xf32, #tpu.memory_space<hbm>> -> memref<64xf32, #tpu.memory_space<hbm>>
      %dma_start3A_437 = arith.constant 0 : i32
      %dma_start3A_438 = tpu.memref_slice %arg7[%add3A_428, %dma_start3A_437] : memref<512x64xf32, #tpu.memory_space<vmem>> -> memref<1x64xf32, #tpu.memory_space<vmem>>
      %dma_start3A_439 = tpu.memref_squeeze %dma_start3A_438 : memref<1x64xf32, #tpu.memory_space<vmem>> -> memref<64xf32, #tpu.memory_space<vmem>>
      %dma_start3A_440 = arith.constant 0 : i32
      %dma_start3A_441 = tpu.memref_slice %arg3[%get3A_430, %dma_start3A_440] : memref<1000000x64xf32, #tpu.memory_space<hbm>> -> memref<1x64xf32, #tpu.memory_space<hbm>>
      %dma_start3A_442 = tpu.memref_squeeze %dma_start3A_441 : memref<1x64xf32, #tpu.memory_space<hbm>> -> memref<64xf32, #tpu.memory_space<hbm>>
      tpu.enqueue_dma source(%dma_start3A_442 : memref<64xf32, #tpu.memory_space<hbm>>) target(%dma_start3A_439 : memref<64xf32, #tpu.memory_space<vmem>>) target_semaphore(%arg8 : memref<!tpu.dma_semaphore, #tpu.memory_space<semaphore_mem>>)
      %mul3A_443 = arith.constant 32 : i32
      %mul3A_444 = arith.muli %scan3A_12, %mul3A_443 : i32
      %add3A_445 = arith.constant 24 : i32
      %add3A_446 = arith.addi %mul3A_444, %add3A_445 : i32
      %get3A_447 = arith.index_cast %add3A_446 : i32 to index
      %get3A_448 = memref.load %arg6[%get3A_447] : memref<512xi32, #tpu.memory_space<smem>>
      %dma_start3A_449 = arith.constant 0 : i32
      %dma_start3A_450 = tpu.memref_slice %arg7[%add3A_446, %dma_start3A_449] : memref<512x64xf32, #tpu.memory_space<vmem>> -> memref<1x64xf32, #tpu.memory_space<vmem>>
      %dma_start3A_451 = tpu.memref_squeeze %dma_start3A_450 : memref<1x64xf32, #tpu.memory_space<vmem>> -> memref<64xf32, #tpu.memory_space<vmem>>
      %dma_start3A_452 = arith.constant 0 : i32
      %dma_start3A_453 = tpu.memref_slice %arg3[%get3A_448, %dma_start3A_452] : memref<1000000x64xf32, #tpu.memory_space<hbm>> -> memref<1x64xf32, #tpu.memory_space<hbm>>
      %dma_start3A_454 = tpu.memref_squeeze %dma_start3A_453 : memref<1x64xf32, #tpu.memory_space<hbm>> -> memref<64xf32, #tpu.memory_space<hbm>>
      %dma_start3A_455 = arith.constant 0 : i32
      %dma_start3A_456 = tpu.memref_slice %arg7[%add3A_446, %dma_start3A_455] : memref<512x64xf32, #tpu.memory_space<vmem>> -> memref<1x64xf32, #tpu.memory_space<vmem>>
      %dma_start3A_457 = tpu.memref_squeeze %dma_start3A_456 : memref<1x64xf32, #tpu.memory_space<vmem>> -> memref<64xf32, #tpu.memory_space<vmem>>
      %dma_start3A_458 = arith.constant 0 : i32
      %dma_start3A_459 = tpu.memref_slice %arg3[%get3A_448, %dma_start3A_458] : memref<1000000x64xf32, #tpu.memory_space<hbm>> -> memref<1x64xf32, #tpu.memory_space<hbm>>
      %dma_start3A_460 = tpu.memref_squeeze %dma_start3A_459 : memref<1x64xf32, #tpu.memory_space<hbm>> -> memref<64xf32, #tpu.memory_space<hbm>>
      tpu.enqueue_dma source(%dma_start3A_460 : memref<64xf32, #tpu.memory_space<hbm>>) target(%dma_start3A_457 : memref<64xf32, #tpu.memory_space<vmem>>) target_semaphore(%arg8 : memref<!tpu.dma_semaphore, #tpu.memory_space<semaphore_mem>>)
      %mul3A_461 = arith.constant 32 : i32
      %mul3A_462 = arith.muli %scan3A_12, %mul3A_461 : i32
      %add3A_463 = arith.constant 25 : i32
      %add3A_464 = arith.addi %mul3A_462, %add3A_463 : i32
      %get3A_465 = arith.index_cast %add3A_464 : i32 to index
      %get3A_466 = memref.load %arg6[%get3A_465] : memref<512xi32, #tpu.memory_space<smem>>
      %dma_start3A_467 = arith.constant 0 : i32
      %dma_start3A_468 = tpu.memref_slice %arg7[%add3A_464, %dma_start3A_467] : memref<512x64xf32, #tpu.memory_space<vmem>> -> memref<1x64xf32, #tpu.memory_space<vmem>>
      %dma_start3A_469 = tpu.memref_squeeze %dma_start3A_468 : memref<1x64xf32, #tpu.memory_space<vmem>> -> memref<64xf32, #tpu.memory_space<vmem>>
      %dma_start3A_470 = arith.constant 0 : i32
      %dma_start3A_471 = tpu.memref_slice %arg3[%get3A_466, %dma_start3A_470] : memref<1000000x64xf32, #tpu.memory_space<hbm>> -> memref<1x64xf32, #tpu.memory_space<hbm>>
      %dma_start3A_472 = tpu.memref_squeeze %dma_start3A_471 : memref<1x64xf32, #tpu.memory_space<hbm>> -> memref<64xf32, #tpu.memory_space<hbm>>
      %dma_start3A_473 = arith.constant 0 : i32
      %dma_start3A_474 = tpu.memref_slice %arg7[%add3A_464, %dma_start3A_473] : memref<512x64xf32, #tpu.memory_space<vmem>> -> memref<1x64xf32, #tpu.memory_space<vmem>>
      %dma_start3A_475 = tpu.memref_squeeze %dma_start3A_474 : memref<1x64xf32, #tpu.memory_space<vmem>> -> memref<64xf32, #tpu.memory_space<vmem>>
      %dma_start3A_476 = arith.constant 0 : i32
      %dma_start3A_477 = tpu.memref_slice %arg3[%get3A_466, %dma_start3A_476] : memref<1000000x64xf32, #tpu.memory_space<hbm>> -> memref<1x64xf32, #tpu.memory_space<hbm>>
      %dma_start3A_478 = tpu.memref_squeeze %dma_start3A_477 : memref<1x64xf32, #tpu.memory_space<hbm>> -> memref<64xf32, #tpu.memory_space<hbm>>
      tpu.enqueue_dma source(%dma_start3A_478 : memref<64xf32, #tpu.memory_space<hbm>>) target(%dma_start3A_475 : memref<64xf32, #tpu.memory_space<vmem>>) target_semaphore(%arg8 : memref<!tpu.dma_semaphore, #tpu.memory_space<semaphore_mem>>)
      %mul3A_479 = arith.constant 32 : i32
      %mul3A_480 = arith.muli %scan3A_12, %mul3A_479 : i32
      %add3A_481 = arith.constant 26 : i32
      %add3A_482 = arith.addi %mul3A_480, %add3A_481 : i32
      %get3A_483 = arith.index_cast %add3A_482 : i32 to index
      %get3A_484 = memref.load %arg6[%get3A_483] : memref<512xi32, #tpu.memory_space<smem>>
      %dma_start3A_485 = arith.constant 0 : i32
      %dma_start3A_486 = tpu.memref_slice %arg7[%add3A_482, %dma_start3A_485] : memref<512x64xf32, #tpu.memory_space<vmem>> -> memref<1x64xf32, #tpu.memory_space<vmem>>
      %dma_start3A_487 = tpu.memref_squeeze %dma_start3A_486 : memref<1x64xf32, #tpu.memory_space<vmem>> -> memref<64xf32, #tpu.memory_space<vmem>>
      %dma_start3A_488 = arith.constant 0 : i32
      %dma_start3A_489 = tpu.memref_slice %arg3[%get3A_484, %dma_start3A_488] : memref<1000000x64xf32, #tpu.memory_space<hbm>> -> memref<1x64xf32, #tpu.memory_space<hbm>>
      %dma_start3A_490 = tpu.memref_squeeze %dma_start3A_489 : memref<1x64xf32, #tpu.memory_space<hbm>> -> memref<64xf32, #tpu.memory_space<hbm>>
      %dma_start3A_491 = arith.constant 0 : i32
      %dma_start3A_492 = tpu.memref_slice %arg7[%add3A_482, %dma_start3A_491] : memref<512x64xf32, #tpu.memory_space<vmem>> -> memref<1x64xf32, #tpu.memory_space<vmem>>
      %dma_start3A_493 = tpu.memref_squeeze %dma_start3A_492 : memref<1x64xf32, #tpu.memory_space<vmem>> -> memref<64xf32, #tpu.memory_space<vmem>>
      %dma_start3A_494 = arith.constant 0 : i32
      %dma_start3A_495 = tpu.memref_slice %arg3[%get3A_484, %dma_start3A_494] : memref<1000000x64xf32, #tpu.memory_space<hbm>> -> memref<1x64xf32, #tpu.memory_space<hbm>>
      %dma_start3A_496 = tpu.memref_squeeze %dma_start3A_495 : memref<1x64xf32, #tpu.memory_space<hbm>> -> memref<64xf32, #tpu.memory_space<hbm>>
      tpu.enqueue_dma source(%dma_start3A_496 : memref<64xf32, #tpu.memory_space<hbm>>) target(%dma_start3A_493 : memref<64xf32, #tpu.memory_space<vmem>>) target_semaphore(%arg8 : memref<!tpu.dma_semaphore, #tpu.memory_space<semaphore_mem>>)
      %mul3A_497 = arith.constant 32 : i32
      %mul3A_498 = arith.muli %scan3A_12, %mul3A_497 : i32
      %add3A_499 = arith.constant 27 : i32
      %add3A_500 = arith.addi %mul3A_498, %add3A_499 : i32
      %get3A_501 = arith.index_cast %add3A_500 : i32 to index
      %get3A_502 = memref.load %arg6[%get3A_501] : memref<512xi32, #tpu.memory_space<smem>>
      %dma_start3A_503 = arith.constant 0 : i32
      %dma_start3A_504 = tpu.memref_slice %arg7[%add3A_500, %dma_start3A_503] : memref<512x64xf32, #tpu.memory_space<vmem>> -> memref<1x64xf32, #tpu.memory_space<vmem>>
      %dma_start3A_505 = tpu.memref_squeeze %dma_start3A_504 : memref<1x64xf32, #tpu.memory_space<vmem>> -> memref<64xf32, #tpu.memory_space<vmem>>
      %dma_start3A_506 = arith.constant 0 : i32
      %dma_start3A_507 = tpu.memref_slice %arg3[%get3A_502, %dma_start3A_506] : memref<1000000x64xf32, #tpu.memory_space<hbm>> -> memref<1x64xf32, #tpu.memory_space<hbm>>
      %dma_start3A_508 = tpu.memref_squeeze %dma_start3A_507 : memref<1x64xf32, #tpu.memory_space<hbm>> -> memref<64xf32, #tpu.memory_space<hbm>>
      %dma_start3A_509 = arith.constant 0 : i32
      %dma_start3A_510 = tpu.memref_slice %arg7[%add3A_500, %dma_start3A_509] : memref<512x64xf32, #tpu.memory_space<vmem>> -> memref<1x64xf32, #tpu.memory_space<vmem>>
      %dma_start3A_511 = tpu.memref_squeeze %dma_start3A_510 : memref<1x64xf32, #tpu.memory_space<vmem>> -> memref<64xf32, #tpu.memory_space<vmem>>
      %dma_start3A_512 = arith.constant 0 : i32
      %dma_start3A_513 = tpu.memref_slice %arg3[%get3A_502, %dma_start3A_512] : memref<1000000x64xf32, #tpu.memory_space<hbm>> -> memref<1x64xf32, #tpu.memory_space<hbm>>
      %dma_start3A_514 = tpu.memref_squeeze %dma_start3A_513 : memref<1x64xf32, #tpu.memory_space<hbm>> -> memref<64xf32, #tpu.memory_space<hbm>>
      tpu.enqueue_dma source(%dma_start3A_514 : memref<64xf32, #tpu.memory_space<hbm>>) target(%dma_start3A_511 : memref<64xf32, #tpu.memory_space<vmem>>) target_semaphore(%arg8 : memref<!tpu.dma_semaphore, #tpu.memory_space<semaphore_mem>>)
      %mul3A_515 = arith.constant 32 : i32
      %mul3A_516 = arith.muli %scan3A_12, %mul3A_515 : i32
      %add3A_517 = arith.constant 28 : i32
      %add3A_518 = arith.addi %mul3A_516, %add3A_517 : i32
      %get3A_519 = arith.index_cast %add3A_518 : i32 to index
      %get3A_520 = memref.load %arg6[%get3A_519] : memref<512xi32, #tpu.memory_space<smem>>
      %dma_start3A_521 = arith.constant 0 : i32
      %dma_start3A_522 = tpu.memref_slice %arg7[%add3A_518, %dma_start3A_521] : memref<512x64xf32, #tpu.memory_space<vmem>> -> memref<1x64xf32, #tpu.memory_space<vmem>>
      %dma_start3A_523 = tpu.memref_squeeze %dma_start3A_522 : memref<1x64xf32, #tpu.memory_space<vmem>> -> memref<64xf32, #tpu.memory_space<vmem>>
      %dma_start3A_524 = arith.constant 0 : i32
      %dma_start3A_525 = tpu.memref_slice %arg3[%get3A_520, %dma_start3A_524] : memref<1000000x64xf32, #tpu.memory_space<hbm>> -> memref<1x64xf32, #tpu.memory_space<hbm>>
      %dma_start3A_526 = tpu.memref_squeeze %dma_start3A_525 : memref<1x64xf32, #tpu.memory_space<hbm>> -> memref<64xf32, #tpu.memory_space<hbm>>
      %dma_start3A_527 = arith.constant 0 : i32
      %dma_start3A_528 = tpu.memref_slice %arg7[%add3A_518, %dma_start3A_527] : memref<512x64xf32, #tpu.memory_space<vmem>> -> memref<1x64xf32, #tpu.memory_space<vmem>>
      %dma_start3A_529 = tpu.memref_squeeze %dma_start3A_528 : memref<1x64xf32, #tpu.memory_space<vmem>> -> memref<64xf32, #tpu.memory_space<vmem>>
      %dma_start3A_530 = arith.constant 0 : i32
      %dma_start3A_531 = tpu.memref_slice %arg3[%get3A_520, %dma_start3A_530] : memref<1000000x64xf32, #tpu.memory_space<hbm>> -> memref<1x64xf32, #tpu.memory_space<hbm>>
      %dma_start3A_532 = tpu.memref_squeeze %dma_start3A_531 : memref<1x64xf32, #tpu.memory_space<hbm>> -> memref<64xf32, #tpu.memory_space<hbm>>
      tpu.enqueue_dma source(%dma_start3A_532 : memref<64xf32, #tpu.memory_space<hbm>>) target(%dma_start3A_529 : memref<64xf32, #tpu.memory_space<vmem>>) target_semaphore(%arg8 : memref<!tpu.dma_semaphore, #tpu.memory_space<semaphore_mem>>)
      %mul3A_533 = arith.constant 32 : i32
      %mul3A_534 = arith.muli %scan3A_12, %mul3A_533 : i32
      %add3A_535 = arith.constant 29 : i32
      %add3A_536 = arith.addi %mul3A_534, %add3A_535 : i32
      %get3A_537 = arith.index_cast %add3A_536 : i32 to index
      %get3A_538 = memref.load %arg6[%get3A_537] : memref<512xi32, #tpu.memory_space<smem>>
      %dma_start3A_539 = arith.constant 0 : i32
      %dma_start3A_540 = tpu.memref_slice %arg7[%add3A_536, %dma_start3A_539] : memref<512x64xf32, #tpu.memory_space<vmem>> -> memref<1x64xf32, #tpu.memory_space<vmem>>
      %dma_start3A_541 = tpu.memref_squeeze %dma_start3A_540 : memref<1x64xf32, #tpu.memory_space<vmem>> -> memref<64xf32, #tpu.memory_space<vmem>>
      %dma_start3A_542 = arith.constant 0 : i32
      %dma_start3A_543 = tpu.memref_slice %arg3[%get3A_538, %dma_start3A_542] : memref<1000000x64xf32, #tpu.memory_space<hbm>> -> memref<1x64xf32, #tpu.memory_space<hbm>>
      %dma_start3A_544 = tpu.memref_squeeze %dma_start3A_543 : memref<1x64xf32, #tpu.memory_space<hbm>> -> memref<64xf32, #tpu.memory_space<hbm>>
      %dma_start3A_545 = arith.constant 0 : i32
      %dma_start3A_546 = tpu.memref_slice %arg7[%add3A_536, %dma_start3A_545] : memref<512x64xf32, #tpu.memory_space<vmem>> -> memref<1x64xf32, #tpu.memory_space<vmem>>
      %dma_start3A_547 = tpu.memref_squeeze %dma_start3A_546 : memref<1x64xf32, #tpu.memory_space<vmem>> -> memref<64xf32, #tpu.memory_space<vmem>>
      %dma_start3A_548 = arith.constant 0 : i32
      %dma_start3A_549 = tpu.memref_slice %arg3[%get3A_538, %dma_start3A_548] : memref<1000000x64xf32, #tpu.memory_space<hbm>> -> memref<1x64xf32, #tpu.memory_space<hbm>>
      %dma_start3A_550 = tpu.memref_squeeze %dma_start3A_549 : memref<1x64xf32, #tpu.memory_space<hbm>> -> memref<64xf32, #tpu.memory_space<hbm>>
      tpu.enqueue_dma source(%dma_start3A_550 : memref<64xf32, #tpu.memory_space<hbm>>) target(%dma_start3A_547 : memref<64xf32, #tpu.memory_space<vmem>>) target_semaphore(%arg8 : memref<!tpu.dma_semaphore, #tpu.memory_space<semaphore_mem>>)
      %mul3A_551 = arith.constant 32 : i32
      %mul3A_552 = arith.muli %scan3A_12, %mul3A_551 : i32
      %add3A_553 = arith.constant 30 : i32
      %add3A_554 = arith.addi %mul3A_552, %add3A_553 : i32
      %get3A_555 = arith.index_cast %add3A_554 : i32 to index
      %get3A_556 = memref.load %arg6[%get3A_555] : memref<512xi32, #tpu.memory_space<smem>>
      %dma_start3A_557 = arith.constant 0 : i32
      %dma_start3A_558 = tpu.memref_slice %arg7[%add3A_554, %dma_start3A_557] : memref<512x64xf32, #tpu.memory_space<vmem>> -> memref<1x64xf32, #tpu.memory_space<vmem>>
      %dma_start3A_559 = tpu.memref_squeeze %dma_start3A_558 : memref<1x64xf32, #tpu.memory_space<vmem>> -> memref<64xf32, #tpu.memory_space<vmem>>
      %dma_start3A_560 = arith.constant 0 : i32
      %dma_start3A_561 = tpu.memref_slice %arg3[%get3A_556, %dma_start3A_560] : memref<1000000x64xf32, #tpu.memory_space<hbm>> -> memref<1x64xf32, #tpu.memory_space<hbm>>
      %dma_start3A_562 = tpu.memref_squeeze %dma_start3A_561 : memref<1x64xf32, #tpu.memory_space<hbm>> -> memref<64xf32, #tpu.memory_space<hbm>>
      %dma_start3A_563 = arith.constant 0 : i32
      %dma_start3A_564 = tpu.memref_slice %arg7[%add3A_554, %dma_start3A_563] : memref<512x64xf32, #tpu.memory_space<vmem>> -> memref<1x64xf32, #tpu.memory_space<vmem>>
      %dma_start3A_565 = tpu.memref_squeeze %dma_start3A_564 : memref<1x64xf32, #tpu.memory_space<vmem>> -> memref<64xf32, #tpu.memory_space<vmem>>
      %dma_start3A_566 = arith.constant 0 : i32
      %dma_start3A_567 = tpu.memref_slice %arg3[%get3A_556, %dma_start3A_566] : memref<1000000x64xf32, #tpu.memory_space<hbm>> -> memref<1x64xf32, #tpu.memory_space<hbm>>
      %dma_start3A_568 = tpu.memref_squeeze %dma_start3A_567 : memref<1x64xf32, #tpu.memory_space<hbm>> -> memref<64xf32, #tpu.memory_space<hbm>>
      tpu.enqueue_dma source(%dma_start3A_568 : memref<64xf32, #tpu.memory_space<hbm>>) target(%dma_start3A_565 : memref<64xf32, #tpu.memory_space<vmem>>) target_semaphore(%arg8 : memref<!tpu.dma_semaphore, #tpu.memory_space<semaphore_mem>>)
      %mul3A_569 = arith.constant 32 : i32
      %mul3A_570 = arith.muli %scan3A_12, %mul3A_569 : i32
      %add3A_571 = arith.constant 31 : i32
      %add3A_572 = arith.addi %mul3A_570, %add3A_571 : i32
      %get3A_573 = arith.index_cast %add3A_572 : i32 to index
      %get3A_574 = memref.load %arg6[%get3A_573] : memref<512xi32, #tpu.memory_space<smem>>
      %dma_start3A_575 = arith.constant 0 : i32
      %dma_start3A_576 = tpu.memref_slice %arg7[%add3A_572, %dma_start3A_575] : memref<512x64xf32, #tpu.memory_space<vmem>> -> memref<1x64xf32, #tpu.memory_space<vmem>>
      %dma_start3A_577 = tpu.memref_squeeze %dma_start3A_576 : memref<1x64xf32, #tpu.memory_space<vmem>> -> memref<64xf32, #tpu.memory_space<vmem>>
      %dma_start3A_578 = arith.constant 0 : i32
      %dma_start3A_579 = tpu.memref_slice %arg3[%get3A_574, %dma_start3A_578] : memref<1000000x64xf32, #tpu.memory_space<hbm>> -> memref<1x64xf32, #tpu.memory_space<hbm>>
      %dma_start3A_580 = tpu.memref_squeeze %dma_start3A_579 : memref<1x64xf32, #tpu.memory_space<hbm>> -> memref<64xf32, #tpu.memory_space<hbm>>
      %dma_start3A_581 = arith.constant 0 : i32
      %dma_start3A_582 = tpu.memref_slice %arg7[%add3A_572, %dma_start3A_581] : memref<512x64xf32, #tpu.memory_space<vmem>> -> memref<1x64xf32, #tpu.memory_space<vmem>>
      %dma_start3A_583 = tpu.memref_squeeze %dma_start3A_582 : memref<1x64xf32, #tpu.memory_space<vmem>> -> memref<64xf32, #tpu.memory_space<vmem>>
      %dma_start3A_584 = arith.constant 0 : i32
      %dma_start3A_585 = tpu.memref_slice %arg3[%get3A_574, %dma_start3A_584] : memref<1000000x64xf32, #tpu.memory_space<hbm>> -> memref<1x64xf32, #tpu.memory_space<hbm>>
      %dma_start3A_586 = tpu.memref_squeeze %dma_start3A_585 : memref<1x64xf32, #tpu.memory_space<hbm>> -> memref<64xf32, #tpu.memory_space<hbm>>
      tpu.enqueue_dma source(%dma_start3A_586 : memref<64xf32, #tpu.memory_space<hbm>>) target(%dma_start3A_583 : memref<64xf32, #tpu.memory_space<vmem>>) target_semaphore(%arg8 : memref<!tpu.dma_semaphore, #tpu.memory_space<semaphore_mem>>)
    }
    %scan3A_6 = arith.constant 16 : i32
    %dma_wait3A = arith.constant 0 : i32
    %dma_wait3A_7 = arith.constant 0 : i32
    %dma_wait3A_8 = tpu.memref_slice %arg3[%dma_wait3A, %dma_wait3A_7] : memref<1000000x64xf32, #tpu.memory_space<hbm>> -> memref<512x64xf32, #tpu.memory_space<hbm>>
    %dma_wait3A_9 = arith.constant 0 : i32
    %dma_wait3A_10 = arith.constant 0 : i32
    %dma_wait3A_11 = tpu.memref_slice %arg3[%dma_wait3A_9, %dma_wait3A_10] : memref<1000000x64xf32, #tpu.memory_space<hbm>> -> memref<512x64xf32, #tpu.memory_space<hbm>>
    tpu.wait_dma2 semaphore(%arg8 : memref<!tpu.dma_semaphore, #tpu.memory_space<semaphore_mem>>) src(%dma_wait3A_11 : memref<512x64xf32, #tpu.memory_space<hbm>>) dst(%arg7 : memref<512x64xf32, #tpu.memory_space<vmem>>)
    "tpu.region"() ({
      %run_scoped3A = tpu.sem_alloc : memref<!tpu.dma_semaphore, #tpu.memory_space<semaphore_mem>>
      %dma_start3A = arith.constant 0 : i32
      %dma_start3A_12 = tpu.memref_slice %arg4[%mul3A_2, %dma_start3A] : memref<16384x64xf32, #tpu.memory_space<hbm>> -> memref<512x64xf32, #tpu.memory_space<hbm>>
      %dma_start3A_13 = arith.constant 0 : i32
      %dma_start3A_14 = tpu.memref_slice %arg4[%mul3A_2, %dma_start3A_13] : memref<16384x64xf32, #tpu.memory_space<hbm>> -> memref<512x64xf32, #tpu.memory_space<hbm>>
      tpu.enqueue_dma source(%arg7 : memref<512x64xf32, #tpu.memory_space<vmem>>) target(%dma_start3A_14 : memref<512x64xf32, #tpu.memory_space<hbm>>) target_semaphore(%run_scoped3A : memref<!tpu.dma_semaphore, #tpu.memory_space<semaphore_mem>>)
      %dma_wait3A_15 = arith.constant 0 : i32
      %dma_wait3A_16 = tpu.memref_slice %arg4[%mul3A_2, %dma_wait3A_15] : memref<16384x64xf32, #tpu.memory_space<hbm>> -> memref<512x64xf32, #tpu.memory_space<hbm>>
      %dma_wait3A_17 = arith.constant 0 : i32
      %dma_wait3A_18 = tpu.memref_slice %arg4[%mul3A_2, %dma_wait3A_17] : memref<16384x64xf32, #tpu.memory_space<hbm>> -> memref<512x64xf32, #tpu.memory_space<hbm>>
      tpu.wait_dma2 semaphore(%run_scoped3A : memref<!tpu.dma_semaphore, #tpu.memory_space<semaphore_mem>>) src(%arg7 : memref<512x64xf32, #tpu.memory_space<vmem>>) dst(%dma_wait3A_18 : memref<512x64xf32, #tpu.memory_space<hbm>>)
      tpu.yield
    }) : () -> ()
    return
  }
}

#map = affine_map<(d0, d1) -> (0)>
#map1 = affine_map<(d0, d1) -> (0, 0)>
module attributes {stable_mosaic.version = 14 : i64} {
  func.func @k(%arg0: i32, %arg1: i32, %arg2: memref<16384xi32, #tpu.memory_space<hbm>>, %arg3: memref<1000000x64xf32, #tpu.memory_space<hbm>>, %arg4: memref<16384x64xf32, #tpu.memory_space<hbm>>, %arg5: memref<16x512xi32, #tpu.memory_space<vmem_shared>>, %arg6: memref<512xi32, #tpu.memory_space<smem>>, %arg7: memref<512x64xf32, #tpu.memory_space<vmem>>, %arg8: memref<!tpu.dma_semaphore, #tpu.memory_space<semaphore_mem>>) attributes {dimension_semantics = [#tpu.dimension_semantics<core_parallel>, #tpu.dimension_semantics<subcore_parallel>], iteration_bounds = array<i64: 2, 16>, scalar_prefetch = 0 : i64, scratch_operands = 4 : i64, tpu.core_type = #tpu.core_type<sc_vector_subcore>, window_params = [{transform_indices = #map}, {transform_indices = #map1}, {transform_indices = #map1}]} {
    %mul3A = arith.constant 2 : i32
    %mul3A_0 = arith.muli %arg1, %mul3A : i32
    %add3A = arith.addi %mul3A_0, %arg0 : i32
    %mul3A_1 = arith.constant 512 : i32
    %mul3A_2 = arith.muli %add3A, %mul3A_1 : i32
    "tpu.region"() ({
      %run_scoped3A = tpu.sem_alloc : memref<!tpu.dma_semaphore, #tpu.memory_space<semaphore_mem>>
      %dma_start3A = arith.constant 0 : i32
      %dma_start3A_12 = tpu.memref_slice %arg5[%arg1, %dma_start3A] : memref<16x512xi32, #tpu.memory_space<vmem_shared>> -> memref<1x512xi32, #tpu.memory_space<vmem_shared>>
      %dma_start3A_13 = tpu.memref_squeeze %dma_start3A_12 : memref<1x512xi32, #tpu.memory_space<vmem_shared>> -> memref<512xi32, #tpu.memory_space<vmem_shared>>
      %dma_start3A_14 = tpu.memref_slice %arg2[%mul3A_2] : memref<16384xi32, #tpu.memory_space<hbm>> -> memref<512xi32, #tpu.memory_space<hbm>>
      tpu.enqueue_dma source(%dma_start3A_14 : memref<512xi32, #tpu.memory_space<hbm>>) target(%dma_start3A_13 : memref<512xi32, #tpu.memory_space<vmem_shared>>) target_semaphore(%run_scoped3A : memref<!tpu.dma_semaphore, #tpu.memory_space<semaphore_mem>>)
      %dma_wait3A_15 = arith.constant 0 : i32
      %dma_wait3A_16 = tpu.memref_slice %arg5[%arg1, %dma_wait3A_15] : memref<16x512xi32, #tpu.memory_space<vmem_shared>> -> memref<1x512xi32, #tpu.memory_space<vmem_shared>>
      %dma_wait3A_17 = tpu.memref_squeeze %dma_wait3A_16 : memref<1x512xi32, #tpu.memory_space<vmem_shared>> -> memref<512xi32, #tpu.memory_space<vmem_shared>>
      %dma_wait3A_18 = tpu.memref_slice %arg2[%mul3A_2] : memref<16384xi32, #tpu.memory_space<hbm>> -> memref<512xi32, #tpu.memory_space<hbm>>
      tpu.wait_dma2 semaphore(%run_scoped3A : memref<!tpu.dma_semaphore, #tpu.memory_space<semaphore_mem>>) src(%dma_wait3A_18 : memref<512xi32, #tpu.memory_space<hbm>>) dst(%dma_wait3A_17 : memref<512xi32, #tpu.memory_space<vmem_shared>>)
      tpu.yield
    }) : () -> ()
    "tpu.region"() ({
      %run_scoped3A = tpu.sem_alloc : memref<!tpu.dma_semaphore, #tpu.memory_space<semaphore_mem>>
      %dma_start3A = arith.constant 0 : i32
      %dma_start3A_12 = tpu.memref_slice %arg5[%arg1, %dma_start3A] : memref<16x512xi32, #tpu.memory_space<vmem_shared>> -> memref<1x512xi32, #tpu.memory_space<vmem_shared>>
      %dma_start3A_13 = tpu.memref_squeeze %dma_start3A_12 : memref<1x512xi32, #tpu.memory_space<vmem_shared>> -> memref<512xi32, #tpu.memory_space<vmem_shared>>
      tpu.enqueue_dma source(%dma_start3A_13 : memref<512xi32, #tpu.memory_space<vmem_shared>>) target(%arg6 : memref<512xi32, #tpu.memory_space<smem>>) target_semaphore(%run_scoped3A : memref<!tpu.dma_semaphore, #tpu.memory_space<semaphore_mem>>)
      %dma_wait3A_14 = arith.constant 0 : i32
      %dma_wait3A_15 = tpu.memref_slice %arg5[%arg1, %dma_wait3A_14] : memref<16x512xi32, #tpu.memory_space<vmem_shared>> -> memref<1x512xi32, #tpu.memory_space<vmem_shared>>
      %dma_wait3A_16 = tpu.memref_squeeze %dma_wait3A_15 : memref<1x512xi32, #tpu.memory_space<vmem_shared>> -> memref<512xi32, #tpu.memory_space<vmem_shared>>
      tpu.wait_dma2 semaphore(%run_scoped3A : memref<!tpu.dma_semaphore, #tpu.memory_space<semaphore_mem>>) src(%dma_wait3A_16 : memref<512xi32, #tpu.memory_space<vmem_shared>>) dst(%arg6 : memref<512xi32, #tpu.memory_space<smem>>)
      tpu.yield
    }) : () -> ()
    %scan3A = arith.constant 0 : i32
    %scan3A_3 = arith.constant 16 : i32
    %scan3A_4 = arith.addi %scan3A, %scan3A_3 : i32
    %scan3A_5 = arith.constant 1 : i32
    scf.for %scan3A_12 = %scan3A to %scan3A_4 step %scan3A_5  : i32 {
      %mul3A_13 = arith.constant 32 : i32
      %mul3A_14 = arith.muli %scan3A_12, %mul3A_13 : i32
      %add3A_15 = arith.constant 0 : i32
      %add3A_16 = arith.addi %mul3A_14, %add3A_15 : i32
      %get3A = arith.index_cast %add3A_16 : i32 to index
      %get3A_17 = memref.load %arg6[%get3A] : memref<512xi32, #tpu.memory_space<smem>>
      %dma_start3A = arith.constant 0 : i32
      %dma_start3A_18 = tpu.memref_slice %arg7[%add3A_16, %dma_start3A] : memref<512x64xf32, #tpu.memory_space<vmem>> -> memref<1x64xf32, #tpu.memory_space<vmem>>
      %dma_start3A_19 = tpu.memref_squeeze %dma_start3A_18 : memref<1x64xf32, #tpu.memory_space<vmem>> -> memref<64xf32, #tpu.memory_space<vmem>>
      %dma_start3A_20 = arith.constant 0 : i32
      %dma_start3A_21 = tpu.memref_slice %arg3[%get3A_17, %dma_start3A_20] : memref<1000000x64xf32, #tpu.memory_space<hbm>> -> memref<1x64xf32, #tpu.memory_space<hbm>>
      %dma_start3A_22 = tpu.memref_squeeze %dma_start3A_21 : memref<1x64xf32, #tpu.memory_space<hbm>> -> memref<64xf32, #tpu.memory_space<hbm>>
      %dma_start3A_23 = arith.constant 0 : i32
      %dma_start3A_24 = tpu.memref_slice %arg7[%add3A_16, %dma_start3A_23] : memref<512x64xf32, #tpu.memory_space<vmem>> -> memref<1x64xf32, #tpu.memory_space<vmem>>
      %dma_start3A_25 = tpu.memref_squeeze %dma_start3A_24 : memref<1x64xf32, #tpu.memory_space<vmem>> -> memref<64xf32, #tpu.memory_space<vmem>>
      %dma_start3A_26 = arith.constant 0 : i32
      %dma_start3A_27 = tpu.memref_slice %arg3[%get3A_17, %dma_start3A_26] : memref<1000000x64xf32, #tpu.memory_space<hbm>> -> memref<1x64xf32, #tpu.memory_space<hbm>>
      %dma_start3A_28 = tpu.memref_squeeze %dma_start3A_27 : memref<1x64xf32, #tpu.memory_space<hbm>> -> memref<64xf32, #tpu.memory_space<hbm>>
      tpu.enqueue_dma source(%dma_start3A_28 : memref<64xf32, #tpu.memory_space<hbm>>) target(%dma_start3A_25 : memref<64xf32, #tpu.memory_space<vmem>>) target_semaphore(%arg8 : memref<!tpu.dma_semaphore, #tpu.memory_space<semaphore_mem>>)
      %mul3A_29 = arith.constant 32 : i32
      %mul3A_30 = arith.muli %scan3A_12, %mul3A_29 : i32
      %add3A_31 = arith.constant 1 : i32
      %add3A_32 = arith.addi %mul3A_30, %add3A_31 : i32
      %get3A_33 = arith.index_cast %add3A_32 : i32 to index
      %get3A_34 = memref.load %arg6[%get3A_33] : memref<512xi32, #tpu.memory_space<smem>>
      %dma_start3A_35 = arith.constant 0 : i32
      %dma_start3A_36 = tpu.memref_slice %arg7[%add3A_32, %dma_start3A_35] : memref<512x64xf32, #tpu.memory_space<vmem>> -> memref<1x64xf32, #tpu.memory_space<vmem>>
      %dma_start3A_37 = tpu.memref_squeeze %dma_start3A_36 : memref<1x64xf32, #tpu.memory_space<vmem>> -> memref<64xf32, #tpu.memory_space<vmem>>
      %dma_start3A_38 = arith.constant 0 : i32
      %dma_start3A_39 = tpu.memref_slice %arg3[%get3A_34, %dma_start3A_38] : memref<1000000x64xf32, #tpu.memory_space<hbm>> -> memref<1x64xf32, #tpu.memory_space<hbm>>
      %dma_start3A_40 = tpu.memref_squeeze %dma_start3A_39 : memref<1x64xf32, #tpu.memory_space<hbm>> -> memref<64xf32, #tpu.memory_space<hbm>>
      %dma_start3A_41 = arith.constant 0 : i32
      %dma_start3A_42 = tpu.memref_slice %arg7[%add3A_32, %dma_start3A_41] : memref<512x64xf32, #tpu.memory_space<vmem>> -> memref<1x64xf32, #tpu.memory_space<vmem>>
      %dma_start3A_43 = tpu.memref_squeeze %dma_start3A_42 : memref<1x64xf32, #tpu.memory_space<vmem>> -> memref<64xf32, #tpu.memory_space<vmem>>
      %dma_start3A_44 = arith.constant 0 : i32
      %dma_start3A_45 = tpu.memref_slice %arg3[%get3A_34, %dma_start3A_44] : memref<1000000x64xf32, #tpu.memory_space<hbm>> -> memref<1x64xf32, #tpu.memory_space<hbm>>
      %dma_start3A_46 = tpu.memref_squeeze %dma_start3A_45 : memref<1x64xf32, #tpu.memory_space<hbm>> -> memref<64xf32, #tpu.memory_space<hbm>>
      tpu.enqueue_dma source(%dma_start3A_46 : memref<64xf32, #tpu.memory_space<hbm>>) target(%dma_start3A_43 : memref<64xf32, #tpu.memory_space<vmem>>) target_semaphore(%arg8 : memref<!tpu.dma_semaphore, #tpu.memory_space<semaphore_mem>>)
      %mul3A_47 = arith.constant 32 : i32
      %mul3A_48 = arith.muli %scan3A_12, %mul3A_47 : i32
      %add3A_49 = arith.constant 2 : i32
      %add3A_50 = arith.addi %mul3A_48, %add3A_49 : i32
      %get3A_51 = arith.index_cast %add3A_50 : i32 to index
      %get3A_52 = memref.load %arg6[%get3A_51] : memref<512xi32, #tpu.memory_space<smem>>
      %dma_start3A_53 = arith.constant 0 : i32
      %dma_start3A_54 = tpu.memref_slice %arg7[%add3A_50, %dma_start3A_53] : memref<512x64xf32, #tpu.memory_space<vmem>> -> memref<1x64xf32, #tpu.memory_space<vmem>>
      %dma_start3A_55 = tpu.memref_squeeze %dma_start3A_54 : memref<1x64xf32, #tpu.memory_space<vmem>> -> memref<64xf32, #tpu.memory_space<vmem>>
      %dma_start3A_56 = arith.constant 0 : i32
      %dma_start3A_57 = tpu.memref_slice %arg3[%get3A_52, %dma_start3A_56] : memref<1000000x64xf32, #tpu.memory_space<hbm>> -> memref<1x64xf32, #tpu.memory_space<hbm>>
      %dma_start3A_58 = tpu.memref_squeeze %dma_start3A_57 : memref<1x64xf32, #tpu.memory_space<hbm>> -> memref<64xf32, #tpu.memory_space<hbm>>
      %dma_start3A_59 = arith.constant 0 : i32
      %dma_start3A_60 = tpu.memref_slice %arg7[%add3A_50, %dma_start3A_59] : memref<512x64xf32, #tpu.memory_space<vmem>> -> memref<1x64xf32, #tpu.memory_space<vmem>>
      %dma_start3A_61 = tpu.memref_squeeze %dma_start3A_60 : memref<1x64xf32, #tpu.memory_space<vmem>> -> memref<64xf32, #tpu.memory_space<vmem>>
      %dma_start3A_62 = arith.constant 0 : i32
      %dma_start3A_63 = tpu.memref_slice %arg3[%get3A_52, %dma_start3A_62] : memref<1000000x64xf32, #tpu.memory_space<hbm>> -> memref<1x64xf32, #tpu.memory_space<hbm>>
      %dma_start3A_64 = tpu.memref_squeeze %dma_start3A_63 : memref<1x64xf32, #tpu.memory_space<hbm>> -> memref<64xf32, #tpu.memory_space<hbm>>
      tpu.enqueue_dma source(%dma_start3A_64 : memref<64xf32, #tpu.memory_space<hbm>>) target(%dma_start3A_61 : memref<64xf32, #tpu.memory_space<vmem>>) target_semaphore(%arg8 : memref<!tpu.dma_semaphore, #tpu.memory_space<semaphore_mem>>)
      %mul3A_65 = arith.constant 32 : i32
      %mul3A_66 = arith.muli %scan3A_12, %mul3A_65 : i32
      %add3A_67 = arith.constant 3 : i32
      %add3A_68 = arith.addi %mul3A_66, %add3A_67 : i32
      %get3A_69 = arith.index_cast %add3A_68 : i32 to index
      %get3A_70 = memref.load %arg6[%get3A_69] : memref<512xi32, #tpu.memory_space<smem>>
      %dma_start3A_71 = arith.constant 0 : i32
      %dma_start3A_72 = tpu.memref_slice %arg7[%add3A_68, %dma_start3A_71] : memref<512x64xf32, #tpu.memory_space<vmem>> -> memref<1x64xf32, #tpu.memory_space<vmem>>
      %dma_start3A_73 = tpu.memref_squeeze %dma_start3A_72 : memref<1x64xf32, #tpu.memory_space<vmem>> -> memref<64xf32, #tpu.memory_space<vmem>>
      %dma_start3A_74 = arith.constant 0 : i32
      %dma_start3A_75 = tpu.memref_slice %arg3[%get3A_70, %dma_start3A_74] : memref<1000000x64xf32, #tpu.memory_space<hbm>> -> memref<1x64xf32, #tpu.memory_space<hbm>>
      %dma_start3A_76 = tpu.memref_squeeze %dma_start3A_75 : memref<1x64xf32, #tpu.memory_space<hbm>> -> memref<64xf32, #tpu.memory_space<hbm>>
      %dma_start3A_77 = arith.constant 0 : i32
      %dma_start3A_78 = tpu.memref_slice %arg7[%add3A_68, %dma_start3A_77] : memref<512x64xf32, #tpu.memory_space<vmem>> -> memref<1x64xf32, #tpu.memory_space<vmem>>
      %dma_start3A_79 = tpu.memref_squeeze %dma_start3A_78 : memref<1x64xf32, #tpu.memory_space<vmem>> -> memref<64xf32, #tpu.memory_space<vmem>>
      %dma_start3A_80 = arith.constant 0 : i32
      %dma_start3A_81 = tpu.memref_slice %arg3[%get3A_70, %dma_start3A_80] : memref<1000000x64xf32, #tpu.memory_space<hbm>> -> memref<1x64xf32, #tpu.memory_space<hbm>>
      %dma_start3A_82 = tpu.memref_squeeze %dma_start3A_81 : memref<1x64xf32, #tpu.memory_space<hbm>> -> memref<64xf32, #tpu.memory_space<hbm>>
      tpu.enqueue_dma source(%dma_start3A_82 : memref<64xf32, #tpu.memory_space<hbm>>) target(%dma_start3A_79 : memref<64xf32, #tpu.memory_space<vmem>>) target_semaphore(%arg8 : memref<!tpu.dma_semaphore, #tpu.memory_space<semaphore_mem>>)
      %mul3A_83 = arith.constant 32 : i32
      %mul3A_84 = arith.muli %scan3A_12, %mul3A_83 : i32
      %add3A_85 = arith.constant 4 : i32
      %add3A_86 = arith.addi %mul3A_84, %add3A_85 : i32
      %get3A_87 = arith.index_cast %add3A_86 : i32 to index
      %get3A_88 = memref.load %arg6[%get3A_87] : memref<512xi32, #tpu.memory_space<smem>>
      %dma_start3A_89 = arith.constant 0 : i32
      %dma_start3A_90 = tpu.memref_slice %arg7[%add3A_86, %dma_start3A_89] : memref<512x64xf32, #tpu.memory_space<vmem>> -> memref<1x64xf32, #tpu.memory_space<vmem>>
      %dma_start3A_91 = tpu.memref_squeeze %dma_start3A_90 : memref<1x64xf32, #tpu.memory_space<vmem>> -> memref<64xf32, #tpu.memory_space<vmem>>
      %dma_start3A_92 = arith.constant 0 : i32
      %dma_start3A_93 = tpu.memref_slice %arg3[%get3A_88, %dma_start3A_92] : memref<1000000x64xf32, #tpu.memory_space<hbm>> -> memref<1x64xf32, #tpu.memory_space<hbm>>
      %dma_start3A_94 = tpu.memref_squeeze %dma_start3A_93 : memref<1x64xf32, #tpu.memory_space<hbm>> -> memref<64xf32, #tpu.memory_space<hbm>>
      %dma_start3A_95 = arith.constant 0 : i32
      %dma_start3A_96 = tpu.memref_slice %arg7[%add3A_86, %dma_start3A_95] : memref<512x64xf32, #tpu.memory_space<vmem>> -> memref<1x64xf32, #tpu.memory_space<vmem>>
      %dma_start3A_97 = tpu.memref_squeeze %dma_start3A_96 : memref<1x64xf32, #tpu.memory_space<vmem>> -> memref<64xf32, #tpu.memory_space<vmem>>
      %dma_start3A_98 = arith.constant 0 : i32
      %dma_start3A_99 = tpu.memref_slice %arg3[%get3A_88, %dma_start3A_98] : memref<1000000x64xf32, #tpu.memory_space<hbm>> -> memref<1x64xf32, #tpu.memory_space<hbm>>
      %dma_start3A_100 = tpu.memref_squeeze %dma_start3A_99 : memref<1x64xf32, #tpu.memory_space<hbm>> -> memref<64xf32, #tpu.memory_space<hbm>>
      tpu.enqueue_dma source(%dma_start3A_100 : memref<64xf32, #tpu.memory_space<hbm>>) target(%dma_start3A_97 : memref<64xf32, #tpu.memory_space<vmem>>) target_semaphore(%arg8 : memref<!tpu.dma_semaphore, #tpu.memory_space<semaphore_mem>>)
      %mul3A_101 = arith.constant 32 : i32
      %mul3A_102 = arith.muli %scan3A_12, %mul3A_101 : i32
      %add3A_103 = arith.constant 5 : i32
      %add3A_104 = arith.addi %mul3A_102, %add3A_103 : i32
      %get3A_105 = arith.index_cast %add3A_104 : i32 to index
      %get3A_106 = memref.load %arg6[%get3A_105] : memref<512xi32, #tpu.memory_space<smem>>
      %dma_start3A_107 = arith.constant 0 : i32
      %dma_start3A_108 = tpu.memref_slice %arg7[%add3A_104, %dma_start3A_107] : memref<512x64xf32, #tpu.memory_space<vmem>> -> memref<1x64xf32, #tpu.memory_space<vmem>>
      %dma_start3A_109 = tpu.memref_squeeze %dma_start3A_108 : memref<1x64xf32, #tpu.memory_space<vmem>> -> memref<64xf32, #tpu.memory_space<vmem>>
      %dma_start3A_110 = arith.constant 0 : i32
      %dma_start3A_111 = tpu.memref_slice %arg3[%get3A_106, %dma_start3A_110] : memref<1000000x64xf32, #tpu.memory_space<hbm>> -> memref<1x64xf32, #tpu.memory_space<hbm>>
      %dma_start3A_112 = tpu.memref_squeeze %dma_start3A_111 : memref<1x64xf32, #tpu.memory_space<hbm>> -> memref<64xf32, #tpu.memory_space<hbm>>
      %dma_start3A_113 = arith.constant 0 : i32
      %dma_start3A_114 = tpu.memref_slice %arg7[%add3A_104, %dma_start3A_113] : memref<512x64xf32, #tpu.memory_space<vmem>> -> memref<1x64xf32, #tpu.memory_space<vmem>>
      %dma_start3A_115 = tpu.memref_squeeze %dma_start3A_114 : memref<1x64xf32, #tpu.memory_space<vmem>> -> memref<64xf32, #tpu.memory_space<vmem>>
      %dma_start3A_116 = arith.constant 0 : i32
      %dma_start3A_117 = tpu.memref_slice %arg3[%get3A_106, %dma_start3A_116] : memref<1000000x64xf32, #tpu.memory_space<hbm>> -> memref<1x64xf32, #tpu.memory_space<hbm>>
      %dma_start3A_118 = tpu.memref_squeeze %dma_start3A_117 : memref<1x64xf32, #tpu.memory_space<hbm>> -> memref<64xf32, #tpu.memory_space<hbm>>
      tpu.enqueue_dma source(%dma_start3A_118 : memref<64xf32, #tpu.memory_space<hbm>>) target(%dma_start3A_115 : memref<64xf32, #tpu.memory_space<vmem>>) target_semaphore(%arg8 : memref<!tpu.dma_semaphore, #tpu.memory_space<semaphore_mem>>)
      %mul3A_119 = arith.constant 32 : i32
      %mul3A_120 = arith.muli %scan3A_12, %mul3A_119 : i32
      %add3A_121 = arith.constant 6 : i32
      %add3A_122 = arith.addi %mul3A_120, %add3A_121 : i32
      %get3A_123 = arith.index_cast %add3A_122 : i32 to index
      %get3A_124 = memref.load %arg6[%get3A_123] : memref<512xi32, #tpu.memory_space<smem>>
      %dma_start3A_125 = arith.constant 0 : i32
      %dma_start3A_126 = tpu.memref_slice %arg7[%add3A_122, %dma_start3A_125] : memref<512x64xf32, #tpu.memory_space<vmem>> -> memref<1x64xf32, #tpu.memory_space<vmem>>
      %dma_start3A_127 = tpu.memref_squeeze %dma_start3A_126 : memref<1x64xf32, #tpu.memory_space<vmem>> -> memref<64xf32, #tpu.memory_space<vmem>>
      %dma_start3A_128 = arith.constant 0 : i32
      %dma_start3A_129 = tpu.memref_slice %arg3[%get3A_124, %dma_start3A_128] : memref<1000000x64xf32, #tpu.memory_space<hbm>> -> memref<1x64xf32, #tpu.memory_space<hbm>>
      %dma_start3A_130 = tpu.memref_squeeze %dma_start3A_129 : memref<1x64xf32, #tpu.memory_space<hbm>> -> memref<64xf32, #tpu.memory_space<hbm>>
      %dma_start3A_131 = arith.constant 0 : i32
      %dma_start3A_132 = tpu.memref_slice %arg7[%add3A_122, %dma_start3A_131] : memref<512x64xf32, #tpu.memory_space<vmem>> -> memref<1x64xf32, #tpu.memory_space<vmem>>
      %dma_start3A_133 = tpu.memref_squeeze %dma_start3A_132 : memref<1x64xf32, #tpu.memory_space<vmem>> -> memref<64xf32, #tpu.memory_space<vmem>>
      %dma_start3A_134 = arith.constant 0 : i32
      %dma_start3A_135 = tpu.memref_slice %arg3[%get3A_124, %dma_start3A_134] : memref<1000000x64xf32, #tpu.memory_space<hbm>> -> memref<1x64xf32, #tpu.memory_space<hbm>>
      %dma_start3A_136 = tpu.memref_squeeze %dma_start3A_135 : memref<1x64xf32, #tpu.memory_space<hbm>> -> memref<64xf32, #tpu.memory_space<hbm>>
      tpu.enqueue_dma source(%dma_start3A_136 : memref<64xf32, #tpu.memory_space<hbm>>) target(%dma_start3A_133 : memref<64xf32, #tpu.memory_space<vmem>>) target_semaphore(%arg8 : memref<!tpu.dma_semaphore, #tpu.memory_space<semaphore_mem>>)
      %mul3A_137 = arith.constant 32 : i32
      %mul3A_138 = arith.muli %scan3A_12, %mul3A_137 : i32
      %add3A_139 = arith.constant 7 : i32
      %add3A_140 = arith.addi %mul3A_138, %add3A_139 : i32
      %get3A_141 = arith.index_cast %add3A_140 : i32 to index
      %get3A_142 = memref.load %arg6[%get3A_141] : memref<512xi32, #tpu.memory_space<smem>>
      %dma_start3A_143 = arith.constant 0 : i32
      %dma_start3A_144 = tpu.memref_slice %arg7[%add3A_140, %dma_start3A_143] : memref<512x64xf32, #tpu.memory_space<vmem>> -> memref<1x64xf32, #tpu.memory_space<vmem>>
      %dma_start3A_145 = tpu.memref_squeeze %dma_start3A_144 : memref<1x64xf32, #tpu.memory_space<vmem>> -> memref<64xf32, #tpu.memory_space<vmem>>
      %dma_start3A_146 = arith.constant 0 : i32
      %dma_start3A_147 = tpu.memref_slice %arg3[%get3A_142, %dma_start3A_146] : memref<1000000x64xf32, #tpu.memory_space<hbm>> -> memref<1x64xf32, #tpu.memory_space<hbm>>
      %dma_start3A_148 = tpu.memref_squeeze %dma_start3A_147 : memref<1x64xf32, #tpu.memory_space<hbm>> -> memref<64xf32, #tpu.memory_space<hbm>>
      %dma_start3A_149 = arith.constant 0 : i32
      %dma_start3A_150 = tpu.memref_slice %arg7[%add3A_140, %dma_start3A_149] : memref<512x64xf32, #tpu.memory_space<vmem>> -> memref<1x64xf32, #tpu.memory_space<vmem>>
      %dma_start3A_151 = tpu.memref_squeeze %dma_start3A_150 : memref<1x64xf32, #tpu.memory_space<vmem>> -> memref<64xf32, #tpu.memory_space<vmem>>
      %dma_start3A_152 = arith.constant 0 : i32
      %dma_start3A_153 = tpu.memref_slice %arg3[%get3A_142, %dma_start3A_152] : memref<1000000x64xf32, #tpu.memory_space<hbm>> -> memref<1x64xf32, #tpu.memory_space<hbm>>
      %dma_start3A_154 = tpu.memref_squeeze %dma_start3A_153 : memref<1x64xf32, #tpu.memory_space<hbm>> -> memref<64xf32, #tpu.memory_space<hbm>>
      tpu.enqueue_dma source(%dma_start3A_154 : memref<64xf32, #tpu.memory_space<hbm>>) target(%dma_start3A_151 : memref<64xf32, #tpu.memory_space<vmem>>) target_semaphore(%arg8 : memref<!tpu.dma_semaphore, #tpu.memory_space<semaphore_mem>>)
      %mul3A_155 = arith.constant 32 : i32
      %mul3A_156 = arith.muli %scan3A_12, %mul3A_155 : i32
      %add3A_157 = arith.constant 8 : i32
      %add3A_158 = arith.addi %mul3A_156, %add3A_157 : i32
      %get3A_159 = arith.index_cast %add3A_158 : i32 to index
      %get3A_160 = memref.load %arg6[%get3A_159] : memref<512xi32, #tpu.memory_space<smem>>
      %dma_start3A_161 = arith.constant 0 : i32
      %dma_start3A_162 = tpu.memref_slice %arg7[%add3A_158, %dma_start3A_161] : memref<512x64xf32, #tpu.memory_space<vmem>> -> memref<1x64xf32, #tpu.memory_space<vmem>>
      %dma_start3A_163 = tpu.memref_squeeze %dma_start3A_162 : memref<1x64xf32, #tpu.memory_space<vmem>> -> memref<64xf32, #tpu.memory_space<vmem>>
      %dma_start3A_164 = arith.constant 0 : i32
      %dma_start3A_165 = tpu.memref_slice %arg3[%get3A_160, %dma_start3A_164] : memref<1000000x64xf32, #tpu.memory_space<hbm>> -> memref<1x64xf32, #tpu.memory_space<hbm>>
      %dma_start3A_166 = tpu.memref_squeeze %dma_start3A_165 : memref<1x64xf32, #tpu.memory_space<hbm>> -> memref<64xf32, #tpu.memory_space<hbm>>
      %dma_start3A_167 = arith.constant 0 : i32
      %dma_start3A_168 = tpu.memref_slice %arg7[%add3A_158, %dma_start3A_167] : memref<512x64xf32, #tpu.memory_space<vmem>> -> memref<1x64xf32, #tpu.memory_space<vmem>>
      %dma_start3A_169 = tpu.memref_squeeze %dma_start3A_168 : memref<1x64xf32, #tpu.memory_space<vmem>> -> memref<64xf32, #tpu.memory_space<vmem>>
      %dma_start3A_170 = arith.constant 0 : i32
      %dma_start3A_171 = tpu.memref_slice %arg3[%get3A_160, %dma_start3A_170] : memref<1000000x64xf32, #tpu.memory_space<hbm>> -> memref<1x64xf32, #tpu.memory_space<hbm>>
      %dma_start3A_172 = tpu.memref_squeeze %dma_start3A_171 : memref<1x64xf32, #tpu.memory_space<hbm>> -> memref<64xf32, #tpu.memory_space<hbm>>
      tpu.enqueue_dma source(%dma_start3A_172 : memref<64xf32, #tpu.memory_space<hbm>>) target(%dma_start3A_169 : memref<64xf32, #tpu.memory_space<vmem>>) target_semaphore(%arg8 : memref<!tpu.dma_semaphore, #tpu.memory_space<semaphore_mem>>)
      %mul3A_173 = arith.constant 32 : i32
      %mul3A_174 = arith.muli %scan3A_12, %mul3A_173 : i32
      %add3A_175 = arith.constant 9 : i32
      %add3A_176 = arith.addi %mul3A_174, %add3A_175 : i32
      %get3A_177 = arith.index_cast %add3A_176 : i32 to index
      %get3A_178 = memref.load %arg6[%get3A_177] : memref<512xi32, #tpu.memory_space<smem>>
      %dma_start3A_179 = arith.constant 0 : i32
      %dma_start3A_180 = tpu.memref_slice %arg7[%add3A_176, %dma_start3A_179] : memref<512x64xf32, #tpu.memory_space<vmem>> -> memref<1x64xf32, #tpu.memory_space<vmem>>
      %dma_start3A_181 = tpu.memref_squeeze %dma_start3A_180 : memref<1x64xf32, #tpu.memory_space<vmem>> -> memref<64xf32, #tpu.memory_space<vmem>>
      %dma_start3A_182 = arith.constant 0 : i32
      %dma_start3A_183 = tpu.memref_slice %arg3[%get3A_178, %dma_start3A_182] : memref<1000000x64xf32, #tpu.memory_space<hbm>> -> memref<1x64xf32, #tpu.memory_space<hbm>>
      %dma_start3A_184 = tpu.memref_squeeze %dma_start3A_183 : memref<1x64xf32, #tpu.memory_space<hbm>> -> memref<64xf32, #tpu.memory_space<hbm>>
      %dma_start3A_185 = arith.constant 0 : i32
      %dma_start3A_186 = tpu.memref_slice %arg7[%add3A_176, %dma_start3A_185] : memref<512x64xf32, #tpu.memory_space<vmem>> -> memref<1x64xf32, #tpu.memory_space<vmem>>
      %dma_start3A_187 = tpu.memref_squeeze %dma_start3A_186 : memref<1x64xf32, #tpu.memory_space<vmem>> -> memref<64xf32, #tpu.memory_space<vmem>>
      %dma_start3A_188 = arith.constant 0 : i32
      %dma_start3A_189 = tpu.memref_slice %arg3[%get3A_178, %dma_start3A_188] : memref<1000000x64xf32, #tpu.memory_space<hbm>> -> memref<1x64xf32, #tpu.memory_space<hbm>>
      %dma_start3A_190 = tpu.memref_squeeze %dma_start3A_189 : memref<1x64xf32, #tpu.memory_space<hbm>> -> memref<64xf32, #tpu.memory_space<hbm>>
      tpu.enqueue_dma source(%dma_start3A_190 : memref<64xf32, #tpu.memory_space<hbm>>) target(%dma_start3A_187 : memref<64xf32, #tpu.memory_space<vmem>>) target_semaphore(%arg8 : memref<!tpu.dma_semaphore, #tpu.memory_space<semaphore_mem>>)
      %mul3A_191 = arith.constant 32 : i32
      %mul3A_192 = arith.muli %scan3A_12, %mul3A_191 : i32
      %add3A_193 = arith.constant 10 : i32
      %add3A_194 = arith.addi %mul3A_192, %add3A_193 : i32
      %get3A_195 = arith.index_cast %add3A_194 : i32 to index
      %get3A_196 = memref.load %arg6[%get3A_195] : memref<512xi32, #tpu.memory_space<smem>>
      %dma_start3A_197 = arith.constant 0 : i32
      %dma_start3A_198 = tpu.memref_slice %arg7[%add3A_194, %dma_start3A_197] : memref<512x64xf32, #tpu.memory_space<vmem>> -> memref<1x64xf32, #tpu.memory_space<vmem>>
      %dma_start3A_199 = tpu.memref_squeeze %dma_start3A_198 : memref<1x64xf32, #tpu.memory_space<vmem>> -> memref<64xf32, #tpu.memory_space<vmem>>
      %dma_start3A_200 = arith.constant 0 : i32
      %dma_start3A_201 = tpu.memref_slice %arg3[%get3A_196, %dma_start3A_200] : memref<1000000x64xf32, #tpu.memory_space<hbm>> -> memref<1x64xf32, #tpu.memory_space<hbm>>
      %dma_start3A_202 = tpu.memref_squeeze %dma_start3A_201 : memref<1x64xf32, #tpu.memory_space<hbm>> -> memref<64xf32, #tpu.memory_space<hbm>>
      %dma_start3A_203 = arith.constant 0 : i32
      %dma_start3A_204 = tpu.memref_slice %arg7[%add3A_194, %dma_start3A_203] : memref<512x64xf32, #tpu.memory_space<vmem>> -> memref<1x64xf32, #tpu.memory_space<vmem>>
      %dma_start3A_205 = tpu.memref_squeeze %dma_start3A_204 : memref<1x64xf32, #tpu.memory_space<vmem>> -> memref<64xf32, #tpu.memory_space<vmem>>
      %dma_start3A_206 = arith.constant 0 : i32
      %dma_start3A_207 = tpu.memref_slice %arg3[%get3A_196, %dma_start3A_206] : memref<1000000x64xf32, #tpu.memory_space<hbm>> -> memref<1x64xf32, #tpu.memory_space<hbm>>
      %dma_start3A_208 = tpu.memref_squeeze %dma_start3A_207 : memref<1x64xf32, #tpu.memory_space<hbm>> -> memref<64xf32, #tpu.memory_space<hbm>>
      tpu.enqueue_dma source(%dma_start3A_208 : memref<64xf32, #tpu.memory_space<hbm>>) target(%dma_start3A_205 : memref<64xf32, #tpu.memory_space<vmem>>) target_semaphore(%arg8 : memref<!tpu.dma_semaphore, #tpu.memory_space<semaphore_mem>>)
      %mul3A_209 = arith.constant 32 : i32
      %mul3A_210 = arith.muli %scan3A_12, %mul3A_209 : i32
      %add3A_211 = arith.constant 11 : i32
      %add3A_212 = arith.addi %mul3A_210, %add3A_211 : i32
      %get3A_213 = arith.index_cast %add3A_212 : i32 to index
      %get3A_214 = memref.load %arg6[%get3A_213] : memref<512xi32, #tpu.memory_space<smem>>
      %dma_start3A_215 = arith.constant 0 : i32
      %dma_start3A_216 = tpu.memref_slice %arg7[%add3A_212, %dma_start3A_215] : memref<512x64xf32, #tpu.memory_space<vmem>> -> memref<1x64xf32, #tpu.memory_space<vmem>>
      %dma_start3A_217 = tpu.memref_squeeze %dma_start3A_216 : memref<1x64xf32, #tpu.memory_space<vmem>> -> memref<64xf32, #tpu.memory_space<vmem>>
      %dma_start3A_218 = arith.constant 0 : i32
      %dma_start3A_219 = tpu.memref_slice %arg3[%get3A_214, %dma_start3A_218] : memref<1000000x64xf32, #tpu.memory_space<hbm>> -> memref<1x64xf32, #tpu.memory_space<hbm>>
      %dma_start3A_220 = tpu.memref_squeeze %dma_start3A_219 : memref<1x64xf32, #tpu.memory_space<hbm>> -> memref<64xf32, #tpu.memory_space<hbm>>
      %dma_start3A_221 = arith.constant 0 : i32
      %dma_start3A_222 = tpu.memref_slice %arg7[%add3A_212, %dma_start3A_221] : memref<512x64xf32, #tpu.memory_space<vmem>> -> memref<1x64xf32, #tpu.memory_space<vmem>>
      %dma_start3A_223 = tpu.memref_squeeze %dma_start3A_222 : memref<1x64xf32, #tpu.memory_space<vmem>> -> memref<64xf32, #tpu.memory_space<vmem>>
      %dma_start3A_224 = arith.constant 0 : i32
      %dma_start3A_225 = tpu.memref_slice %arg3[%get3A_214, %dma_start3A_224] : memref<1000000x64xf32, #tpu.memory_space<hbm>> -> memref<1x64xf32, #tpu.memory_space<hbm>>
      %dma_start3A_226 = tpu.memref_squeeze %dma_start3A_225 : memref<1x64xf32, #tpu.memory_space<hbm>> -> memref<64xf32, #tpu.memory_space<hbm>>
      tpu.enqueue_dma source(%dma_start3A_226 : memref<64xf32, #tpu.memory_space<hbm>>) target(%dma_start3A_223 : memref<64xf32, #tpu.memory_space<vmem>>) target_semaphore(%arg8 : memref<!tpu.dma_semaphore, #tpu.memory_space<semaphore_mem>>)
      %mul3A_227 = arith.constant 32 : i32
      %mul3A_228 = arith.muli %scan3A_12, %mul3A_227 : i32
      %add3A_229 = arith.constant 12 : i32
      %add3A_230 = arith.addi %mul3A_228, %add3A_229 : i32
      %get3A_231 = arith.index_cast %add3A_230 : i32 to index
      %get3A_232 = memref.load %arg6[%get3A_231] : memref<512xi32, #tpu.memory_space<smem>>
      %dma_start3A_233 = arith.constant 0 : i32
      %dma_start3A_234 = tpu.memref_slice %arg7[%add3A_230, %dma_start3A_233] : memref<512x64xf32, #tpu.memory_space<vmem>> -> memref<1x64xf32, #tpu.memory_space<vmem>>
      %dma_start3A_235 = tpu.memref_squeeze %dma_start3A_234 : memref<1x64xf32, #tpu.memory_space<vmem>> -> memref<64xf32, #tpu.memory_space<vmem>>
      %dma_start3A_236 = arith.constant 0 : i32
      %dma_start3A_237 = tpu.memref_slice %arg3[%get3A_232, %dma_start3A_236] : memref<1000000x64xf32, #tpu.memory_space<hbm>> -> memref<1x64xf32, #tpu.memory_space<hbm>>
      %dma_start3A_238 = tpu.memref_squeeze %dma_start3A_237 : memref<1x64xf32, #tpu.memory_space<hbm>> -> memref<64xf32, #tpu.memory_space<hbm>>
      %dma_start3A_239 = arith.constant 0 : i32
      %dma_start3A_240 = tpu.memref_slice %arg7[%add3A_230, %dma_start3A_239] : memref<512x64xf32, #tpu.memory_space<vmem>> -> memref<1x64xf32, #tpu.memory_space<vmem>>
      %dma_start3A_241 = tpu.memref_squeeze %dma_start3A_240 : memref<1x64xf32, #tpu.memory_space<vmem>> -> memref<64xf32, #tpu.memory_space<vmem>>
      %dma_start3A_242 = arith.constant 0 : i32
      %dma_start3A_243 = tpu.memref_slice %arg3[%get3A_232, %dma_start3A_242] : memref<1000000x64xf32, #tpu.memory_space<hbm>> -> memref<1x64xf32, #tpu.memory_space<hbm>>
      %dma_start3A_244 = tpu.memref_squeeze %dma_start3A_243 : memref<1x64xf32, #tpu.memory_space<hbm>> -> memref<64xf32, #tpu.memory_space<hbm>>
      tpu.enqueue_dma source(%dma_start3A_244 : memref<64xf32, #tpu.memory_space<hbm>>) target(%dma_start3A_241 : memref<64xf32, #tpu.memory_space<vmem>>) target_semaphore(%arg8 : memref<!tpu.dma_semaphore, #tpu.memory_space<semaphore_mem>>)
      %mul3A_245 = arith.constant 32 : i32
      %mul3A_246 = arith.muli %scan3A_12, %mul3A_245 : i32
      %add3A_247 = arith.constant 13 : i32
      %add3A_248 = arith.addi %mul3A_246, %add3A_247 : i32
      %get3A_249 = arith.index_cast %add3A_248 : i32 to index
      %get3A_250 = memref.load %arg6[%get3A_249] : memref<512xi32, #tpu.memory_space<smem>>
      %dma_start3A_251 = arith.constant 0 : i32
      %dma_start3A_252 = tpu.memref_slice %arg7[%add3A_248, %dma_start3A_251] : memref<512x64xf32, #tpu.memory_space<vmem>> -> memref<1x64xf32, #tpu.memory_space<vmem>>
      %dma_start3A_253 = tpu.memref_squeeze %dma_start3A_252 : memref<1x64xf32, #tpu.memory_space<vmem>> -> memref<64xf32, #tpu.memory_space<vmem>>
      %dma_start3A_254 = arith.constant 0 : i32
      %dma_start3A_255 = tpu.memref_slice %arg3[%get3A_250, %dma_start3A_254] : memref<1000000x64xf32, #tpu.memory_space<hbm>> -> memref<1x64xf32, #tpu.memory_space<hbm>>
      %dma_start3A_256 = tpu.memref_squeeze %dma_start3A_255 : memref<1x64xf32, #tpu.memory_space<hbm>> -> memref<64xf32, #tpu.memory_space<hbm>>
      %dma_start3A_257 = arith.constant 0 : i32
      %dma_start3A_258 = tpu.memref_slice %arg7[%add3A_248, %dma_start3A_257] : memref<512x64xf32, #tpu.memory_space<vmem>> -> memref<1x64xf32, #tpu.memory_space<vmem>>
      %dma_start3A_259 = tpu.memref_squeeze %dma_start3A_258 : memref<1x64xf32, #tpu.memory_space<vmem>> -> memref<64xf32, #tpu.memory_space<vmem>>
      %dma_start3A_260 = arith.constant 0 : i32
      %dma_start3A_261 = tpu.memref_slice %arg3[%get3A_250, %dma_start3A_260] : memref<1000000x64xf32, #tpu.memory_space<hbm>> -> memref<1x64xf32, #tpu.memory_space<hbm>>
      %dma_start3A_262 = tpu.memref_squeeze %dma_start3A_261 : memref<1x64xf32, #tpu.memory_space<hbm>> -> memref<64xf32, #tpu.memory_space<hbm>>
      tpu.enqueue_dma source(%dma_start3A_262 : memref<64xf32, #tpu.memory_space<hbm>>) target(%dma_start3A_259 : memref<64xf32, #tpu.memory_space<vmem>>) target_semaphore(%arg8 : memref<!tpu.dma_semaphore, #tpu.memory_space<semaphore_mem>>)
      %mul3A_263 = arith.constant 32 : i32
      %mul3A_264 = arith.muli %scan3A_12, %mul3A_263 : i32
      %add3A_265 = arith.constant 14 : i32
      %add3A_266 = arith.addi %mul3A_264, %add3A_265 : i32
      %get3A_267 = arith.index_cast %add3A_266 : i32 to index
      %get3A_268 = memref.load %arg6[%get3A_267] : memref<512xi32, #tpu.memory_space<smem>>
      %dma_start3A_269 = arith.constant 0 : i32
      %dma_start3A_270 = tpu.memref_slice %arg7[%add3A_266, %dma_start3A_269] : memref<512x64xf32, #tpu.memory_space<vmem>> -> memref<1x64xf32, #tpu.memory_space<vmem>>
      %dma_start3A_271 = tpu.memref_squeeze %dma_start3A_270 : memref<1x64xf32, #tpu.memory_space<vmem>> -> memref<64xf32, #tpu.memory_space<vmem>>
      %dma_start3A_272 = arith.constant 0 : i32
      %dma_start3A_273 = tpu.memref_slice %arg3[%get3A_268, %dma_start3A_272] : memref<1000000x64xf32, #tpu.memory_space<hbm>> -> memref<1x64xf32, #tpu.memory_space<hbm>>
      %dma_start3A_274 = tpu.memref_squeeze %dma_start3A_273 : memref<1x64xf32, #tpu.memory_space<hbm>> -> memref<64xf32, #tpu.memory_space<hbm>>
      %dma_start3A_275 = arith.constant 0 : i32
      %dma_start3A_276 = tpu.memref_slice %arg7[%add3A_266, %dma_start3A_275] : memref<512x64xf32, #tpu.memory_space<vmem>> -> memref<1x64xf32, #tpu.memory_space<vmem>>
      %dma_start3A_277 = tpu.memref_squeeze %dma_start3A_276 : memref<1x64xf32, #tpu.memory_space<vmem>> -> memref<64xf32, #tpu.memory_space<vmem>>
      %dma_start3A_278 = arith.constant 0 : i32
      %dma_start3A_279 = tpu.memref_slice %arg3[%get3A_268, %dma_start3A_278] : memref<1000000x64xf32, #tpu.memory_space<hbm>> -> memref<1x64xf32, #tpu.memory_space<hbm>>
      %dma_start3A_280 = tpu.memref_squeeze %dma_start3A_279 : memref<1x64xf32, #tpu.memory_space<hbm>> -> memref<64xf32, #tpu.memory_space<hbm>>
      tpu.enqueue_dma source(%dma_start3A_280 : memref<64xf32, #tpu.memory_space<hbm>>) target(%dma_start3A_277 : memref<64xf32, #tpu.memory_space<vmem>>) target_semaphore(%arg8 : memref<!tpu.dma_semaphore, #tpu.memory_space<semaphore_mem>>)
      %mul3A_281 = arith.constant 32 : i32
      %mul3A_282 = arith.muli %scan3A_12, %mul3A_281 : i32
      %add3A_283 = arith.constant 15 : i32
      %add3A_284 = arith.addi %mul3A_282, %add3A_283 : i32
      %get3A_285 = arith.index_cast %add3A_284 : i32 to index
      %get3A_286 = memref.load %arg6[%get3A_285] : memref<512xi32, #tpu.memory_space<smem>>
      %dma_start3A_287 = arith.constant 0 : i32
      %dma_start3A_288 = tpu.memref_slice %arg7[%add3A_284, %dma_start3A_287] : memref<512x64xf32, #tpu.memory_space<vmem>> -> memref<1x64xf32, #tpu.memory_space<vmem>>
      %dma_start3A_289 = tpu.memref_squeeze %dma_start3A_288 : memref<1x64xf32, #tpu.memory_space<vmem>> -> memref<64xf32, #tpu.memory_space<vmem>>
      %dma_start3A_290 = arith.constant 0 : i32
      %dma_start3A_291 = tpu.memref_slice %arg3[%get3A_286, %dma_start3A_290] : memref<1000000x64xf32, #tpu.memory_space<hbm>> -> memref<1x64xf32, #tpu.memory_space<hbm>>
      %dma_start3A_292 = tpu.memref_squeeze %dma_start3A_291 : memref<1x64xf32, #tpu.memory_space<hbm>> -> memref<64xf32, #tpu.memory_space<hbm>>
      %dma_start3A_293 = arith.constant 0 : i32
      %dma_start3A_294 = tpu.memref_slice %arg7[%add3A_284, %dma_start3A_293] : memref<512x64xf32, #tpu.memory_space<vmem>> -> memref<1x64xf32, #tpu.memory_space<vmem>>
      %dma_start3A_295 = tpu.memref_squeeze %dma_start3A_294 : memref<1x64xf32, #tpu.memory_space<vmem>> -> memref<64xf32, #tpu.memory_space<vmem>>
      %dma_start3A_296 = arith.constant 0 : i32
      %dma_start3A_297 = tpu.memref_slice %arg3[%get3A_286, %dma_start3A_296] : memref<1000000x64xf32, #tpu.memory_space<hbm>> -> memref<1x64xf32, #tpu.memory_space<hbm>>
      %dma_start3A_298 = tpu.memref_squeeze %dma_start3A_297 : memref<1x64xf32, #tpu.memory_space<hbm>> -> memref<64xf32, #tpu.memory_space<hbm>>
      tpu.enqueue_dma source(%dma_start3A_298 : memref<64xf32, #tpu.memory_space<hbm>>) target(%dma_start3A_295 : memref<64xf32, #tpu.memory_space<vmem>>) target_semaphore(%arg8 : memref<!tpu.dma_semaphore, #tpu.memory_space<semaphore_mem>>)
      %mul3A_299 = arith.constant 32 : i32
      %mul3A_300 = arith.muli %scan3A_12, %mul3A_299 : i32
      %add3A_301 = arith.constant 16 : i32
      %add3A_302 = arith.addi %mul3A_300, %add3A_301 : i32
      %get3A_303 = arith.index_cast %add3A_302 : i32 to index
      %get3A_304 = memref.load %arg6[%get3A_303] : memref<512xi32, #tpu.memory_space<smem>>
      %dma_start3A_305 = arith.constant 0 : i32
      %dma_start3A_306 = tpu.memref_slice %arg7[%add3A_302, %dma_start3A_305] : memref<512x64xf32, #tpu.memory_space<vmem>> -> memref<1x64xf32, #tpu.memory_space<vmem>>
      %dma_start3A_307 = tpu.memref_squeeze %dma_start3A_306 : memref<1x64xf32, #tpu.memory_space<vmem>> -> memref<64xf32, #tpu.memory_space<vmem>>
      %dma_start3A_308 = arith.constant 0 : i32
      %dma_start3A_309 = tpu.memref_slice %arg3[%get3A_304, %dma_start3A_308] : memref<1000000x64xf32, #tpu.memory_space<hbm>> -> memref<1x64xf32, #tpu.memory_space<hbm>>
      %dma_start3A_310 = tpu.memref_squeeze %dma_start3A_309 : memref<1x64xf32, #tpu.memory_space<hbm>> -> memref<64xf32, #tpu.memory_space<hbm>>
      %dma_start3A_311 = arith.constant 0 : i32
      %dma_start3A_312 = tpu.memref_slice %arg7[%add3A_302, %dma_start3A_311] : memref<512x64xf32, #tpu.memory_space<vmem>> -> memref<1x64xf32, #tpu.memory_space<vmem>>
      %dma_start3A_313 = tpu.memref_squeeze %dma_start3A_312 : memref<1x64xf32, #tpu.memory_space<vmem>> -> memref<64xf32, #tpu.memory_space<vmem>>
      %dma_start3A_314 = arith.constant 0 : i32
      %dma_start3A_315 = tpu.memref_slice %arg3[%get3A_304, %dma_start3A_314] : memref<1000000x64xf32, #tpu.memory_space<hbm>> -> memref<1x64xf32, #tpu.memory_space<hbm>>
      %dma_start3A_316 = tpu.memref_squeeze %dma_start3A_315 : memref<1x64xf32, #tpu.memory_space<hbm>> -> memref<64xf32, #tpu.memory_space<hbm>>
      tpu.enqueue_dma source(%dma_start3A_316 : memref<64xf32, #tpu.memory_space<hbm>>) target(%dma_start3A_313 : memref<64xf32, #tpu.memory_space<vmem>>) target_semaphore(%arg8 : memref<!tpu.dma_semaphore, #tpu.memory_space<semaphore_mem>>)
      %mul3A_317 = arith.constant 32 : i32
      %mul3A_318 = arith.muli %scan3A_12, %mul3A_317 : i32
      %add3A_319 = arith.constant 17 : i32
      %add3A_320 = arith.addi %mul3A_318, %add3A_319 : i32
      %get3A_321 = arith.index_cast %add3A_320 : i32 to index
      %get3A_322 = memref.load %arg6[%get3A_321] : memref<512xi32, #tpu.memory_space<smem>>
      %dma_start3A_323 = arith.constant 0 : i32
      %dma_start3A_324 = tpu.memref_slice %arg7[%add3A_320, %dma_start3A_323] : memref<512x64xf32, #tpu.memory_space<vmem>> -> memref<1x64xf32, #tpu.memory_space<vmem>>
      %dma_start3A_325 = tpu.memref_squeeze %dma_start3A_324 : memref<1x64xf32, #tpu.memory_space<vmem>> -> memref<64xf32, #tpu.memory_space<vmem>>
      %dma_start3A_326 = arith.constant 0 : i32
      %dma_start3A_327 = tpu.memref_slice %arg3[%get3A_322, %dma_start3A_326] : memref<1000000x64xf32, #tpu.memory_space<hbm>> -> memref<1x64xf32, #tpu.memory_space<hbm>>
      %dma_start3A_328 = tpu.memref_squeeze %dma_start3A_327 : memref<1x64xf32, #tpu.memory_space<hbm>> -> memref<64xf32, #tpu.memory_space<hbm>>
      %dma_start3A_329 = arith.constant 0 : i32
      %dma_start3A_330 = tpu.memref_slice %arg7[%add3A_320, %dma_start3A_329] : memref<512x64xf32, #tpu.memory_space<vmem>> -> memref<1x64xf32, #tpu.memory_space<vmem>>
      %dma_start3A_331 = tpu.memref_squeeze %dma_start3A_330 : memref<1x64xf32, #tpu.memory_space<vmem>> -> memref<64xf32, #tpu.memory_space<vmem>>
      %dma_start3A_332 = arith.constant 0 : i32
      %dma_start3A_333 = tpu.memref_slice %arg3[%get3A_322, %dma_start3A_332] : memref<1000000x64xf32, #tpu.memory_space<hbm>> -> memref<1x64xf32, #tpu.memory_space<hbm>>
      %dma_start3A_334 = tpu.memref_squeeze %dma_start3A_333 : memref<1x64xf32, #tpu.memory_space<hbm>> -> memref<64xf32, #tpu.memory_space<hbm>>
      tpu.enqueue_dma source(%dma_start3A_334 : memref<64xf32, #tpu.memory_space<hbm>>) target(%dma_start3A_331 : memref<64xf32, #tpu.memory_space<vmem>>) target_semaphore(%arg8 : memref<!tpu.dma_semaphore, #tpu.memory_space<semaphore_mem>>)
      %mul3A_335 = arith.constant 32 : i32
      %mul3A_336 = arith.muli %scan3A_12, %mul3A_335 : i32
      %add3A_337 = arith.constant 18 : i32
      %add3A_338 = arith.addi %mul3A_336, %add3A_337 : i32
      %get3A_339 = arith.index_cast %add3A_338 : i32 to index
      %get3A_340 = memref.load %arg6[%get3A_339] : memref<512xi32, #tpu.memory_space<smem>>
      %dma_start3A_341 = arith.constant 0 : i32
      %dma_start3A_342 = tpu.memref_slice %arg7[%add3A_338, %dma_start3A_341] : memref<512x64xf32, #tpu.memory_space<vmem>> -> memref<1x64xf32, #tpu.memory_space<vmem>>
      %dma_start3A_343 = tpu.memref_squeeze %dma_start3A_342 : memref<1x64xf32, #tpu.memory_space<vmem>> -> memref<64xf32, #tpu.memory_space<vmem>>
      %dma_start3A_344 = arith.constant 0 : i32
      %dma_start3A_345 = tpu.memref_slice %arg3[%get3A_340, %dma_start3A_344] : memref<1000000x64xf32, #tpu.memory_space<hbm>> -> memref<1x64xf32, #tpu.memory_space<hbm>>
      %dma_start3A_346 = tpu.memref_squeeze %dma_start3A_345 : memref<1x64xf32, #tpu.memory_space<hbm>> -> memref<64xf32, #tpu.memory_space<hbm>>
      %dma_start3A_347 = arith.constant 0 : i32
      %dma_start3A_348 = tpu.memref_slice %arg7[%add3A_338, %dma_start3A_347] : memref<512x64xf32, #tpu.memory_space<vmem>> -> memref<1x64xf32, #tpu.memory_space<vmem>>
      %dma_start3A_349 = tpu.memref_squeeze %dma_start3A_348 : memref<1x64xf32, #tpu.memory_space<vmem>> -> memref<64xf32, #tpu.memory_space<vmem>>
      %dma_start3A_350 = arith.constant 0 : i32
      %dma_start3A_351 = tpu.memref_slice %arg3[%get3A_340, %dma_start3A_350] : memref<1000000x64xf32, #tpu.memory_space<hbm>> -> memref<1x64xf32, #tpu.memory_space<hbm>>
      %dma_start3A_352 = tpu.memref_squeeze %dma_start3A_351 : memref<1x64xf32, #tpu.memory_space<hbm>> -> memref<64xf32, #tpu.memory_space<hbm>>
      tpu.enqueue_dma source(%dma_start3A_352 : memref<64xf32, #tpu.memory_space<hbm>>) target(%dma_start3A_349 : memref<64xf32, #tpu.memory_space<vmem>>) target_semaphore(%arg8 : memref<!tpu.dma_semaphore, #tpu.memory_space<semaphore_mem>>)
      %mul3A_353 = arith.constant 32 : i32
      %mul3A_354 = arith.muli %scan3A_12, %mul3A_353 : i32
      %add3A_355 = arith.constant 19 : i32
      %add3A_356 = arith.addi %mul3A_354, %add3A_355 : i32
      %get3A_357 = arith.index_cast %add3A_356 : i32 to index
      %get3A_358 = memref.load %arg6[%get3A_357] : memref<512xi32, #tpu.memory_space<smem>>
      %dma_start3A_359 = arith.constant 0 : i32
      %dma_start3A_360 = tpu.memref_slice %arg7[%add3A_356, %dma_start3A_359] : memref<512x64xf32, #tpu.memory_space<vmem>> -> memref<1x64xf32, #tpu.memory_space<vmem>>
      %dma_start3A_361 = tpu.memref_squeeze %dma_start3A_360 : memref<1x64xf32, #tpu.memory_space<vmem>> -> memref<64xf32, #tpu.memory_space<vmem>>
      %dma_start3A_362 = arith.constant 0 : i32
      %dma_start3A_363 = tpu.memref_slice %arg3[%get3A_358, %dma_start3A_362] : memref<1000000x64xf32, #tpu.memory_space<hbm>> -> memref<1x64xf32, #tpu.memory_space<hbm>>
      %dma_start3A_364 = tpu.memref_squeeze %dma_start3A_363 : memref<1x64xf32, #tpu.memory_space<hbm>> -> memref<64xf32, #tpu.memory_space<hbm>>
      %dma_start3A_365 = arith.constant 0 : i32
      %dma_start3A_366 = tpu.memref_slice %arg7[%add3A_356, %dma_start3A_365] : memref<512x64xf32, #tpu.memory_space<vmem>> -> memref<1x64xf32, #tpu.memory_space<vmem>>
      %dma_start3A_367 = tpu.memref_squeeze %dma_start3A_366 : memref<1x64xf32, #tpu.memory_space<vmem>> -> memref<64xf32, #tpu.memory_space<vmem>>
      %dma_start3A_368 = arith.constant 0 : i32
      %dma_start3A_369 = tpu.memref_slice %arg3[%get3A_358, %dma_start3A_368] : memref<1000000x64xf32, #tpu.memory_space<hbm>> -> memref<1x64xf32, #tpu.memory_space<hbm>>
      %dma_start3A_370 = tpu.memref_squeeze %dma_start3A_369 : memref<1x64xf32, #tpu.memory_space<hbm>> -> memref<64xf32, #tpu.memory_space<hbm>>
      tpu.enqueue_dma source(%dma_start3A_370 : memref<64xf32, #tpu.memory_space<hbm>>) target(%dma_start3A_367 : memref<64xf32, #tpu.memory_space<vmem>>) target_semaphore(%arg8 : memref<!tpu.dma_semaphore, #tpu.memory_space<semaphore_mem>>)
      %mul3A_371 = arith.constant 32 : i32
      %mul3A_372 = arith.muli %scan3A_12, %mul3A_371 : i32
      %add3A_373 = arith.constant 20 : i32
      %add3A_374 = arith.addi %mul3A_372, %add3A_373 : i32
      %get3A_375 = arith.index_cast %add3A_374 : i32 to index
      %get3A_376 = memref.load %arg6[%get3A_375] : memref<512xi32, #tpu.memory_space<smem>>
      %dma_start3A_377 = arith.constant 0 : i32
      %dma_start3A_378 = tpu.memref_slice %arg7[%add3A_374, %dma_start3A_377] : memref<512x64xf32, #tpu.memory_space<vmem>> -> memref<1x64xf32, #tpu.memory_space<vmem>>
      %dma_start3A_379 = tpu.memref_squeeze %dma_start3A_378 : memref<1x64xf32, #tpu.memory_space<vmem>> -> memref<64xf32, #tpu.memory_space<vmem>>
      %dma_start3A_380 = arith.constant 0 : i32
      %dma_start3A_381 = tpu.memref_slice %arg3[%get3A_376, %dma_start3A_380] : memref<1000000x64xf32, #tpu.memory_space<hbm>> -> memref<1x64xf32, #tpu.memory_space<hbm>>
      %dma_start3A_382 = tpu.memref_squeeze %dma_start3A_381 : memref<1x64xf32, #tpu.memory_space<hbm>> -> memref<64xf32, #tpu.memory_space<hbm>>
      %dma_start3A_383 = arith.constant 0 : i32
      %dma_start3A_384 = tpu.memref_slice %arg7[%add3A_374, %dma_start3A_383] : memref<512x64xf32, #tpu.memory_space<vmem>> -> memref<1x64xf32, #tpu.memory_space<vmem>>
      %dma_start3A_385 = tpu.memref_squeeze %dma_start3A_384 : memref<1x64xf32, #tpu.memory_space<vmem>> -> memref<64xf32, #tpu.memory_space<vmem>>
      %dma_start3A_386 = arith.constant 0 : i32
      %dma_start3A_387 = tpu.memref_slice %arg3[%get3A_376, %dma_start3A_386] : memref<1000000x64xf32, #tpu.memory_space<hbm>> -> memref<1x64xf32, #tpu.memory_space<hbm>>
      %dma_start3A_388 = tpu.memref_squeeze %dma_start3A_387 : memref<1x64xf32, #tpu.memory_space<hbm>> -> memref<64xf32, #tpu.memory_space<hbm>>
      tpu.enqueue_dma source(%dma_start3A_388 : memref<64xf32, #tpu.memory_space<hbm>>) target(%dma_start3A_385 : memref<64xf32, #tpu.memory_space<vmem>>) target_semaphore(%arg8 : memref<!tpu.dma_semaphore, #tpu.memory_space<semaphore_mem>>)
      %mul3A_389 = arith.constant 32 : i32
      %mul3A_390 = arith.muli %scan3A_12, %mul3A_389 : i32
      %add3A_391 = arith.constant 21 : i32
      %add3A_392 = arith.addi %mul3A_390, %add3A_391 : i32
      %get3A_393 = arith.index_cast %add3A_392 : i32 to index
      %get3A_394 = memref.load %arg6[%get3A_393] : memref<512xi32, #tpu.memory_space<smem>>
      %dma_start3A_395 = arith.constant 0 : i32
      %dma_start3A_396 = tpu.memref_slice %arg7[%add3A_392, %dma_start3A_395] : memref<512x64xf32, #tpu.memory_space<vmem>> -> memref<1x64xf32, #tpu.memory_space<vmem>>
      %dma_start3A_397 = tpu.memref_squeeze %dma_start3A_396 : memref<1x64xf32, #tpu.memory_space<vmem>> -> memref<64xf32, #tpu.memory_space<vmem>>
      %dma_start3A_398 = arith.constant 0 : i32
      %dma_start3A_399 = tpu.memref_slice %arg3[%get3A_394, %dma_start3A_398] : memref<1000000x64xf32, #tpu.memory_space<hbm>> -> memref<1x64xf32, #tpu.memory_space<hbm>>
      %dma_start3A_400 = tpu.memref_squeeze %dma_start3A_399 : memref<1x64xf32, #tpu.memory_space<hbm>> -> memref<64xf32, #tpu.memory_space<hbm>>
      %dma_start3A_401 = arith.constant 0 : i32
      %dma_start3A_402 = tpu.memref_slice %arg7[%add3A_392, %dma_start3A_401] : memref<512x64xf32, #tpu.memory_space<vmem>> -> memref<1x64xf32, #tpu.memory_space<vmem>>
      %dma_start3A_403 = tpu.memref_squeeze %dma_start3A_402 : memref<1x64xf32, #tpu.memory_space<vmem>> -> memref<64xf32, #tpu.memory_space<vmem>>
      %dma_start3A_404 = arith.constant 0 : i32
      %dma_start3A_405 = tpu.memref_slice %arg3[%get3A_394, %dma_start3A_404] : memref<1000000x64xf32, #tpu.memory_space<hbm>> -> memref<1x64xf32, #tpu.memory_space<hbm>>
      %dma_start3A_406 = tpu.memref_squeeze %dma_start3A_405 : memref<1x64xf32, #tpu.memory_space<hbm>> -> memref<64xf32, #tpu.memory_space<hbm>>
      tpu.enqueue_dma source(%dma_start3A_406 : memref<64xf32, #tpu.memory_space<hbm>>) target(%dma_start3A_403 : memref<64xf32, #tpu.memory_space<vmem>>) target_semaphore(%arg8 : memref<!tpu.dma_semaphore, #tpu.memory_space<semaphore_mem>>)
      %mul3A_407 = arith.constant 32 : i32
      %mul3A_408 = arith.muli %scan3A_12, %mul3A_407 : i32
      %add3A_409 = arith.constant 22 : i32
      %add3A_410 = arith.addi %mul3A_408, %add3A_409 : i32
      %get3A_411 = arith.index_cast %add3A_410 : i32 to index
      %get3A_412 = memref.load %arg6[%get3A_411] : memref<512xi32, #tpu.memory_space<smem>>
      %dma_start3A_413 = arith.constant 0 : i32
      %dma_start3A_414 = tpu.memref_slice %arg7[%add3A_410, %dma_start3A_413] : memref<512x64xf32, #tpu.memory_space<vmem>> -> memref<1x64xf32, #tpu.memory_space<vmem>>
      %dma_start3A_415 = tpu.memref_squeeze %dma_start3A_414 : memref<1x64xf32, #tpu.memory_space<vmem>> -> memref<64xf32, #tpu.memory_space<vmem>>
      %dma_start3A_416 = arith.constant 0 : i32
      %dma_start3A_417 = tpu.memref_slice %arg3[%get3A_412, %dma_start3A_416] : memref<1000000x64xf32, #tpu.memory_space<hbm>> -> memref<1x64xf32, #tpu.memory_space<hbm>>
      %dma_start3A_418 = tpu.memref_squeeze %dma_start3A_417 : memref<1x64xf32, #tpu.memory_space<hbm>> -> memref<64xf32, #tpu.memory_space<hbm>>
      %dma_start3A_419 = arith.constant 0 : i32
      %dma_start3A_420 = tpu.memref_slice %arg7[%add3A_410, %dma_start3A_419] : memref<512x64xf32, #tpu.memory_space<vmem>> -> memref<1x64xf32, #tpu.memory_space<vmem>>
      %dma_start3A_421 = tpu.memref_squeeze %dma_start3A_420 : memref<1x64xf32, #tpu.memory_space<vmem>> -> memref<64xf32, #tpu.memory_space<vmem>>
      %dma_start3A_422 = arith.constant 0 : i32
      %dma_start3A_423 = tpu.memref_slice %arg3[%get3A_412, %dma_start3A_422] : memref<1000000x64xf32, #tpu.memory_space<hbm>> -> memref<1x64xf32, #tpu.memory_space<hbm>>
      %dma_start3A_424 = tpu.memref_squeeze %dma_start3A_423 : memref<1x64xf32, #tpu.memory_space<hbm>> -> memref<64xf32, #tpu.memory_space<hbm>>
      tpu.enqueue_dma source(%dma_start3A_424 : memref<64xf32, #tpu.memory_space<hbm>>) target(%dma_start3A_421 : memref<64xf32, #tpu.memory_space<vmem>>) target_semaphore(%arg8 : memref<!tpu.dma_semaphore, #tpu.memory_space<semaphore_mem>>)
      %mul3A_425 = arith.constant 32 : i32
      %mul3A_426 = arith.muli %scan3A_12, %mul3A_425 : i32
      %add3A_427 = arith.constant 23 : i32
      %add3A_428 = arith.addi %mul3A_426, %add3A_427 : i32
      %get3A_429 = arith.index_cast %add3A_428 : i32 to index
      %get3A_430 = memref.load %arg6[%get3A_429] : memref<512xi32, #tpu.memory_space<smem>>
      %dma_start3A_431 = arith.constant 0 : i32
      %dma_start3A_432 = tpu.memref_slice %arg7[%add3A_428, %dma_start3A_431] : memref<512x64xf32, #tpu.memory_space<vmem>> -> memref<1x64xf32, #tpu.memory_space<vmem>>
      %dma_start3A_433 = tpu.memref_squeeze %dma_start3A_432 : memref<1x64xf32, #tpu.memory_space<vmem>> -> memref<64xf32, #tpu.memory_space<vmem>>
      %dma_start3A_434 = arith.constant 0 : i32
      %dma_start3A_435 = tpu.memref_slice %arg3[%get3A_430, %dma_start3A_434] : memref<1000000x64xf32, #tpu.memory_space<hbm>> -> memref<1x64xf32, #tpu.memory_space<hbm>>
      %dma_start3A_436 = tpu.memref_squeeze %dma_start3A_435 : memref<1x64xf32, #tpu.memory_space<hbm>> -> memref<64xf32, #tpu.memory_space<hbm>>
      %dma_start3A_437 = arith.constant 0 : i32
      %dma_start3A_438 = tpu.memref_slice %arg7[%add3A_428, %dma_start3A_437] : memref<512x64xf32, #tpu.memory_space<vmem>> -> memref<1x64xf32, #tpu.memory_space<vmem>>
      %dma_start3A_439 = tpu.memref_squeeze %dma_start3A_438 : memref<1x64xf32, #tpu.memory_space<vmem>> -> memref<64xf32, #tpu.memory_space<vmem>>
      %dma_start3A_440 = arith.constant 0 : i32
      %dma_start3A_441 = tpu.memref_slice %arg3[%get3A_430, %dma_start3A_440] : memref<1000000x64xf32, #tpu.memory_space<hbm>> -> memref<1x64xf32, #tpu.memory_space<hbm>>
      %dma_start3A_442 = tpu.memref_squeeze %dma_start3A_441 : memref<1x64xf32, #tpu.memory_space<hbm>> -> memref<64xf32, #tpu.memory_space<hbm>>
      tpu.enqueue_dma source(%dma_start3A_442 : memref<64xf32, #tpu.memory_space<hbm>>) target(%dma_start3A_439 : memref<64xf32, #tpu.memory_space<vmem>>) target_semaphore(%arg8 : memref<!tpu.dma_semaphore, #tpu.memory_space<semaphore_mem>>)
      %mul3A_443 = arith.constant 32 : i32
      %mul3A_444 = arith.muli %scan3A_12, %mul3A_443 : i32
      %add3A_445 = arith.constant 24 : i32
      %add3A_446 = arith.addi %mul3A_444, %add3A_445 : i32
      %get3A_447 = arith.index_cast %add3A_446 : i32 to index
      %get3A_448 = memref.load %arg6[%get3A_447] : memref<512xi32, #tpu.memory_space<smem>>
      %dma_start3A_449 = arith.constant 0 : i32
      %dma_start3A_450 = tpu.memref_slice %arg7[%add3A_446, %dma_start3A_449] : memref<512x64xf32, #tpu.memory_space<vmem>> -> memref<1x64xf32, #tpu.memory_space<vmem>>
      %dma_start3A_451 = tpu.memref_squeeze %dma_start3A_450 : memref<1x64xf32, #tpu.memory_space<vmem>> -> memref<64xf32, #tpu.memory_space<vmem>>
      %dma_start3A_452 = arith.constant 0 : i32
      %dma_start3A_453 = tpu.memref_slice %arg3[%get3A_448, %dma_start3A_452] : memref<1000000x64xf32, #tpu.memory_space<hbm>> -> memref<1x64xf32, #tpu.memory_space<hbm>>
      %dma_start3A_454 = tpu.memref_squeeze %dma_start3A_453 : memref<1x64xf32, #tpu.memory_space<hbm>> -> memref<64xf32, #tpu.memory_space<hbm>>
      %dma_start3A_455 = arith.constant 0 : i32
      %dma_start3A_456 = tpu.memref_slice %arg7[%add3A_446, %dma_start3A_455] : memref<512x64xf32, #tpu.memory_space<vmem>> -> memref<1x64xf32, #tpu.memory_space<vmem>>
      %dma_start3A_457 = tpu.memref_squeeze %dma_start3A_456 : memref<1x64xf32, #tpu.memory_space<vmem>> -> memref<64xf32, #tpu.memory_space<vmem>>
      %dma_start3A_458 = arith.constant 0 : i32
      %dma_start3A_459 = tpu.memref_slice %arg3[%get3A_448, %dma_start3A_458] : memref<1000000x64xf32, #tpu.memory_space<hbm>> -> memref<1x64xf32, #tpu.memory_space<hbm>>
      %dma_start3A_460 = tpu.memref_squeeze %dma_start3A_459 : memref<1x64xf32, #tpu.memory_space<hbm>> -> memref<64xf32, #tpu.memory_space<hbm>>
      tpu.enqueue_dma source(%dma_start3A_460 : memref<64xf32, #tpu.memory_space<hbm>>) target(%dma_start3A_457 : memref<64xf32, #tpu.memory_space<vmem>>) target_semaphore(%arg8 : memref<!tpu.dma_semaphore, #tpu.memory_space<semaphore_mem>>)
      %mul3A_461 = arith.constant 32 : i32
      %mul3A_462 = arith.muli %scan3A_12, %mul3A_461 : i32
      %add3A_463 = arith.constant 25 : i32
      %add3A_464 = arith.addi %mul3A_462, %add3A_463 : i32
      %get3A_465 = arith.index_cast %add3A_464 : i32 to index
      %get3A_466 = memref.load %arg6[%get3A_465] : memref<512xi32, #tpu.memory_space<smem>>
      %dma_start3A_467 = arith.constant 0 : i32
      %dma_start3A_468 = tpu.memref_slice %arg7[%add3A_464, %dma_start3A_467] : memref<512x64xf32, #tpu.memory_space<vmem>> -> memref<1x64xf32, #tpu.memory_space<vmem>>
      %dma_start3A_469 = tpu.memref_squeeze %dma_start3A_468 : memref<1x64xf32, #tpu.memory_space<vmem>> -> memref<64xf32, #tpu.memory_space<vmem>>
      %dma_start3A_470 = arith.constant 0 : i32
      %dma_start3A_471 = tpu.memref_slice %arg3[%get3A_466, %dma_start3A_470] : memref<1000000x64xf32, #tpu.memory_space<hbm>> -> memref<1x64xf32, #tpu.memory_space<hbm>>
      %dma_start3A_472 = tpu.memref_squeeze %dma_start3A_471 : memref<1x64xf32, #tpu.memory_space<hbm>> -> memref<64xf32, #tpu.memory_space<hbm>>
      %dma_start3A_473 = arith.constant 0 : i32
      %dma_start3A_474 = tpu.memref_slice %arg7[%add3A_464, %dma_start3A_473] : memref<512x64xf32, #tpu.memory_space<vmem>> -> memref<1x64xf32, #tpu.memory_space<vmem>>
      %dma_start3A_475 = tpu.memref_squeeze %dma_start3A_474 : memref<1x64xf32, #tpu.memory_space<vmem>> -> memref<64xf32, #tpu.memory_space<vmem>>
      %dma_start3A_476 = arith.constant 0 : i32
      %dma_start3A_477 = tpu.memref_slice %arg3[%get3A_466, %dma_start3A_476] : memref<1000000x64xf32, #tpu.memory_space<hbm>> -> memref<1x64xf32, #tpu.memory_space<hbm>>
      %dma_start3A_478 = tpu.memref_squeeze %dma_start3A_477 : memref<1x64xf32, #tpu.memory_space<hbm>> -> memref<64xf32, #tpu.memory_space<hbm>>
      tpu.enqueue_dma source(%dma_start3A_478 : memref<64xf32, #tpu.memory_space<hbm>>) target(%dma_start3A_475 : memref<64xf32, #tpu.memory_space<vmem>>) target_semaphore(%arg8 : memref<!tpu.dma_semaphore, #tpu.memory_space<semaphore_mem>>)
      %mul3A_479 = arith.constant 32 : i32
      %mul3A_480 = arith.muli %scan3A_12, %mul3A_479 : i32
      %add3A_481 = arith.constant 26 : i32
      %add3A_482 = arith.addi %mul3A_480, %add3A_481 : i32
      %get3A_483 = arith.index_cast %add3A_482 : i32 to index
      %get3A_484 = memref.load %arg6[%get3A_483] : memref<512xi32, #tpu.memory_space<smem>>
      %dma_start3A_485 = arith.constant 0 : i32
      %dma_start3A_486 = tpu.memref_slice %arg7[%add3A_482, %dma_start3A_485] : memref<512x64xf32, #tpu.memory_space<vmem>> -> memref<1x64xf32, #tpu.memory_space<vmem>>
      %dma_start3A_487 = tpu.memref_squeeze %dma_start3A_486 : memref<1x64xf32, #tpu.memory_space<vmem>> -> memref<64xf32, #tpu.memory_space<vmem>>
      %dma_start3A_488 = arith.constant 0 : i32
      %dma_start3A_489 = tpu.memref_slice %arg3[%get3A_484, %dma_start3A_488] : memref<1000000x64xf32, #tpu.memory_space<hbm>> -> memref<1x64xf32, #tpu.memory_space<hbm>>
      %dma_start3A_490 = tpu.memref_squeeze %dma_start3A_489 : memref<1x64xf32, #tpu.memory_space<hbm>> -> memref<64xf32, #tpu.memory_space<hbm>>
      %dma_start3A_491 = arith.constant 0 : i32
      %dma_start3A_492 = tpu.memref_slice %arg7[%add3A_482, %dma_start3A_491] : memref<512x64xf32, #tpu.memory_space<vmem>> -> memref<1x64xf32, #tpu.memory_space<vmem>>
      %dma_start3A_493 = tpu.memref_squeeze %dma_start3A_492 : memref<1x64xf32, #tpu.memory_space<vmem>> -> memref<64xf32, #tpu.memory_space<vmem>>
      %dma_start3A_494 = arith.constant 0 : i32
      %dma_start3A_495 = tpu.memref_slice %arg3[%get3A_484, %dma_start3A_494] : memref<1000000x64xf32, #tpu.memory_space<hbm>> -> memref<1x64xf32, #tpu.memory_space<hbm>>
      %dma_start3A_496 = tpu.memref_squeeze %dma_start3A_495 : memref<1x64xf32, #tpu.memory_space<hbm>> -> memref<64xf32, #tpu.memory_space<hbm>>
      tpu.enqueue_dma source(%dma_start3A_496 : memref<64xf32, #tpu.memory_space<hbm>>) target(%dma_start3A_493 : memref<64xf32, #tpu.memory_space<vmem>>) target_semaphore(%arg8 : memref<!tpu.dma_semaphore, #tpu.memory_space<semaphore_mem>>)
      %mul3A_497 = arith.constant 32 : i32
      %mul3A_498 = arith.muli %scan3A_12, %mul3A_497 : i32
      %add3A_499 = arith.constant 27 : i32
      %add3A_500 = arith.addi %mul3A_498, %add3A_499 : i32
      %get3A_501 = arith.index_cast %add3A_500 : i32 to index
      %get3A_502 = memref.load %arg6[%get3A_501] : memref<512xi32, #tpu.memory_space<smem>>
      %dma_start3A_503 = arith.constant 0 : i32
      %dma_start3A_504 = tpu.memref_slice %arg7[%add3A_500, %dma_start3A_503] : memref<512x64xf32, #tpu.memory_space<vmem>> -> memref<1x64xf32, #tpu.memory_space<vmem>>
      %dma_start3A_505 = tpu.memref_squeeze %dma_start3A_504 : memref<1x64xf32, #tpu.memory_space<vmem>> -> memref<64xf32, #tpu.memory_space<vmem>>
      %dma_start3A_506 = arith.constant 0 : i32
      %dma_start3A_507 = tpu.memref_slice %arg3[%get3A_502, %dma_start3A_506] : memref<1000000x64xf32, #tpu.memory_space<hbm>> -> memref<1x64xf32, #tpu.memory_space<hbm>>
      %dma_start3A_508 = tpu.memref_squeeze %dma_start3A_507 : memref<1x64xf32, #tpu.memory_space<hbm>> -> memref<64xf32, #tpu.memory_space<hbm>>
      %dma_start3A_509 = arith.constant 0 : i32
      %dma_start3A_510 = tpu.memref_slice %arg7[%add3A_500, %dma_start3A_509] : memref<512x64xf32, #tpu.memory_space<vmem>> -> memref<1x64xf32, #tpu.memory_space<vmem>>
      %dma_start3A_511 = tpu.memref_squeeze %dma_start3A_510 : memref<1x64xf32, #tpu.memory_space<vmem>> -> memref<64xf32, #tpu.memory_space<vmem>>
      %dma_start3A_512 = arith.constant 0 : i32
      %dma_start3A_513 = tpu.memref_slice %arg3[%get3A_502, %dma_start3A_512] : memref<1000000x64xf32, #tpu.memory_space<hbm>> -> memref<1x64xf32, #tpu.memory_space<hbm>>
      %dma_start3A_514 = tpu.memref_squeeze %dma_start3A_513 : memref<1x64xf32, #tpu.memory_space<hbm>> -> memref<64xf32, #tpu.memory_space<hbm>>
      tpu.enqueue_dma source(%dma_start3A_514 : memref<64xf32, #tpu.memory_space<hbm>>) target(%dma_start3A_511 : memref<64xf32, #tpu.memory_space<vmem>>) target_semaphore(%arg8 : memref<!tpu.dma_semaphore, #tpu.memory_space<semaphore_mem>>)
      %mul3A_515 = arith.constant 32 : i32
      %mul3A_516 = arith.muli %scan3A_12, %mul3A_515 : i32
      %add3A_517 = arith.constant 28 : i32
      %add3A_518 = arith.addi %mul3A_516, %add3A_517 : i32
      %get3A_519 = arith.index_cast %add3A_518 : i32 to index
      %get3A_520 = memref.load %arg6[%get3A_519] : memref<512xi32, #tpu.memory_space<smem>>
      %dma_start3A_521 = arith.constant 0 : i32
      %dma_start3A_522 = tpu.memref_slice %arg7[%add3A_518, %dma_start3A_521] : memref<512x64xf32, #tpu.memory_space<vmem>> -> memref<1x64xf32, #tpu.memory_space<vmem>>
      %dma_start3A_523 = tpu.memref_squeeze %dma_start3A_522 : memref<1x64xf32, #tpu.memory_space<vmem>> -> memref<64xf32, #tpu.memory_space<vmem>>
      %dma_start3A_524 = arith.constant 0 : i32
      %dma_start3A_525 = tpu.memref_slice %arg3[%get3A_520, %dma_start3A_524] : memref<1000000x64xf32, #tpu.memory_space<hbm>> -> memref<1x64xf32, #tpu.memory_space<hbm>>
      %dma_start3A_526 = tpu.memref_squeeze %dma_start3A_525 : memref<1x64xf32, #tpu.memory_space<hbm>> -> memref<64xf32, #tpu.memory_space<hbm>>
      %dma_start3A_527 = arith.constant 0 : i32
      %dma_start3A_528 = tpu.memref_slice %arg7[%add3A_518, %dma_start3A_527] : memref<512x64xf32, #tpu.memory_space<vmem>> -> memref<1x64xf32, #tpu.memory_space<vmem>>
      %dma_start3A_529 = tpu.memref_squeeze %dma_start3A_528 : memref<1x64xf32, #tpu.memory_space<vmem>> -> memref<64xf32, #tpu.memory_space<vmem>>
      %dma_start3A_530 = arith.constant 0 : i32
      %dma_start3A_531 = tpu.memref_slice %arg3[%get3A_520, %dma_start3A_530] : memref<1000000x64xf32, #tpu.memory_space<hbm>> -> memref<1x64xf32, #tpu.memory_space<hbm>>
      %dma_start3A_532 = tpu.memref_squeeze %dma_start3A_531 : memref<1x64xf32, #tpu.memory_space<hbm>> -> memref<64xf32, #tpu.memory_space<hbm>>
      tpu.enqueue_dma source(%dma_start3A_532 : memref<64xf32, #tpu.memory_space<hbm>>) target(%dma_start3A_529 : memref<64xf32, #tpu.memory_space<vmem>>) target_semaphore(%arg8 : memref<!tpu.dma_semaphore, #tpu.memory_space<semaphore_mem>>)
      %mul3A_533 = arith.constant 32 : i32
      %mul3A_534 = arith.muli %scan3A_12, %mul3A_533 : i32
      %add3A_535 = arith.constant 29 : i32
      %add3A_536 = arith.addi %mul3A_534, %add3A_535 : i32
      %get3A_537 = arith.index_cast %add3A_536 : i32 to index
      %get3A_538 = memref.load %arg6[%get3A_537] : memref<512xi32, #tpu.memory_space<smem>>
      %dma_start3A_539 = arith.constant 0 : i32
      %dma_start3A_540 = tpu.memref_slice %arg7[%add3A_536, %dma_start3A_539] : memref<512x64xf32, #tpu.memory_space<vmem>> -> memref<1x64xf32, #tpu.memory_space<vmem>>
      %dma_start3A_541 = tpu.memref_squeeze %dma_start3A_540 : memref<1x64xf32, #tpu.memory_space<vmem>> -> memref<64xf32, #tpu.memory_space<vmem>>
      %dma_start3A_542 = arith.constant 0 : i32
      %dma_start3A_543 = tpu.memref_slice %arg3[%get3A_538, %dma_start3A_542] : memref<1000000x64xf32, #tpu.memory_space<hbm>> -> memref<1x64xf32, #tpu.memory_space<hbm>>
      %dma_start3A_544 = tpu.memref_squeeze %dma_start3A_543 : memref<1x64xf32, #tpu.memory_space<hbm>> -> memref<64xf32, #tpu.memory_space<hbm>>
      %dma_start3A_545 = arith.constant 0 : i32
      %dma_start3A_546 = tpu.memref_slice %arg7[%add3A_536, %dma_start3A_545] : memref<512x64xf32, #tpu.memory_space<vmem>> -> memref<1x64xf32, #tpu.memory_space<vmem>>
      %dma_start3A_547 = tpu.memref_squeeze %dma_start3A_546 : memref<1x64xf32, #tpu.memory_space<vmem>> -> memref<64xf32, #tpu.memory_space<vmem>>
      %dma_start3A_548 = arith.constant 0 : i32
      %dma_start3A_549 = tpu.memref_slice %arg3[%get3A_538, %dma_start3A_548] : memref<1000000x64xf32, #tpu.memory_space<hbm>> -> memref<1x64xf32, #tpu.memory_space<hbm>>
      %dma_start3A_550 = tpu.memref_squeeze %dma_start3A_549 : memref<1x64xf32, #tpu.memory_space<hbm>> -> memref<64xf32, #tpu.memory_space<hbm>>
      tpu.enqueue_dma source(%dma_start3A_550 : memref<64xf32, #tpu.memory_space<hbm>>) target(%dma_start3A_547 : memref<64xf32, #tpu.memory_space<vmem>>) target_semaphore(%arg8 : memref<!tpu.dma_semaphore, #tpu.memory_space<semaphore_mem>>)
      %mul3A_551 = arith.constant 32 : i32
      %mul3A_552 = arith.muli %scan3A_12, %mul3A_551 : i32
      %add3A_553 = arith.constant 30 : i32
      %add3A_554 = arith.addi %mul3A_552, %add3A_553 : i32
      %get3A_555 = arith.index_cast %add3A_554 : i32 to index
      %get3A_556 = memref.load %arg6[%get3A_555] : memref<512xi32, #tpu.memory_space<smem>>
      %dma_start3A_557 = arith.constant 0 : i32
      %dma_start3A_558 = tpu.memref_slice %arg7[%add3A_554, %dma_start3A_557] : memref<512x64xf32, #tpu.memory_space<vmem>> -> memref<1x64xf32, #tpu.memory_space<vmem>>
      %dma_start3A_559 = tpu.memref_squeeze %dma_start3A_558 : memref<1x64xf32, #tpu.memory_space<vmem>> -> memref<64xf32, #tpu.memory_space<vmem>>
      %dma_start3A_560 = arith.constant 0 : i32
      %dma_start3A_561 = tpu.memref_slice %arg3[%get3A_556, %dma_start3A_560] : memref<1000000x64xf32, #tpu.memory_space<hbm>> -> memref<1x64xf32, #tpu.memory_space<hbm>>
      %dma_start3A_562 = tpu.memref_squeeze %dma_start3A_561 : memref<1x64xf32, #tpu.memory_space<hbm>> -> memref<64xf32, #tpu.memory_space<hbm>>
      %dma_start3A_563 = arith.constant 0 : i32
      %dma_start3A_564 = tpu.memref_slice %arg7[%add3A_554, %dma_start3A_563] : memref<512x64xf32, #tpu.memory_space<vmem>> -> memref<1x64xf32, #tpu.memory_space<vmem>>
      %dma_start3A_565 = tpu.memref_squeeze %dma_start3A_564 : memref<1x64xf32, #tpu.memory_space<vmem>> -> memref<64xf32, #tpu.memory_space<vmem>>
      %dma_start3A_566 = arith.constant 0 : i32
      %dma_start3A_567 = tpu.memref_slice %arg3[%get3A_556, %dma_start3A_566] : memref<1000000x64xf32, #tpu.memory_space<hbm>> -> memref<1x64xf32, #tpu.memory_space<hbm>>
      %dma_start3A_568 = tpu.memref_squeeze %dma_start3A_567 : memref<1x64xf32, #tpu.memory_space<hbm>> -> memref<64xf32, #tpu.memory_space<hbm>>
      tpu.enqueue_dma source(%dma_start3A_568 : memref<64xf32, #tpu.memory_space<hbm>>) target(%dma_start3A_565 : memref<64xf32, #tpu.memory_space<vmem>>) target_semaphore(%arg8 : memref<!tpu.dma_semaphore, #tpu.memory_space<semaphore_mem>>)
      %mul3A_569 = arith.constant 32 : i32
      %mul3A_570 = arith.muli %scan3A_12, %mul3A_569 : i32
      %add3A_571 = arith.constant 31 : i32
      %add3A_572 = arith.addi %mul3A_570, %add3A_571 : i32
      %get3A_573 = arith.index_cast %add3A_572 : i32 to index
      %get3A_574 = memref.load %arg6[%get3A_573] : memref<512xi32, #tpu.memory_space<smem>>
      %dma_start3A_575 = arith.constant 0 : i32
      %dma_start3A_576 = tpu.memref_slice %arg7[%add3A_572, %dma_start3A_575] : memref<512x64xf32, #tpu.memory_space<vmem>> -> memref<1x64xf32, #tpu.memory_space<vmem>>
      %dma_start3A_577 = tpu.memref_squeeze %dma_start3A_576 : memref<1x64xf32, #tpu.memory_space<vmem>> -> memref<64xf32, #tpu.memory_space<vmem>>
      %dma_start3A_578 = arith.constant 0 : i32
      %dma_start3A_579 = tpu.memref_slice %arg3[%get3A_574, %dma_start3A_578] : memref<1000000x64xf32, #tpu.memory_space<hbm>> -> memref<1x64xf32, #tpu.memory_space<hbm>>
      %dma_start3A_580 = tpu.memref_squeeze %dma_start3A_579 : memref<1x64xf32, #tpu.memory_space<hbm>> -> memref<64xf32, #tpu.memory_space<hbm>>
      %dma_start3A_581 = arith.constant 0 : i32
      %dma_start3A_582 = tpu.memref_slice %arg7[%add3A_572, %dma_start3A_581] : memref<512x64xf32, #tpu.memory_space<vmem>> -> memref<1x64xf32, #tpu.memory_space<vmem>>
      %dma_start3A_583 = tpu.memref_squeeze %dma_start3A_582 : memref<1x64xf32, #tpu.memory_space<vmem>> -> memref<64xf32, #tpu.memory_space<vmem>>
      %dma_start3A_584 = arith.constant 0 : i32
      %dma_start3A_585 = tpu.memref_slice %arg3[%get3A_574, %dma_start3A_584] : memref<1000000x64xf32, #tpu.memory_space<hbm>> -> memref<1x64xf32, #tpu.memory_space<hbm>>
      %dma_start3A_586 = tpu.memref_squeeze %dma_start3A_585 : memref<1x64xf32, #tpu.memory_space<hbm>> -> memref<64xf32, #tpu.memory_space<hbm>>
      tpu.enqueue_dma source(%dma_start3A_586 : memref<64xf32, #tpu.memory_space<hbm>>) target(%dma_start3A_583 : memref<64xf32, #tpu.memory_space<vmem>>) target_semaphore(%arg8 : memref<!tpu.dma_semaphore, #tpu.memory_space<semaphore_mem>>)
    }
    %scan3A_6 = arith.constant 16 : i32
    %dma_wait3A = arith.constant 0 : i32
    %dma_wait3A_7 = arith.constant 0 : i32
    %dma_wait3A_8 = tpu.memref_slice %arg3[%dma_wait3A, %dma_wait3A_7] : memref<1000000x64xf32, #tpu.memory_space<hbm>> -> memref<512x64xf32, #tpu.memory_space<hbm>>
    %dma_wait3A_9 = arith.constant 0 : i32
    %dma_wait3A_10 = arith.constant 0 : i32
    %dma_wait3A_11 = tpu.memref_slice %arg3[%dma_wait3A_9, %dma_wait3A_10] : memref<1000000x64xf32, #tpu.memory_space<hbm>> -> memref<512x64xf32, #tpu.memory_space<hbm>>
    tpu.wait_dma2 semaphore(%arg8 : memref<!tpu.dma_semaphore, #tpu.memory_space<semaphore_mem>>) src(%dma_wait3A_11 : memref<512x64xf32, #tpu.memory_space<hbm>>) dst(%arg7 : memref<512x64xf32, #tpu.memory_space<vmem>>)
    "tpu.region"() ({
      %run_scoped3A = tpu.sem_alloc : memref<!tpu.dma_semaphore, #tpu.memory_space<semaphore_mem>>
      %dma_start3A = arith.constant 0 : i32
      %dma_start3A_12 = tpu.memref_slice %arg4[%mul3A_2, %dma_start3A] : memref<16384x64xf32, #tpu.memory_space<hbm>> -> memref<512x64xf32, #tpu.memory_space<hbm>>
      %dma_start3A_13 = arith.constant 0 : i32
      %dma_start3A_14 = tpu.memref_slice %arg4[%mul3A_2, %dma_start3A_13] : memref<16384x64xf32, #tpu.memory_space<hbm>> -> memref<512x64xf32, #tpu.memory_space<hbm>>
      tpu.enqueue_dma source(%arg7 : memref<512x64xf32, #tpu.memory_space<vmem>>) target(%dma_start3A_14 : memref<512x64xf32, #tpu.memory_space<hbm>>) target_semaphore(%run_scoped3A : memref<!tpu.dma_semaphore, #tpu.memory_space<semaphore_mem>>)
      %dma_wait3A_15 = arith.constant 0 : i32
      %dma_wait3A_16 = tpu.memref_slice %arg4[%mul3A_2, %dma_wait3A_15] : memref<16384x64xf32, #tpu.memory_space<hbm>> -> memref<512x64xf32, #tpu.memory_space<hbm>>
      %dma_wait3A_17 = arith.constant 0 : i32
      %dma_wait3A_18 = tpu.memref_slice %arg4[%mul3A_2, %dma_wait3A_17] : memref<16384x64xf32, #tpu.memory_space<hbm>> -> memref<512x64xf32, #tpu.memory_space<hbm>>
      tpu.wait_dma2 semaphore(%run_scoped3A : memref<!tpu.dma_semaphore, #tpu.memory_space<semaphore_mem>>) src(%arg7 : memref<512x64xf32, #tpu.memory_space<vmem>>) dst(%dma_wait3A_18 : memref<512x64xf32, #tpu.memory_space<hbm>>)
      tpu.yield
    }) : () -> ()
    return
  }
}

</mosaic_0001>

<sc_bundles>
// kernel: kernel.4.cloned.1.call-start
scs
__scs_entry_jumppad:
0x0: {  	(pc) =	sbr.rel $0x88, $3  }
0x1: {  	(tag) =	ssettag $0x0;
	lr =	simm.s32 $0x1  }
0x2: {  	[smem:$0x3F9E] =	sst lr;
	_ =	strace $0xD0000000  }
0x3: {  	_ = 	snop  }
0x4: {  	_ = 	snop  }
0x5: {  	_ = 	snop  }
0x6: {  	_ = 	snop  }
0x7: {  	_ = 	snop  }
__scs_overlays_trampoline_lowered:
0x8: {  	[smem:$0x3FAD] =	sst s0  }
0x9: {  	[smem:$0x3FAE] =	sst s1  }
0xa: {  	[smem:$0x3FAF] =	sst s2  }
0xb: {  	[smem:$0x3FB0] =	sst s3  }
0xc: {  	[smem:$0x3FB1] =	sst s4  }
0xd: {  	[smem:$0x3FB2] =	sst s5  }
0xe: {  	[smem:$0x3FB3] =	sst s6  }
0xf: {  	[smem:$0x3FB4] =	sst s7  }
0x10: {  	[smem:$0x3FB5] =	sst s8  }
0x11: {  	[smem:$0x3FB6] =	sst s9;
	s0 =	simm.s32 @!p0 $0x0  }
0x12: {  	s1 =	sld [smem:$0x3F9C];
	s0 =	simm.s32 @p0 $0x1  }
0x13: {  	[smem:$0x3FB7] =	sst s0;
	s0 =	simm.s32 @!p1 $0x0  }
0x14: {  	s2 =	sld [smem:$0x3F9B];
	s0 =	simm.s32 @p1 $0x1  }
0x15: {  	[smem:$0x3FB8] =	sst s0;
	s0 =	simm.s32 @!p2 $0x0  }
0x16: {  	s3 =	sld [smem:$0x3FDB];
	s0 =	simm.s32 @p2 $0x1  }
0x17: {  	s4 =	simm.s32 $0x1BF5;
	[smem:$0x3FBA] =	sst s0  }
0x18: {  	s0 =	sld [smem:$0x3F9D];
	_ =	swait.ge [sflag:s4], $0x0  }
0x19: {  	s7 =	sld [smem:$0x3F9E]  }
0x1a: {  	s8 =	sadd.s32 $0xFFFFE003, lr  }
0x1b: {  	s9 =	sadd.s32 $0xFFFFFEF7, lr;
	s5 =	simm.s32 $0xFFFFFFFF;
	p2 =	slt.u32 s8, $0xFFFFF086  }
0x1c: {  	p1 =	slt.u32 s9, $0xF7A;
	s5 =	simm.s32 @!p2 $0x0  }
0x1d: {  	s5 =	simm.s32 @p1 $0x1;
	p0 =	seq.s32 s7, s2  }
0x1e: {  	s7 =	smul.u32 @!p0 $0xF7A, s2;
	p2 =	seq.s32 @!p0 s5, $0x0  }
0x1f: {  	s9 =	smul.u32 $0xF7A, s1;
	s8 =	simm.s32 @!p0 $0x1BF5;
	p2 =	por !p2, p0  }
0x20: {  	[sflag:s8] =	ssyncset.s32 @!p0 $0xFFFFF086;
	s6 =	sadd.s32 @!p0 s3, s7;
	s7 =	simm.s32 @!p0 $0x108  }
0x21: {  	s3 =	sadd.s32 s3, s9;
	s6 =	sadd.s32 @!p0 $0x88, s6;
	s7 =	simm.s32 @p2 $0x1082  }
0x22: {  	[simem:s7], [sflag:s8] =	dma.local @!p0 [hbm:s6], $0xF7A  }
0x23: {  	s9 =	sor.u32 $0xD0000000, s2;
	s6 =	simm.s32 $0x108;
	_ =	swait.ge @!p0 [sflag:s8], $0x0  }
0x24: {  	s3 =	sadd.s32 $0x88, s3;
	s6 =	simm.s32 @!p1 $0x1082;
	[sflag:s4] =	ssyncset.s32 $0xFFFFF086  }
0x25: {  	[simem:s6], [sflag:s4] =	dma.local [hbm:s3], $0xF7A  }
0x26: {  	[smem:$0x3F9E] =	sst s1;
	(tag) =	ssettag s2;
	_ =	strace s9  }
0x27: {  	s1 =	sld [smem:$0x3FAE]  }
0x28: {  	s2 =	sld [smem:$0x3FAF]  }
0x29: {  	s4 =	sld [smem:$0x3FB1]  }
0x2a: {  	p0 =	seq.s32 s5, $0x0;
	s5 =	sld [smem:$0x3FB2]  }
0x2b: {  	s6 =	sld [smem:$0x3FB3]  }
0x2c: {  	s7 =	sld [smem:$0x3FB4]  }
0x2d: {  	s3 =	simm.s32 $0x108;
	s8 =	sld [smem:$0x3FB5]  }
0x2e: {  	s3 =	simm.s32 @!p0 $0x1082;
	s9 =	sld [smem:$0x3FB6]  }
0x2f: {  	lr =	sadd.s32 s0, s3;
	s0 =	sld [smem:$0x3FAD]  }
0x30: {  	s3 =	sld [smem:$0x3FB0]  }
0x31: {  	[smem:$0x3FB9] =	sst s10  }
0x32: {  	s10 =	sld [smem:$0x3FB7];
	_ =	sdelay $0x3  }
0x33: {  	p0 =	seq.s32 s10, $0x1;
	s10 =	sld [smem:$0x3FB9];
	_ =	sdelay $0x3  }
0x34: {  	[smem:$0x3FB9] =	sst s10  }
0x35: {  	s10 =	sld [smem:$0x3FB8];
	_ =	sdelay $0x3  }
0x36: {  	p1 =	seq.s32 s10, $0x1;
	s10 =	sld [smem:$0x3FB9];
	_ =	sdelay $0x3  }
0x37: {  	[smem:$0x3FB9] =	sst s10  }
0x38: {  	s10 =	sld [smem:$0x3FBA]  }
0x39: {  	_ = 	snop;
	(pc) =	sbr.ind lr, $3  }
0x3a: {  	_ = 	snop  }
0x3b: {  	_ = 	snop  }
0x3c: {  	p2 =	seq.s32 s10, $0x1;
	s10 =	sld [smem:$0x3FB9]  }
0x3d: {  	_ =	shalt  }
0x3e: {  	_ =	shalt  }
0x3f: {  	_ =	shalt  }
0x40: {  	_ =	shalt  }
0x41: {  	_ =	shalt  }
0x42: {  	_ =	shalt  }
0x43: {  	_ =	shalt  }
0x44: {  	_ =	shalt  }
0x45: {  	_ =	shalt  }
0x46: {  	_ =	shalt  }
0x47: {  	_ =	shalt  }
0x48: {  	_ =	shalt  }
0x49: {  	_ =	shalt  }
0x4a: {  	_ =	shalt  }
0x4b: {  	_ =	shalt  }
0x4c: {  	_ =	shalt  }
0x4d: {  	_ =	shalt  }
0x4e: {  	_ =	shalt  }
0x4f: {  	_ =	shalt  }
0x50: {  	_ =	shalt  }
0x51: {  	_ =	shalt  }
0x52: {  	_ =	shalt  }
0x53: {  	_ =	shalt  }
0x54: {  	_ =	shalt  }
0x55: {  	_ =	shalt  }
0x56: {  	_ =	shalt  }
0x57: {  	_ =	shalt  }
0x58: {  	_ =	shalt  }
0x59: {  	_ =	shalt  }
0x5a: {  	_ =	shalt  }
0x5b: {  	_ =	shalt  }
0x5c: {  	_ =	shalt  }
0x5d: {  	_ =	shalt  }
0x5e: {  	_ =	shalt  }
0x5f: {  	_ =	shalt  }
0x60: {  	_ =	shalt  }
0x61: {  	_ =	shalt  }
0x62: {  	_ =	shalt  }
0x63: {  	_ =	shalt  }
0x64: {  	_ =	shalt  }
0x65: {  	_ =	shalt  }
0x66: {  	_ =	shalt  }
0x67: {  	_ =	shalt  }
0x68: {  	_ =	shalt  }
0x69: {  	_ =	shalt  }
0x6a: {  	_ =	shalt  }
0x6b: {  	_ =	shalt  }
0x6c: {  	_ =	shalt  }
0x6d: {  	_ =	shalt  }
0x6e: {  	_ =	shalt  }
0x6f: {  	_ =	shalt  }
0x70: {  	_ =	shalt  }
0x71: {  	_ =	shalt  }
0x72: {  	_ =	shalt  }
0x73: {  	_ =	shalt  }
0x74: {  	_ =	shalt  }
0x75: {  	_ =	shalt  }
0x76: {  	_ =	shalt  }
0x77: {  	_ =	shalt  }
0x78: {  	_ =	shalt  }
0x79: {  	_ =	shalt  }
0x7a: {  	_ =	shalt  }
0x7b: {  	_ =	shalt  }
0x7c: {  	_ =	shalt  }
0x7d: {  	_ =	shalt  }
0x7e: {  	_ =	shalt  }
0x7f: {  	_ =	shalt  }
0x80: {  	_ =	shalt  }
0x81: {  	_ =	shalt  }
0x82: {  	_ =	shalt  }
0x83: {  	_ =	shalt  }
0x84: {  	_ =	shalt  }
0x85: {  	_ =	shalt  }
0x86: {  	_ =	shalt  }
0x87: {  	_ =	shalt  }
.Lfunc_end0:
.L_simem_size_0:
called_computation_lowered:
.L_overlay_start_0:
0x88: {  	s2 =	sld [smem:$0x3FD9]  }
0x89: {  	s3 =	sld [smem:$0x3FFE];
	_ =	sdelay $0x1  }
0x8a: {  	s1 =	srdreg.scid  }
0x8b: {  	s0 =	sand.u32 $0x1, s1  }
0x8c: {  	s17 =	sshll.u32 s0, $0xA;
	s2 =	sadd.s32 s3, s2  }
0x8d: {  	s2 =	sadd.s32 s2, s17  }
0x8e: {  	[smem:$0x3FC5] =	sst s2  }
0x8f: {  	_ = 	snop  }
0x90: {  	s2 =	sld [smem:$0x3FC9];
	(tm) =	ssettm $0x1  }
0x91: {  	s18 =	sld [smem:$0x3FFB];
	_ =	sdelay $0x3  }
0x92: {  	_ =	strace s18  }
0x93: {  	s3 =	sld [smem:$0x3FFC];
	_ =	sdelay $0x3  }
0x94: {  	_ =	strace s3  }
0x95: {  	s3 =	sld [smem:$0x3FFD];
	_ =	sdelay $0x3  }
0x96: {  	_ =	strace s3  }
0x97: {  	_ =	strace $0x8FFFFFFF  }
0x98: {  	s19 =	sld [smem:$0x3FDB];
	_ =	sdelay $0x1  }
0x99: {  	s4 =	simm.s32 $_scs_section_size  }
0x9a: {  	s5 =	simm.s32 $_size__tile_overlayer_lowered;
	s6 =	simm.s32 $_tile_overlayer_lowered  }
0x9b: {  	s22 =	simm.s32 $0x1BFF;
	s21 =	sshll.u32 s6, $0x1;
	s3 =	sadd.s32 s4, s19  }
0x9c: {  	s7 =	simm.s32 $0x0;
	s20 =	sshll.u32 s5, $0x1;
	s5 =	sadd.s32 s21, s3  }
0x9d: {  	[timem:s7], [sflag:s22] =	dma.local [hbm:s5], s20  }
0x9e: {  	_ =	swait.ge [sflag:s22], s20  }
0x9f: {  	s4 =	ssub.s32 $0x0, s20;
	[sflag:s22] =	ssyncset.done $0x0  }
0xa0: {  	[sflag:s22] =	ssyncadd.s32 s4;
	_ =	sdelay $0x1  }
0xa1: {  	s23 =	simm.s32 $0x1B8B  }
0xa2: {  	_ =	swait.ge [sflag:s23], $0x1  }
0xa3: {  	[sflag:s23] =	ssyncset.done $0x0  }
0xa4: {  	s25 =	simm.s32 $0x1B8E;
	s24 =	sld [smem:$0x3FFE];
	[sflag:s23] =	ssyncadd.s32 $0xFFFFFFFF  }
0xa5: {  	s26 =	simm.s32 $execute0_lowered;
	[smem:$0x3FD2] =	sst s25  }
0xa6: {  	s5 =	sshll.u32 s26, $0x1;
	_ =	strace $0x80000046;
	[dreg:$0x1] =	wrdreg $0xFFFFFFFF  }
0xa7: {  	s28 =	simm.s32 $_size_execute0_lowered;
	s3 =	sadd.s32 s3, s5;
	[dreg:$0x0] =	wrdreg $0x0  }
0xa8: {  	s5 =	sshll.u32 s28, $0x1;
	[dreg:$0x2] =	wrdreg s3  }
0xa9: {  	[dreg:$0x3] =	wrdreg s5  }
0xaa: {  	[dreg:$0x4] =	wrdreg $0xC0  }
0xab: {  	_ =	task [dreg:s7], $0x5FFFF  }
0xac: {  	[dreg:$0x1] =	wrdreg $0xFFFFFFFF  }
0xad: {  	[dreg:$0x0] =	wrdreg $0x60  }
0xae: {  	[dreg:$0x2] =	wrdreg s2  }
0xaf: {  	[dreg:$0x3] =	wrdreg s24  }
0xb0: {  	[dreg:$0x4] =	wrdreg $0x0  }
0xb1: {  	[dreg:$0x5] =	wrdreg $0x9  }
0xb2: {  	_ =	task.clear_ibuf [dreg:s7], $0x6FFFF;
	_ =	strace $0x90000046  }
0xb3: {  	s29 =	simm.s32 $0x9;
	_ =	strace $0x80000048  }
0xb4: {  	_ =	swait.ge [sflag:s29], $0x1  }
0xb5: {  	[sflag:s29] =	ssyncadd.s32 $0xFFFFFFFF  }
0xb6: {  	_ =	strace $0x90000048  }
0xb7: {  	_ =	sfence  }
0xb8: {  	s30 =	sld [smem:$0x0];
	_ =	sdelay $0x2  }
0xb9: {  	s31 =	sshll.u32 s1, $0xD;
	s1 =	sshrl.u32 s1, $0x2  }
0xba: {  	s3 =	sand.u32 $0x4000, s31;
	s1 =	sadd.s32 s1, s30  }
0xbb: {  	s0 =	sor.u32 s3, s0;
	s1 =	sshll.u32 s1, $0x11  }
0xbc: {  	s0 =	sor.u32 s1, s0  }
0xbd: {  	s0 =	sadd.s32 $0x8F2B, s0  }
0xbe: {  	[sflag:s0] =	ssyncadd.remote.s32 $0x1  }
0xbf: {  	_ =	sfence.sel $0xFFFF  }
0xc0: {  	[dreg:$0x0] =	wrdreg $0xFFFFFFFF;
	(pc) =	sbr.abs _section_cstart, $3  }
0xc1: {  	[dreg:$0x1] =	wrdreg $0xFFFFFFFF  }
0xc2: {  	_ =	task.clear_ibuf [dreg:s7], $0x2FFFF;
	_ =	strace $0x9FFFFFFF  }
0xc3: {  	(tm) =	ssettm $0x7FFFFFFF  }
tec
execute0_lowered:
.L_overlay_start_1:
0x0: {  	(tag) =	ssettag $0x1  }
0x1: {  	s0 =	rddreg [dreg:$0x0]  }
0x2: {  	s1 =	rddreg [dreg:$0x1]  }
0x3: {  	s4 =	rddreg [dreg:$0x2]  }
0x4: {  	s2 =	srdreg.scid;
	s10 =	stileid.u32  }
0x5: {  	s5 =	sand.u32 $0x1, s2;
	s2 =	simm.s32 $0x0;
	s3 =	sshll.u32 s10, $0xA  }
0x6: {  	s20 =	sshll.u32 s10, $0x9;
	s9 =	sshll.u32 s10, $0x7;
	s23 =	sshll.u32 s10, $0x6  }
0x7: {  	s6 =	sshll.u32 s5, $0x9;
	[smem:$0x7FF] =	sst s2;
	s5 =	ssub.s32 $0x2, s5  }
0x8: {  	s21 =	sand.u32 $0x380, s9;
	s24 =	sor.u32 $0x1C02, s23;
	s6 =	sor.u32 s6, s3  }
0x9: {  	_ =	strace $0x80000047;
	s3 =	sadd.s32 $0x800, s1;
	s8 =	sshrl.u32 s5, $0x1  }
0xa: {  	[dreg:$0xf] =	wrdreg s24;
	s7 =	sshll.u32 s6, $0x4;
	s22 =	sshrl.u32 s6, $0x3  }
0xb: {  	s5 =	ssub.s32 s5, s8;
	s1 =	sadd.s32 s7, s1;
	s0 =	sadd.s32 s0, s22  }
0xc: {  	s7 =	sand.u32 $0x1000, s20;
	s26 =	smax.u32 s5, $0x1;
	[dreg:$0xe] =	wrdreg s0  }
0xd: {  	s4 =	sadd.s32 s7, s4;
	s25 =	sadd.s32 $0xF42C00, s1;
	[dreg:$0x11] =	wrdreg s26  }
0xe: {  	s7 =	sadd.s32 s21, s4;
	[dreg:$0x10] =	wrdreg s25  }
0xf: {  	s28 =	sadd.s32 $0x400, s7;
	[dreg:$0xd] =	wrdreg s7  }
0x10: {  	s29 =	sadd.s32 $0x800, s7;
	[dreg:$0x12] =	wrdreg s28  }
0x11: {  	s30 =	sadd.s32 $0xC00, s7;
	[dreg:$0x13] =	wrdreg s29  }
0x12: {  	s6 =	simm.s32 $0x1;
	s31 =	sshrl.u32 s7, $0x3;
	[dreg:$0x14] =	wrdreg s30  }
0x13: {  	s8 =	simm.s32 $0x2;
	s1 =	simm.s32 $0x0;
	[dreg:$0x15] =	wrdreg s31  }
.LBB2_1:
0x14: {  	[dreg:$0x16] =	wrdreg s1  }
0x15: {  	s31 =	rddreg [dreg:$0xe]  }
0x16: {  	s4 =	rddreg [dreg:$0xf]  }
0x17: {  	s0 =	simm.s32 $0x10;
	s5 =	rddreg [dreg:$0x15];
	s7 =	simm.s32 $0x80  }
0x18: {  	[spmem:s5@s7], [sflag:s4] =	dma.strided [hbm:s31@s0], $0x40, s6, $0x10   }
0x19: {  	_ =	swait.ge [sflag:s8], $0x40  }
0x1a: {  	[sflag:s8] =	ssyncset.done $0x0  }
0x1b: {  	s5 =	rddreg [dreg:$0xd];
	[sflag:s8] =	ssyncadd.s32 $0xFFFFFFC0  }
0x1c: {  	[smem:s2], [sflag:$0x2] =	stream.linear.gather [spmem:s5], $0x80, $0x38;
	[tilespmem:$0x10200] =	vst v63  }
0x1d: {  	s0 =	rddreg [dreg:$0x12]  }
0x1e: {  	[smem:s7], [sflag:$0x2] =	stream.linear.gather [spmem:s0], $0x80, $0x38;
	[tilespmem:$0x10200] =	vst v63  }
0x1f: {  	s6 =	simm.s32 $0x100;
	s0 =	rddreg [dreg:$0x13]  }
0x20: {  	[smem:s6], [sflag:$0x2] =	stream.linear.gather [spmem:s0], $0x80, $0x38;
	[tilespmem:$0x10200] =	vst v63  }
0x21: {  	s7 =	simm.s32 $0x180;
	s0 =	rddreg [dreg:$0x14]  }
0x22: {  	[smem:s7], [sflag:$0x2] =	stream.linear.gather [spmem:s0], $0x80, $0x38;
	[tilespmem:$0x10200] =	vst v63  }
0x23: {  	_ =	swait.ge [sflag:s8], $0x200  }
0x24: {  	[sflag:s8] =	ssyncset.done $0x0  }
0x25: {  	[sflag:s8] =	ssyncadd.s32 $0xFFFFFE00  }
0x26: {  	s1 =	sld [smem:$0xF]  }
0x27: {  	s20 =	sld [smem:$0x14]  }
0x28: {  	s21 =	sld [smem:$0x15]  }
0x29: {  	s18 =	sld [smem:$0x16]  }
0x2a: {  	s16 =	sld [smem:$0x17]  }
0x2b: {  	s14 =	sld [smem:$0x18]  }
0x2c: {  	s0 =	sld [smem:$0x19]  }
0x2d: {  	s8 =	sld [smem:$0x1]  }
0x2e: {  	s11 =	sld [smem:$0x4]  }
0x2f: {  	s13 =	sld [smem:$0x5]  }
0x30: {  	s22 =	sld [smem:$0x6]  }
0x31: {  	s23 =	sld [smem:$0x7]  }
0x32: {  	s9 =	sld [smem:$0x1A]  }
0x33: {  	s30 =	simm.s32 $0x200;
	s1 =	sshll.u32 s1, $0x4;
	s6 =	sld [smem:$0x1B]  }
0x34: {  	s19 =	simm.s32 $0x280;
	s1 =	sand.u32 $0x1FFFFFF0, s1;
	s24 =	sld [smem:$0x8]  }
0x35: {  	s31 =	simm.s32 $0x300;
	s1 =	sadd.s32 s3, s1;
	s7 =	sld [smem:$0x1C]  }
0x36: {  	s18 =	sshll.u32 s18, $0x4;
	s4 =	sshll.u32 s8, $0x4;
	s5 =	sld [smem:$0x1D]  }
0x37: {  	s4 =	sand.u32 $0x1FFFFFF0, s4;
	s9 =	sshll.u32 s9, $0x4;
	s29 =	sld [smem:$0x9]  }
0x38: {  	s4 =	sadd.s32 s3, s4;
	s9 =	sand.u32 $0x1FFFFFF0, s9;
	s10 =	sld [smem:$0xD]  }
0x39: {  	s6 =	sshll.u32 s6, $0x4;
	s7 =	sshll.u32 s7, $0x4;
	s17 =	sld [smem:$0x0]  }
0x3a: {  	s6 =	sand.u32 $0x1FFFFFF0, s6;
	s7 =	sand.u32 $0x1FFFFFF0, s7;
	s12 =	sld [smem:$0xA]  }
0x3b: {  	s5 =	sshll.u32 s5, $0x4;
	s15 =	sld [smem:$0xC];
	s10 =	sshll.u32 s10, $0x4  }
0x3c: {  	s8 =	sshll.u32 s17, $0x4;
	s25 =	sld [smem:$0x3];
	s17 =	simm.s32 $0x380  }
0x3d: {  	s10 =	sand.u32 $0x1FFFFFF0, s10;
	s8 =	sand.u32 $0x1FFFFFF0, s8;
	s26 =	sld [smem:$0x2]  }
0x3e: {  	s12 =	sshll.u32 s12, $0x4;
	s8 =	sadd.s32 s3, s8;
	s28 =	sld [smem:$0xB]  }
0x3f: {  	[tilespmem:s30], [sflag:$0x1] =	stream.linear.gather [hbm4b:s8+s2], $0x80, $0x38;
	[tilespmem:$0x10200] =	vst v63  }
0x40: {  	s10 =	sadd.s32 s3, s10;
	s25 =	sshll.u32 s25, $0x4;
	s8 =	sld [smem:$0x1E]  }
0x41: {  	[tilespmem:s19], [sflag:$0x1] =	stream.linear.gather [hbm4b:s4+s2], $0x80, $0x38;
	[tilespmem:$0x10200] =	vst v63  }
0x42: {  	s30 =	sshll.u32 s26, $0x4;
	s25 =	sand.u32 $0x1FFFFFF0, s25;
	s26 =	sshll.u32 s11, $0x4  }
0x43: {  	s4 =	sand.u32 $0x1FFFFFF0, s30;
	s19 =	sadd.s32 s3, s25;
	s30 =	sshll.u32 s13, $0x4  }
0x44: {  	s4 =	sadd.s32 s3, s4;
	s11 =	sand.u32 $0x1FFFFFF0, s30;
	s30 =	sshll.u32 s23, $0x4  }
0x45: {  	[tilespmem:s31], [sflag:$0x1] =	stream.linear.gather [hbm4b:s4+s2], $0x80, $0x38;
	[tilespmem:$0x10200] =	vst v63  }
0x46: {  	s23 =	simm.s32 $0x600;
	s4 =	sand.u32 $0x1FFFFFF0, s26;
	s31 =	simm.s32 $0x400  }
0x47: {  	s26 =	sshll.u32 s22, $0x4;
	s13 =	sand.u32 $0x1FFFFFF0, s30;
	s25 =	sld [smem:$0xE]  }
0x48: {  	[tilespmem:s17], [sflag:$0x1] =	stream.linear.gather [hbm4b:s19+s2], $0x80, $0x38;
	[tilespmem:$0x10200] =	vst v63  }
0x49: {  	s22 =	sshll.u32 s29, $0x4;
	s29 =	simm.s32 $0x4000;
	s4 =	sadd.s32 s3, s4  }
0x4a: {  	s17 =	sadd.s32 s3, s11;
	s19 =	simm.s32 $0x480;
	s13 =	sadd.s32 s3, s13  }
0x4b: {  	[tilespmem:s31], [sflag:$0x1] =	stream.linear.gather [hbm4b:s4+s2], $0x80, $0x38;
	[tilespmem:$0x10200] =	vst v63  }
0x4c: {  	s4 =	sand.u32 $0x1FFFFFF0, s26;
	s31 =	simm.s32 $0x500;
	s11 =	sld [smem:$0x1F]  }
0x4d: {  	[tilespmem:s19], [sflag:$0x1] =	stream.linear.gather [hbm4b:s17+s2], $0x80, $0x38;
	[tilespmem:$0x10200] =	vst v63  }
0x4e: {  	s4 =	sadd.s32 s3, s4;
	s17 =	simm.s32 $0x580;
	s19 =	sshll.u32 s24, $0x4  }
0x4f: {  	[tilespmem:s31], [sflag:$0x1] =	stream.linear.gather [hbm4b:s4+s2], $0x80, $0x38;
	[tilespmem:$0x10200] =	vst v63  }
0x50: {  	s24 =	simm.s32 $0x680;
	s4 =	sand.u32 $0x1FFFFFF0, s19;
	s31 =	sshll.u32 s20, $0x4  }
0x51: {  	s20 =	sshll.u32 s16, $0x4;
	s16 =	sadd.s32 s3, s6;
	s26 =	sld [smem:$0x10]  }
0x52: {  	[tilespmem:s17], [sflag:$0x1] =	stream.linear.gather [hbm4b:s13+s2], $0x80, $0x38;
	[tilespmem:$0x10200] =	vst v63  }
0x53: {  	s6 =	sadd.s32 s3, s7;
	s7 =	sadd.s32 s3, s9;
	s13 =	sand.u32 $0x1FFFFFF0, s22  }
0x54: {  	s4 =	sadd.s32 s3, s4;
	s17 =	sshll.u32 s21, $0x4;
	s19 =	sand.u32 $0x1FFFFFF0, s31  }
0x55: {  	s22 =	sand.u32 $0x1FFFFFF0, s18;
	s21 =	sshll.u32 s14, $0x4;
	s31 =	simm.s32 $0x700  }
0x56: {  	s14 =	simm.s32 $0x780;
	s18 =	sshll.u32 s15, $0x4;
	s11 =	sshll.u32 s11, $0x4  }
0x57: {  	s30 =	sadd.s32 s3, s13;
	s17 =	sand.u32 $0x1FFFFFF0, s17;
	s21 =	sand.u32 $0x1FFFFFF0, s21  }
0x58: {  	[tilespmem:s23], [sflag:$0x1] =	stream.linear.gather [hbm4b:s4+s2], $0x80, $0x38;
	[tilespmem:$0x10200] =	vst v63  }
0x59: {  	s4 =	sand.u32 $0x1FFFFFF0, s20;
	s23 =	sshll.u32 s0, $0x4;
	s13 =	sld [smem:$0x12]  }
0x5a: {  	[tilespmem:s24], [sflag:$0x1] =	stream.linear.gather [hbm4b:s30+s2], $0x80, $0x38;
	[tilespmem:$0x10200] =	vst v63  }
0x5b: {  	s20 =	simm.s32 $0x0;
	s24 =	sand.u32 $0x1FFFFFF0, s12;
	s30 =	sshll.u32 s28, $0x4  }
0x5c: {  	s28 =	simm.s32 $0x880;
	s12 =	sand.u32 $0x1FFFFFF0, s30;
	s0 =	sadd.s32 s3, s24  }
0x5d: {  	[tilespmem:s31], [sflag:$0x1] =	stream.linear.gather [hbm4b:s0+s2], $0x80, $0x38;
	[tilespmem:$0x10200] =	vst v63  }
0x5e: {  	s9 =	sadd.s32 s3, s4;
	s24 =	sand.u32 $0x1FFFFFF0, s23;
	s12 =	sadd.s32 s3, s12  }
0x5f: {  	[tilespmem:s14], [sflag:$0x1] =	stream.linear.gather [hbm4b:s12+s2], $0x80, $0x38;
	[tilespmem:$0x10200] =	vst v63  }
0x60: {  	s23 =	simm.s32 $0x800;
	s30 =	sshll.u32 s25, $0x4;
	s12 =	sand.u32 $0x1FFFFFF0, s18  }
0x61: {  	s25 =	simm.s32 $0x30;
	s0 =	simm.s32 $0xA80;
	s12 =	sadd.s32 s3, s12  }
0x62: {  	[tilespmem:s23], [sflag:$0x1] =	stream.linear.gather [hbm4b:s12+s2], $0x80, $0x38;
	[tilespmem:$0x10200] =	vst v63  }
0x63: {  	s31 =	simm.s32 $0x900;
	s13 =	sshll.u32 s13, $0x4;
	s15 =	sld [smem:$0x11]  }
0x64: {  	[tilespmem:s28], [sflag:$0x1] =	stream.linear.gather [hbm4b:s10+s2], $0x80, $0x38;
	[tilespmem:$0x10200] =	vst v63  }
0x65: {  	s14 =	sand.u32 $0x1FFFFFF0, s5;
	s23 =	simm.s32 $0xC80;
	s10 =	sand.u32 $0x1FFFFFF0, s30  }
0x66: {  	s12 =	sand.u32 $0x1FFFFFF0, s11;
	s28 =	sshll.u32 s26, $0x4;
	s10 =	sadd.s32 s3, s10  }
0x67: {  	[tilespmem:s31], [sflag:$0x1] =	stream.linear.gather [hbm4b:s10+s2], $0x80, $0x38;
	[tilespmem:$0x10200] =	vst v63  }
0x68: {  	s30 =	simm.s32 $0x980;
	s10 =	sshll.u32 s8, $0x4;
	s8 =	sand.u32 $0x1FFFFFF0, s28  }
0x69: {  	s5 =	sand.u32 $0x1FFFFFF0, s10;
	s10 =	sand.u32 $0x1FFFFFF0, s13;
	s8 =	sadd.s32 s3, s8  }
0x6a: {  	s31 =	sshll.u32 s15, $0x4;
	s18 =	sadd.s32 s3, s5;
	s5 =	sadd.s32 s3, s12  }
0x6b: {  	[tilespmem:s30], [sflag:$0x1] =	stream.linear.gather [hbm4b:s1+s2], $0x80, $0x38;
	[tilespmem:$0x10200] =	vst v63  }
0x6c: {  	s1 =	simm.s32 $0xA00;
	s12 =	sand.u32 $0x1FFFFFF0, s31;
	s11 =	sld [smem:$0x13]  }
.LBB2_2:
0x6d: {  	[tilespmem:s1], [sflag:$0x1] =	stream.linear.gather [hbm4b:s8+s2], $0x80, $0x38;
	[tilespmem:$0x10200] =	vst v63  }
0x6e: {  	s8 =	smov.u32 s29  }
0x6f: {  	s26 =	smov.u32 s25;
	s30 =	sld [smem:s25+$0xFFFFFFFF];
	s4 =	sadd.s32 s3, s12  }
0x70: {  	s12 =	sadd.s32 s3, s24;
	s13 =	sadd.s32 $0xB00, s20;
	s15 =	sld [smem:s25+$0x4]  }
0x71: {  	s10 =	sadd.s32 s3, s10;
	s31 =	sadd.s32 $0x4000, s29;
	s28 =	sld [smem:s25+$0x5]  }
0x72: {  	s1 =	sadd.s32 $0xB80, s20;
	s24 =	sadd.s32 $0xC00, s20;
	[dreg:$0x4] =	wrdreg s31  }
0x73: {  	[tilespmem:s0], [sflag:$0x1] =	stream.linear.gather [hbm4b:s4+s2], $0x80, $0x38;
	[tilespmem:$0x10200] =	vst v63  }
0x74: {  	s11 =	sshll.u32 s11, $0x4;
	[dreg:$0x5] =	wrdreg s30;
	s0 =	sshll.u32 s28, $0x4  }
0x75: {  	[tilespmem:s13], [sflag:$0x1] =	stream.linear.gather [hbm4b:s10+s2], $0x80, $0x38;
	[tilespmem:$0x10200] =	vst v63  }
0x76: {  	s11 =	sand.u32 $0x1FFFFFF0, s11;
	s0 =	sand.u32 $0x1FFFFFF0, s0;
	s10 =	sld [smem:s25+$0xFFFFFFF4]  }
0x77: {  	p0 =	sne.s32 s29, $0x3C000;
	s4 =	sadd.s32 s3, s11;
	[dreg:$0x6] =	wrdreg s0  }
0x78: {  	[tilespmem:s1], [sflag:$0x1] =	stream.linear.gather [hbm4b:s4+s2], $0x80, $0x38;
	[tilespmem:$0x10200] =	vst v63  }
0x79: {  	s31 =	sadd.s32 s3, s22;
	s30 =	sadd.s32 s3, s19;
	s1 =	sld [smem:s25+$0x7]  }
0x7a: {  	[tilespmem:s24], [sflag:$0x1] =	stream.linear.gather [hbm4b:s30+s2], $0x80, $0x38;
	[tilespmem:$0x10200] =	vst v63  }
0x7b: {  	s22 =	sadd.s32 $0xD00, s20;
	s15 =	sshll.u32 s15, $0x4;
	s30 =	sld [smem:s25+$0x6]  }
0x7c: {  	s19 =	sadd.s32 s3, s17;
	s24 =	sand.u32 $0x1FFFFFF0, s15;
	s15 =	sld [smem:s25+$0x8]  }
0x7d: {  	s28 =	sadd.s32 $0xD80, s20;
	s17 =	sadd.s32 $0xF00, s20;
	[dreg:$0x8] =	wrdreg s24  }
0x7e: {  	s11 =	sadd.s32 s3, s21;
	s13 =	sadd.s32 $0xE80, s20;
	s24 =	sld [smem:s25+$0x9]  }
0x7f: {  	[tilespmem:s23], [sflag:$0x1] =	stream.linear.gather [hbm4b:s19+s2], $0x80, $0x38;
	[tilespmem:$0x10200] =	vst v63  }
0x80: {  	s19 =	sshll.u32 s1, $0x4;
	s0 =	sshll.u32 s30, $0x4;
	s30 =	sld [smem:s25+$0xFFFFFFF1]  }
0x81: {  	[tilespmem:s22], [sflag:$0x1] =	stream.linear.gather [hbm4b:s31+s2], $0x80, $0x38;
	[tilespmem:$0x10200] =	vst v63  }
0x82: {  	s0 =	sand.u32 $0x1FFFFFF0, s0;
	s22 =	sshll.u32 s15, $0x4;
	s15 =	sld [smem:s25+$0xFFFFFFF6]  }
0x83: {  	s21 =	sadd.s32 $0xF80, s20;
	[dreg:$0xa] =	wrdreg s0;
	s0 =	sand.u32 $0x1FFFFFF0, s19  }
0x84: {  	[tilespmem:s28], [sflag:$0x1] =	stream.linear.gather [hbm4b:s9+s2], $0x80, $0x38;
	[tilespmem:$0x10200] =	vst v63  }
0x85: {  	s23 =	sadd.s32 $0x1000, s20;
	s1 =	sadd.s32 $0x1100, s20;
	[dreg:$0x7] =	wrdreg s0  }
0x86: {  	s31 =	sadd.s32 $0xE00, s20;
	s0 =	sand.u32 $0x1FFFFFF0, s22;
	s22 =	sld [smem:s25+$0xA]  }
0x87: {  	s28 =	sadd.s32 $0x1080, s20;
	[dreg:$0x9] =	wrdreg s0;
	s4 =	sshll.u32 s15, $0x4  }
0x88: {  	[tilespmem:s31], [sflag:$0x1] =	stream.linear.gather [hbm4b:s11+s2], $0x80, $0x38;
	[tilespmem:$0x10200] =	vst v63  }
0x89: {  	s31 =	sadd.s32 s3, s14;
	s11 =	sshll.u32 s24, $0x4;
	s14 =	sshll.u32 s10, $0x4  }
0x8a: {  	s4 =	sand.u32 $0x1FFFFFF0, s4;
	s24 =	sld [smem:s25+$0xFFFFFFF8];
	s0 =	sand.u32 $0x1FFFFFF0, s14  }
0x8b: {  	s19 =	sand.u32 $0x1FFFFFF0, s11;
	s10 =	sshll.u32 s22, $0x4;
	s22 =	sld [smem:s25+$0xFFFFFFF9]  }
0x8c: {  	[tilespmem:s13], [sflag:$0x1] =	stream.linear.gather [hbm4b:s12+s2], $0x80, $0x38;
	[tilespmem:$0x10200] =	vst v63  }
0x8d: {  	s12 =	sadd.s32 $0x1180, s20;
	s20 =	sshra.s32 s8, $0x2;
	s13 =	sld [smem:s25+$0xFFFFFFF5]  }
0x8e: {  	[tilespmem:s17], [sflag:$0x1] =	stream.linear.gather [hbm4b:s7+s2], $0x80, $0x38;
	[tilespmem:$0x10200] =	vst v63  }
0x8f: {  	s29 =	sadd.s32 s3, s4;
	[dreg:$0xb] =	wrdreg s19;
	s17 =	sadd.s32 $0xA80, s20  }
0x90: {  	s19 =	sshll.u32 s22, $0x4;
	s22 =	sld [smem:s25+$0xFFFFFFFC];
	s8 =	sshll.u32 s13, $0x4  }
0x91: {  	[dreg:$0xc] =	wrdreg s17;
	s19 =	sand.u32 $0x1FFFFFF0, s19;
	s13 =	sadd.s32 $0x280, s20  }
0x92: {  	[tilespmem:s21], [sflag:$0x1] =	stream.linear.gather [hbm4b:s16+s2], $0x80, $0x38;
	[tilespmem:$0x10200] =	vst v63  }
0x93: {  	s8 =	sand.u32 $0x1FFFFFF0, s8;
	s21 =	sld [smem:s25+$0xFFFFFFF7];
	s19 =	sadd.s32 s3, s19  }
0x94: {  	[tilespmem:s23], [sflag:$0x1] =	stream.linear.gather [hbm4b:s6+s2], $0x80, $0x38;
	[tilespmem:$0x10200] =	vst v63  }
0x95: {  	s7 =	sadd.s32 s3, s8;
	s8 =	sadd.s32 $0x480, s20;
	s23 =	sld [smem:s25+$0xB]  }
0x96: {  	s22 =	sshll.u32 s22, $0x4;
	s6 =	sshll.u32 s30, $0x4;
	s30 =	sld [smem:s25+$0xC]  }
0x97: {  	s16 =	sand.u32 $0x1FFFFFF0, s6;
	s6 =	sadd.s32 s3, s0;
	s9 =	sshll.u32 s21, $0x4  }
0x98: {  	[tilespmem:s28], [sflag:$0x1] =	stream.linear.gather [hbm4b:s31+s2], $0x80, $0x38;
	[tilespmem:$0x10200] =	vst v63  }
0x99: {  	s21 =	sshll.u32 s24, $0x4;
	s24 =	sld [smem:s25+$0xFFFFFFFA];
	s31 =	sadd.s32 $0x200, s20  }
0x9a: {  	s15 =	sand.u32 $0x1FFFFFF0, s9;
	s9 =	sand.u32 $0x1FFFFFF0, s10;
	s28 =	sld [smem:s25+$0xD]  }
0x9b: {  	s11 =	sand.u32 $0x1FFFFFF0, s21;
	s21 =	sld [smem:s25+$0xFFFFFFFD];
	s10 =	sadd.s32 $0x600, s20  }
0x9c: {  	[tilespmem:s1], [sflag:$0x1] =	stream.linear.gather [hbm4b:s18+s2], $0x80, $0x38;
	[tilespmem:$0x10200] =	vst v63  }
0x9d: {  	s4 =	sshll.u32 s23, $0x4;
	s23 =	sld [smem:s25+$0xFFFFFFF0];
	s18 =	sadd.s32 $0x380, s20  }
0x9e: {  	s1 =	sadd.s32 $0xC80, s20;
	s4 =	sand.u32 $0x1FFFFFF0, s4;
	s17 =	sshll.u32 s24, $0x4  }
0x9f: {  	s24 =	sadd.s32 s3, s16;
	s28 =	sshll.u32 s28, $0x4;
	s17 =	sand.u32 $0x1FFFFFF0, s17  }
0xa0: {  	s16 =	sadd.s32 s3, s4;
	s4 =	sadd.s32 $0x780, s20;
	s21 =	sshll.u32 s21, $0x4  }
0xa1: {  	[tilespmem:s12], [sflag:$0x1] =	stream.linear.gather [hbm4b:s5+s2], $0x80, $0x38;
	[tilespmem:$0x10200] =	vst v63  }
0xa2: {  	s5 =	sadd.s32 $0x400, s20;
	s14 =	sshll.u32 s23, $0x4;
	s23 =	sld [smem:s25+$0xFFFFFFF3]  }
0xa3: {  	s12 =	sshll.u32 s30, $0x4;
	s0 =	sand.u32 $0x1FFFFFF0, s28;
	s30 =	sld [smem:s26+$0xFFFFFFF2]  }
0xa4: {  	s25 =	sadd.s32 $0x20, s25;
	s28 =	sld [smem:s26+$0xFFFFFFFB];
	s14 =	sand.u32 $0x1FFFFFF0, s14  }
0xa5: {  	s21 =	sand.u32 $0x1FFFFFF0, s21;
	s12 =	sand.u32 $0x1FFFFFF0, s12;
	s14 =	sadd.s32 s3, s14  }
0xa6: {  	[tilespmem:s31], [sflag:$0x1] =	stream.linear.gather [hbm4b:s14+s2], $0x80, $0x38;
	[tilespmem:$0x10200] =	vst v63  }
0xa7: {  	s31 =	sshll.u32 s30, $0x4;
	s30 =	sld [smem:s26+$0xE];
	s14 =	sadd.s32 s3, s15  }
0xa8: {  	s15 =	sshll.u32 s28, $0x4;
	s28 =	sadd.s32 $0x300, s20;
	s23 =	sshll.u32 s23, $0x4  }
0xa9: {  	s31 =	sand.u32 $0x1FFFFFF0, s31;
	s23 =	sand.u32 $0x1FFFFFF0, s23;
	s15 =	sand.u32 $0x1FFFFFF0, s15  }
0xaa: {  	[tilespmem:s13], [sflag:$0x1] =	stream.linear.gather [hbm4b:s24+s2], $0x80, $0x38;
	[tilespmem:$0x10200] =	vst v63  }
0xab: {  	s31 =	sadd.s32 s3, s31;
	s24 =	sadd.s32 s3, s23;
	s23 =	sadd.s32 $0x680, s20  }
0xac: {  	[tilespmem:s28], [sflag:$0x1] =	stream.linear.gather [hbm4b:s31+s2], $0x80, $0x38;
	[tilespmem:$0x10200] =	vst v63  }
0xad: {  	s13 =	sand.u32 $0x1FFFFFF0, s22;
	s22 =	sadd.s32 $0x500, s20;
	s31 =	sld [smem:s26+$0xF]  }
0xae: {  	s30 =	sshll.u32 s30, $0x4;
	s13 =	sadd.s32 s3, s13;
	s28 =	sld [smem:s26+$0xFFFFFFFE]  }
0xaf: {  	[tilespmem:s18], [sflag:$0x1] =	stream.linear.gather [hbm4b:s24+s2], $0x80, $0x38;
	[tilespmem:$0x10200] =	vst v63  }
0xb0: {  	s18 =	sand.u32 $0x1FFFFFF0, s30;
	s30 =	sadd.s32 s3, s11;
	s31 =	sshll.u32 s31, $0x4  }
0xb1: {  	[tilespmem:s5], [sflag:$0x1] =	stream.linear.gather [hbm4b:s6+s2], $0x80, $0x38;
	[tilespmem:$0x10200] =	vst v63  }
0xb2: {  	s24 =	sshll.u32 s28, $0x4;
	s28 =	sand.u32 $0x1FFFFFF0, s31;
	s31 =	sld [smem:s26+$0x2]  }
0xb3: {  	[tilespmem:s8], [sflag:$0x1] =	stream.linear.gather [hbm4b:s7+s2], $0x80, $0x38;
	[tilespmem:$0x10200] =	vst v63  }
0xb4: {  	s11 =	sld [smem:s26+$0x0];
	s24 =	sand.u32 $0x1FFFFFF0, s24;
	s7 =	sadd.s32 s3, s9  }
0xb5: {  	s9 =	sshll.u32 s31, $0x4;
	s31 =	sadd.s32 s3, s24;
	s24 =	rddreg [dreg:$0xb]  }
0xb6: {  	[tilespmem:s22], [sflag:$0x1] =	stream.linear.gather [hbm4b:s29+s2], $0x80, $0x38;
	[tilespmem:$0x10200] =	vst v63  }
0xb7: {  	s18 =	sadd.s32 s3, s18;
	s5 =	sadd.s32 $0x580, s20;
	s22 =	rddreg [dreg:$0xa]  }
0xb8: {  	s6 =	sadd.s32 s3, s12;
	s12 =	sadd.s32 $0x700, s20;
	s29 =	rddreg [dreg:$0x4]  }
0xb9: {  	[tilespmem:s5], [sflag:$0x1] =	stream.linear.gather [hbm4b:s14+s2], $0x80, $0x38;
	[tilespmem:$0x10200] =	vst v63  }
0xba: {  	s14 =	sadd.s32 s3, s17;
	s5 =	sadd.s32 s3, s28;
	s17 =	sadd.s32 $0x900, s20  }
0xbb: {  	[tilespmem:s10], [sflag:$0x1] =	stream.linear.gather [hbm4b:s30+s2], $0x80, $0x38;
	[tilespmem:$0x10200] =	vst v63  }
0xbc: {  	s28 =	sadd.s32 $0x800, s20;
	s30 =	sadd.s32 s3, s15;
	s10 =	rddreg [dreg:$0x5]  }
0xbd: {  	[tilespmem:s23], [sflag:$0x1] =	stream.linear.gather [hbm4b:s19+s2], $0x80, $0x38;
	[tilespmem:$0x10200] =	vst v63  }
0xbe: {  	s15 =	sadd.s32 $0x880, s20;
	s23 =	smov.u32 s1;
	s19 =	rddreg [dreg:$0x8]  }
0xbf: {  	[tilespmem:s12], [sflag:$0x1] =	stream.linear.gather [hbm4b:s14+s2], $0x80, $0x38;
	[tilespmem:$0x10200] =	vst v63  }
0xc0: {  	s1 =	sshll.u32 s10, $0x4;
	s14 =	smov.u32 s0;
	s0 =	rddreg [dreg:$0xc]  }
0xc1: {  	s10 =	sand.u32 $0x1FFFFFF0, s9;
	s12 =	sshll.u32 s11, $0x4;
	s11 =	sld [smem:s26+$0x3]  }
0xc2: {  	[tilespmem:s4], [sflag:$0x1] =	stream.linear.gather [hbm4b:s30+s2], $0x80, $0x38;
	[tilespmem:$0x10200] =	vst v63  }
0xc3: {  	s9 =	sand.u32 $0x1FFFFFF0, s12;
	s30 =	sadd.s32 s3, s21;
	s21 =	rddreg [dreg:$0x9]  }
0xc4: {  	[tilespmem:s28], [sflag:$0x1] =	stream.linear.gather [hbm4b:s13+s2], $0x80, $0x38;
	[tilespmem:$0x10200] =	vst v63  }
0xc5: {  	s1 =	sand.u32 $0x1FFFFFF0, s1;
	s8 =	sadd.s32 s3, s9;
	s13 =	sld [smem:s26+$0x1]  }
0xc6: {  	[tilespmem:s15], [sflag:$0x1] =	stream.linear.gather [hbm4b:s30+s2], $0x80, $0x38;
	[tilespmem:$0x10200] =	vst v63  }
.Ltmp0:
0xc7: {  	s28 =	sadd.s32 s3, s1;
	s1 =	sadd.s32 $0xA00, s20;
	(pc) =	sbr.rel @p0 .LBB2_2-.Ltmp0, $4  }
0xc8: {  	[tilespmem:s17], [sflag:$0x1] =	stream.linear.gather [hbm4b:s31+s2], $0x80, $0x38;
	[tilespmem:$0x10200] =	vst v63  }
0xc9: {  	s15 =	sadd.s32 $0x980, s20;
	s30 =	sshll.u32 s13, $0x4;
	s31 =	rddreg [dreg:$0x7]  }
0xca: {  	s17 =	rddreg [dreg:$0x6];
	s12 =	sand.u32 $0x1FFFFFF0, s30;
	s9 =	sadd.s32 s3, s31  }
0xcb: {  	[tilespmem:s15], [sflag:$0x1] =	stream.linear.gather [hbm4b:s28+s2], $0x80, $0x38;
	[tilespmem:$0x10200] =	vst v63  }
0xcc: {  	[tilespmem:s1], [sflag:$0x1] =	stream.linear.gather [hbm4b:s8+s2], $0x80, $0x38;
	[tilespmem:$0x10200] =	vst v63  }
0xcd: {  	s15 =	sadd.s32 s3, s12;
	s28 =	sshll.u32 s11, $0x4  }
0xce: {  	[tilespmem:s0], [sflag:$0x1] =	stream.linear.gather [hbm4b:s15+s2], $0x80, $0x38;
	[tilespmem:$0x10200] =	vst v63  }
0xcf: {  	s25 =	sadd.s32 $0xB00, s20;
	s26 =	sadd.s32 s3, s10;
	s0 =	sand.u32 $0x1FFFFFF0, s28  }
0xd0: {  	[tilespmem:s25], [sflag:$0x1] =	stream.linear.gather [hbm4b:s26+s2], $0x80, $0x38;
	[tilespmem:$0x10200] =	vst v63  }
0xd1: {  	s29 =	sadd.s32 $0xB80, s20;
	s0 =	sadd.s32 s3, s0  }
0xd2: {  	[tilespmem:s29], [sflag:$0x1] =	stream.linear.gather [hbm4b:s0+s2], $0x80, $0x38;
	[tilespmem:$0x10200] =	vst v63  }
0xd3: {  	s30 =	sadd.s32 $0xC00, s20;
	s31 =	sadd.s32 s3, s19  }
0xd4: {  	[tilespmem:s30], [sflag:$0x1] =	stream.linear.gather [hbm4b:s31+s2], $0x80, $0x38;
	[tilespmem:$0x10200] =	vst v63  }
0xd5: {  	s4 =	sadd.s32 s3, s17  }
0xd6: {  	[tilespmem:s23], [sflag:$0x1] =	stream.linear.gather [hbm4b:s4+s2], $0x80, $0x38;
	[tilespmem:$0x10200] =	vst v63  }
0xd7: {  	s8 =	sadd.s32 s3, s22;
	s10 =	sadd.s32 $0xD00, s20  }
0xd8: {  	[tilespmem:s10], [sflag:$0x1] =	stream.linear.gather [hbm4b:s8+s2], $0x80, $0x38;
	[tilespmem:$0x10200] =	vst v63  }
0xd9: {  	s11 =	sadd.s32 $0xD80, s20  }
0xda: {  	[tilespmem:s11], [sflag:$0x1] =	stream.linear.gather [hbm4b:s9+s2], $0x80, $0x38;
	[tilespmem:$0x10200] =	vst v63  }
0xdb: {  	s12 =	sadd.s32 $0xE00, s20;
	s13 =	sadd.s32 s3, s21  }
0xdc: {  	[tilespmem:s12], [sflag:$0x1] =	stream.linear.gather [hbm4b:s13+s2], $0x80, $0x38;
	[tilespmem:$0x10200] =	vst v63  }
0xdd: {  	s17 =	sadd.s32 $0xE80, s20;
	s15 =	sadd.s32 s3, s24  }
0xde: {  	[tilespmem:s17], [sflag:$0x1] =	stream.linear.gather [hbm4b:s15+s2], $0x80, $0x38;
	[tilespmem:$0x10200] =	vst v63  }
0xdf: {  	s19 =	sadd.s32 $0xF00, s20  }
0xe0: {  	[tilespmem:s19], [sflag:$0x1] =	stream.linear.gather [hbm4b:s7+s2], $0x80, $0x38;
	[tilespmem:$0x10200] =	vst v63  }
0xe1: {  	s21 =	sadd.s32 $0xF80, s20  }
0xe2: {  	[tilespmem:s21], [sflag:$0x1] =	stream.linear.gather [hbm4b:s16+s2], $0x80, $0x38;
	[tilespmem:$0x10200] =	vst v63  }
0xe3: {  	s22 =	sadd.s32 $0x1000, s20  }
0xe4: {  	[tilespmem:s22], [sflag:$0x1] =	stream.linear.gather [hbm4b:s6+s2], $0x80, $0x38;
	[tilespmem:$0x10200] =	vst v63  }
0xe5: {  	s24 =	sadd.s32 s3, s14;
	s23 =	sadd.s32 $0x1080, s20  }
0xe6: {  	[tilespmem:s23], [sflag:$0x1] =	stream.linear.gather [hbm4b:s24+s2], $0x80, $0x38;
	[tilespmem:$0x10200] =	vst v63  }
0xe7: {  	s25 =	sadd.s32 $0x1100, s20  }
0xe8: {  	[tilespmem:s25], [sflag:$0x1] =	stream.linear.gather [hbm4b:s18+s2], $0x80, $0x38;
	[tilespmem:$0x10200] =	vst v63  }
0xe9: {  	s26 =	sadd.s32 $0x1180, s20;
	s6 =	simm.s32 $0x1  }
0xea: {  	[tilespmem:s26], [sflag:$0x1] =	stream.linear.gather [hbm4b:s5+s2], $0x80, $0x38;
	[tilespmem:$0x10200] =	vst v63  }
0xeb: {  	_ =	swait.ge [sflag:s6], $0x10000  }
0xec: {  	s29 =	simm.s32 $0x200;
	[sflag:s6] =	ssyncset.done $0x0  }
0xed: {  	s8 =	simm.s32 $0x2;
	s28 =	rddreg [dreg:$0x10];
	[sflag:s6] =	ssyncadd.s32 $0xFFFF0000  }
0xee: {  	[hbm4b:s28+s2] =	stream.linear.scatter [tilespmem:s29], [sflag:$0x2], $0x10000, $0x38;
	[tilespmem:$0x10200] =	vst v63  }
0xef: {  	_ =	swait.ge [sflag:s8], $0x10000  }
0xf0: {  	s30 =	rddreg [dreg:$0x16]  }
0xf1: {  	s31 =	rddreg [dreg:$0x11];
	s1 =	sadd.s32 $0x1, s30  }
0xf2: {  	p0 =	sne.s32 s1, s31  }
.Ltmp1:
0xf3: {  	_ = 	snop;
	(pc) =	sbr.rel @p0 .LBB2_1-.Ltmp1, $3  }
0xf4: {  	_ =	sdelay $0x1  }
0xf5: {  	[sflag:s8] =	ssyncset.done $0x0  }
0xf6: {  	[sflag:s8] =	ssyncadd.s32 $0xFFFF0000  }
0xf7: {  	_ =	sfence.sel $0x180000  }
0xf8: {  	[bflag:$0x0] =	sbarrier.arrive $0xFFFF  }
0xf9: {  	_ =	strace $0x90000047  }
0xfa: {  	s0 =	stileid.u32;
	[bflag:$0x2] =	sbarrier.arrive $0xFFFF  }
0xfb: {  	p0 =	sne.s32 s0, $0x0;
	s0 =	rddreg [dreg:$0x3]  }
0xfc: {  	s0 =	sadd.s32 @!p0 $0x100000, s0  }
0xfd: {  	[sflag:s0] =	ssyncadd.tile.s32 @!p0 $0x1;
	_ =	shalt  }
.Lfunc_end2:
_tile_overlayer_lowered:
.L_overlay_start_2:
0xfe: {  	(tag) =	ssettag $0x2  }
0xff: {  	s0 =	rddreg [dreg:$0x0];
	s2 =	stileid.u32  }
0x100: {  	s1 =	rddreg [dreg:$0x1];
	p0 =	sne.s32 s2, $0x0  }
0x101: {  	s3 =	rddreg [dreg:$0x2];
	[bflag:$0x3] =	sbarrier.arrive $0xFFFF;
	s2 =	simm.s32 @!p0 $0x1C02  }
0x102: {  	[timem:s3], [sflag:s2] =	dma.local @!p0 [hbm:s0], s1  }
0x103: {  	s0 =	simm.s32 @!p0 $0x2  }
0x104: {  	_ =	swait.ge @!p0 [sflag:s0], s1  }
0x105: {  	s1 =	ssub.s32 @!p0 $0x0, s1;
	[sflag:s0] =	ssyncset.done @!p0 $0x0  }
0x106: {  	[sflag:s0] =	ssyncadd.s32 @!p0 s1  }
0x107: {  	[bflag:$0x3] =	sbarrier.arrive $0xFFFF  }
0x108: {  	_ =	shalt  }

// kernel: kernel.7.cloned.1.call-start
scs
__scs_entry_jumppad:
0x0: {  	(pc) =	sbr.rel $0x88, $3  }
0x1: {  	(tag) =	ssettag $0x0;
	lr =	simm.s32 $0x1  }
0x2: {  	[smem:$0x3F9E] =	sst lr;
	_ =	strace $0xD0000000  }
0x3: {  	_ = 	snop  }
0x4: {  	_ = 	snop  }
0x5: {  	_ = 	snop  }
0x6: {  	_ = 	snop  }
0x7: {  	_ = 	snop  }
__scs_overlays_trampoline_lowered:
0x8: {  	[smem:$0x3FAD] =	sst s0  }
0x9: {  	[smem:$0x3FAE] =	sst s1  }
0xa: {  	[smem:$0x3FAF] =	sst s2  }
0xb: {  	[smem:$0x3FB0] =	sst s3  }
0xc: {  	[smem:$0x3FB1] =	sst s4  }
0xd: {  	[smem:$0x3FB2] =	sst s5  }
0xe: {  	[smem:$0x3FB3] =	sst s6  }
0xf: {  	[smem:$0x3FB4] =	sst s7  }
0x10: {  	[smem:$0x3FB5] =	sst s8  }
0x11: {  	[smem:$0x3FB6] =	sst s9;
	s0 =	simm.s32 @!p0 $0x0  }
0x12: {  	s1 =	sld [smem:$0x3F9C];
	s0 =	simm.s32 @p0 $0x1  }
0x13: {  	[smem:$0x3FB7] =	sst s0;
	s0 =	simm.s32 @!p1 $0x0  }
0x14: {  	s2 =	sld [smem:$0x3F9B];
	s0 =	simm.s32 @p1 $0x1  }
0x15: {  	[smem:$0x3FB8] =	sst s0;
	s0 =	simm.s32 @!p2 $0x0  }
0x16: {  	s3 =	sld [smem:$0x3FDB];
	s0 =	simm.s32 @p2 $0x1  }
0x17: {  	s4 =	simm.s32 $0x1BF5;
	[smem:$0x3FBA] =	sst s0  }
0x18: {  	s0 =	sld [smem:$0x3F9D];
	_ =	swait.ge [sflag:s4], $0x0  }
0x19: {  	s7 =	sld [smem:$0x3F9E]  }
0x1a: {  	s8 =	sadd.s32 $0xFFFFE003, lr  }
0x1b: {  	s9 =	sadd.s32 $0xFFFFFEF7, lr;
	s5 =	simm.s32 $0xFFFFFFFF;
	p2 =	slt.u32 s8, $0xFFFFF086  }
0x1c: {  	p1 =	slt.u32 s9, $0xF7A;
	s5 =	simm.s32 @!p2 $0x0  }
0x1d: {  	s5 =	simm.s32 @p1 $0x1;
	p0 =	seq.s32 s7, s2  }
0x1e: {  	s7 =	smul.u32 @!p0 $0xF7A, s2;
	p2 =	seq.s32 @!p0 s5, $0x0  }
0x1f: {  	s9 =	smul.u32 $0xF7A, s1;
	s8 =	simm.s32 @!p0 $0x1BF5;
	p2 =	por !p2, p0  }
0x20: {  	[sflag:s8] =	ssyncset.s32 @!p0 $0xFFFFF086;
	s6 =	sadd.s32 @!p0 s3, s7;
	s7 =	simm.s32 @!p0 $0x108  }
0x21: {  	s3 =	sadd.s32 s3, s9;
	s6 =	sadd.s32 @!p0 $0x88, s6;
	s7 =	simm.s32 @p2 $0x1082  }
0x22: {  	[simem:s7], [sflag:s8] =	dma.local @!p0 [hbm:s6], $0xF7A  }
0x23: {  	s9 =	sor.u32 $0xD0000000, s2;
	s6 =	simm.s32 $0x108;
	_ =	swait.ge @!p0 [sflag:s8], $0x0  }
0x24: {  	s3 =	sadd.s32 $0x88, s3;
	s6 =	simm.s32 @!p1 $0x1082;
	[sflag:s4] =	ssyncset.s32 $0xFFFFF086  }
0x25: {  	[simem:s6], [sflag:s4] =	dma.local [hbm:s3], $0xF7A  }
0x26: {  	[smem:$0x3F9E] =	sst s1;
	(tag) =	ssettag s2;
	_ =	strace s9  }
0x27: {  	s1 =	sld [smem:$0x3FAE]  }
0x28: {  	s2 =	sld [smem:$0x3FAF]  }
0x29: {  	s4 =	sld [smem:$0x3FB1]  }
0x2a: {  	p0 =	seq.s32 s5, $0x0;
	s5 =	sld [smem:$0x3FB2]  }
0x2b: {  	s6 =	sld [smem:$0x3FB3]  }
0x2c: {  	s7 =	sld [smem:$0x3FB4]  }
0x2d: {  	s3 =	simm.s32 $0x108;
	s8 =	sld [smem:$0x3FB5]  }
0x2e: {  	s3 =	simm.s32 @!p0 $0x1082;
	s9 =	sld [smem:$0x3FB6]  }
0x2f: {  	lr =	sadd.s32 s0, s3;
	s0 =	sld [smem:$0x3FAD]  }
0x30: {  	s3 =	sld [smem:$0x3FB0]  }
0x31: {  	[smem:$0x3FB9] =	sst s10  }
0x32: {  	s10 =	sld [smem:$0x3FB7];
	_ =	sdelay $0x3  }
0x33: {  	p0 =	seq.s32 s10, $0x1;
	s10 =	sld [smem:$0x3FB9];
	_ =	sdelay $0x3  }
0x34: {  	[smem:$0x3FB9] =	sst s10  }
0x35: {  	s10 =	sld [smem:$0x3FB8];
	_ =	sdelay $0x3  }
0x36: {  	p1 =	seq.s32 s10, $0x1;
	s10 =	sld [smem:$0x3FB9];
	_ =	sdelay $0x3  }
0x37: {  	[smem:$0x3FB9] =	sst s10  }
0x38: {  	s10 =	sld [smem:$0x3FBA]  }
0x39: {  	_ = 	snop;
	(pc) =	sbr.ind lr, $3  }
0x3a: {  	_ = 	snop  }
0x3b: {  	_ = 	snop  }
0x3c: {  	p2 =	seq.s32 s10, $0x1;
	s10 =	sld [smem:$0x3FB9]  }
0x3d: {  	_ =	shalt  }
0x3e: {  	_ =	shalt  }
0x3f: {  	_ =	shalt  }
0x40: {  	_ =	shalt  }
0x41: {  	_ =	shalt  }
0x42: {  	_ =	shalt  }
0x43: {  	_ =	shalt  }
0x44: {  	_ =	shalt  }
0x45: {  	_ =	shalt  }
0x46: {  	_ =	shalt  }
0x47: {  	_ =	shalt  }
0x48: {  	_ =	shalt  }
0x49: {  	_ =	shalt  }
0x4a: {  	_ =	shalt  }
0x4b: {  	_ =	shalt  }
0x4c: {  	_ =	shalt  }
0x4d: {  	_ =	shalt  }
0x4e: {  	_ =	shalt  }
0x4f: {  	_ =	shalt  }
0x50: {  	_ =	shalt  }
0x51: {  	_ =	shalt  }
0x52: {  	_ =	shalt  }
0x53: {  	_ =	shalt  }
0x54: {  	_ =	shalt  }
0x55: {  	_ =	shalt  }
0x56: {  	_ =	shalt  }
0x57: {  	_ =	shalt  }
0x58: {  	_ =	shalt  }
0x59: {  	_ =	shalt  }
0x5a: {  	_ =	shalt  }
0x5b: {  	_ =	shalt  }
0x5c: {  	_ =	shalt  }
0x5d: {  	_ =	shalt  }
0x5e: {  	_ =	shalt  }
0x5f: {  	_ =	shalt  }
0x60: {  	_ =	shalt  }
0x61: {  	_ =	shalt  }
0x62: {  	_ =	shalt  }
0x63: {  	_ =	shalt  }
0x64: {  	_ =	shalt  }
0x65: {  	_ =	shalt  }
0x66: {  	_ =	shalt  }
0x67: {  	_ =	shalt  }
0x68: {  	_ =	shalt  }
0x69: {  	_ =	shalt  }
0x6a: {  	_ =	shalt  }
0x6b: {  	_ =	shalt  }
0x6c: {  	_ =	shalt  }
0x6d: {  	_ =	shalt  }
0x6e: {  	_ =	shalt  }
0x6f: {  	_ =	shalt  }
0x70: {  	_ =	shalt  }
0x71: {  	_ =	shalt  }
0x72: {  	_ =	shalt  }
0x73: {  	_ =	shalt  }
0x74: {  	_ =	shalt  }
0x75: {  	_ =	shalt  }
0x76: {  	_ =	shalt  }
0x77: {  	_ =	shalt  }
0x78: {  	_ =	shalt  }
0x79: {  	_ =	shalt  }
0x7a: {  	_ =	shalt  }
0x7b: {  	_ =	shalt  }
0x7c: {  	_ =	shalt  }
0x7d: {  	_ =	shalt  }
0x7e: {  	_ =	shalt  }
0x7f: {  	_ =	shalt  }
0x80: {  	_ =	shalt  }
0x81: {  	_ =	shalt  }
0x82: {  	_ =	shalt  }
0x83: {  	_ =	shalt  }
0x84: {  	_ =	shalt  }
0x85: {  	_ =	shalt  }
0x86: {  	_ =	shalt  }
0x87: {  	_ =	shalt  }
.Lfunc_end0:
.L_simem_size_0:
called_computation.1_lowered:
.L_overlay_start_0:
0x88: {  	s2 =	sld [smem:$0x3FD9]  }
0x89: {  	s3 =	sld [smem:$0x3FFE];
	_ =	sdelay $0x1  }
0x8a: {  	s1 =	srdreg.scid  }
0x8b: {  	s0 =	sand.u32 $0x1, s1  }
0x8c: {  	s17 =	sshll.u32 s0, $0xA;
	s2 =	sadd.s32 s3, s2  }
0x8d: {  	s2 =	sadd.s32 s2, s17  }
0x8e: {  	[smem:$0x3FC5] =	sst s2  }
0x8f: {  	_ = 	snop  }
0x90: {  	s18 =	sld [smem:$0x3FC9];
	(tm) =	ssettm $0x1  }
0x91: {  	s19 =	sld [smem:$0x3FFB];
	_ =	sdelay $0x3  }
0x92: {  	_ =	strace s19  }
0x93: {  	s2 =	sld [smem:$0x3FFC];
	_ =	sdelay $0x3  }
0x94: {  	_ =	strace s2  }
0x95: {  	s2 =	sld [smem:$0x3FFD];
	_ =	sdelay $0x3  }
0x96: {  	_ =	strace s2  }
0x97: {  	_ =	strace $0x8FFFFFFF  }
0x98: {  	s20 =	sld [smem:$0x3FDB];
	_ =	sdelay $0x1  }
0x99: {  	s4 =	simm.s32 $_scs_section_size  }
0x9a: {  	s5 =	simm.s32 $_size__tile_overlayer_lowered;
	s6 =	simm.s32 $_tile_overlayer_lowered  }
0x9b: {  	s7 =	simm.s32 $0x1BFF;
	s21 =	sshll.u32 s6, $0x1;
	s4 =	sadd.s32 s4, s20  }
0x9c: {  	s22 =	simm.s32 $0x0;
	s5 =	sshll.u32 s5, $0x1;
	s6 =	sadd.s32 s21, s4  }
0x9d: {  	[timem:s22], [sflag:s7] =	dma.local [hbm:s6], s5  }
0x9e: {  	_ =	swait.ge [sflag:s7], s5  }
0x9f: {  	s5 =	ssub.s32 $0x0, s5;
	[sflag:s7] =	ssyncset.done $0x0  }
0xa0: {  	[sflag:s7] =	ssyncadd.s32 s5;
	_ =	sdelay $0x1  }
0xa1: {  	s23 =	simm.s32 $0x1B8B  }
0xa2: {  	_ =	swait.ge [sflag:s23], $0x1  }
0xa3: {  	[sflag:s23] =	ssyncset.done $0x0  }
0xa4: {  	[sflag:s23] =	ssyncadd.s32 $0xFFFFFFFF  }
0xa5: {  	s5 =	sld [smem:$0x0]  }
0xa6: {  	s6 =	sand.u32 $0xFFFFFFFE, s1  }
0xa7: {  	p0 =	sne.s32 s1, s6  }
0xa8: {  	s6 =	sshll.u32 @p0 s6, $0xE  }
0xa9: {  	s6 =	sadd.s32 @p0 $0x11B8D, s6;
	s7 =	sshll.u32 @p0 s5, $0x11  }
0xaa: {  	s6 =	sor.u32 @p0 s7, s6  }
0xab: {  	[sflag:s6] =	ssyncadd.remote.s32 @p0 $0x1;
	_ =	sdelay $0x1  }
0xac: {  	s6 =	simm.s32 @p0 $0x1B8D  }
0xad: {  	_ =	swait.eq @p0 [sflag:s6], $0x1  }
0xae: {  	[sflag:s6] =	ssyncadd.s32 @p0 $0xFFFFFFFF  }
0xaf: {  	s7 =	sshll.u32 @!p0 s1, $0xE  }
0xb0: {  	s7 =	sor.u32 @!p0 $0x4000, s7;
	s6 =	simm.s32 @!p0 $0x1B8D  }
0xb1: {  	s5 =	sshll.u32 @!p0 s5, $0x11;
	s7 =	sadd.s32 @!p0 $0x11B8D, s7;
	_ =	swait.eq @!p0 [sflag:s6], $0x1  }
0xb2: {  	s5 =	sor.u32 @!p0 s5, s7;
	[sflag:s6] =	ssyncadd.s32 @!p0 $0xFFFFFFFF  }
0xb3: {  	s25 =	simm.s32 $0x1B8E;
	s24 =	sld [smem:$0x3FFE];
	[sflag:s5] =	ssyncadd.remote.s32 @!p0 $0x1  }
0xb4: {  	s26 =	simm.s32 $execute0_lowered;
	[smem:$0x3FD2] =	sst s25  }
0xb5: {  	s6 =	sshll.u32 s26, $0x1;
	_ =	strace $0x80000049;
	[dreg:$0x1] =	wrdreg $0xFFFFFFFF  }
0xb6: {  	s28 =	simm.s32 $_size_execute0_lowered;
	s4 =	sadd.s32 s4, s6;
	[dreg:$0x0] =	wrdreg $0x0  }
0xb7: {  	s6 =	sshll.u32 s28, $0x1;
	[dreg:$0x2] =	wrdreg s4  }
0xb8: {  	[dreg:$0x3] =	wrdreg s6  }
0xb9: {  	[dreg:$0x4] =	wrdreg $0xC0  }
0xba: {  	_ =	task [dreg:s22], $0x5FFFF  }
0xbb: {  	[dreg:$0x1] =	wrdreg $0xFFFFFFFF  }
0xbc: {  	[dreg:$0x0] =	wrdreg $0x60  }
0xbd: {  	[dreg:$0x2] =	wrdreg s18  }
0xbe: {  	[dreg:$0x3] =	wrdreg s24  }
0xbf: {  	[dreg:$0x4] =	wrdreg $0x0  }
0xc0: {  	[dreg:$0x5] =	wrdreg $0xA  }
0xc1: {  	_ =	task.clear_ibuf [dreg:s22], $0x6FFFF;
	_ =	strace $0x90000049  }
0xc2: {  	s29 =	simm.s32 $0xA;
	_ =	strace $0x8000004B  }
0xc3: {  	_ =	swait.ge [sflag:s29], $0x1  }
0xc4: {  	[sflag:s29] =	ssyncadd.s32 $0xFFFFFFFF  }
0xc5: {  	_ =	strace $0x9000004B  }
0xc6: {  	_ =	sfence  }
0xc7: {  	s30 =	sld [smem:$0x0];
	_ =	sdelay $0x2  }
0xc8: {  	s31 =	sshll.u32 s1, $0xD;
	s1 =	sshrl.u32 s1, $0x2  }
0xc9: {  	s4 =	sand.u32 $0x4000, s31;
	s1 =	sadd.s32 s1, s30  }
0xca: {  	s0 =	sor.u32 s4, s0;
	s1 =	sshll.u32 s1, $0x11  }
0xcb: {  	s0 =	sor.u32 s1, s0  }
0xcc: {  	s0 =	sadd.s32 $0x8F2B, s0  }
0xcd: {  	[sflag:s0] =	ssyncadd.remote.s32 $0x1  }
0xce: {  	_ =	sfence.sel $0xFFFF  }
0xcf: {  	[dreg:$0x0] =	wrdreg $0xFFFFFFFF;
	(pc) =	sbr.abs _section_cstart, $3  }
0xd0: {  	[dreg:$0x1] =	wrdreg $0xFFFFFFFF  }
0xd1: {  	_ =	task.clear_ibuf [dreg:s22], $0x2FFFF;
	_ =	strace $0x9FFFFFFF  }
0xd2: {  	(tm) =	ssettm $0x7FFFFFFF  }
0xd3: {  	_ =	shalt  }
tec
execute0_lowered:
.L_overlay_start_1:
0x0: {  	(tag) =	ssettag $0x1  }
0x1: {  	s0 =	rddreg [dreg:$0x0]  }
0x2: {  	s1 =	rddreg [dreg:$0x1]  }
0x3: {  	s4 =	rddreg [dreg:$0x2]  }
0x4: {  	s2 =	srdreg.scid;
	s10 =	stileid.u32  }
0x5: {  	s5 =	sand.u32 $0x1, s2;
	s2 =	simm.s32 $0x0;
	s3 =	sshll.u32 s10, $0xA  }
0x6: {  	s20 =	sshll.u32 s10, $0x9;
	s9 =	sshll.u32 s10, $0x7;
	s23 =	sshll.u32 s10, $0x6  }
0x7: {  	s6 =	sshll.u32 s5, $0x9;
	[smem:$0x7FF] =	sst s2;
	s5 =	ssub.s32 $0x2, s5  }
0x8: {  	s21 =	sand.u32 $0x380, s9;
	s24 =	sor.u32 $0x1C02, s23;
	s6 =	sor.u32 s6, s3  }
0x9: {  	_ =	strace $0x8000004A;
	s3 =	sadd.s32 $0xF82C00, s1;
	s8 =	sshrl.u32 s5, $0x1  }
0xa: {  	[dreg:$0xf] =	wrdreg s24;
	s7 =	sshll.u32 s6, $0x4;
	s22 =	sshrl.u32 s6, $0x3  }
0xb: {  	s5 =	ssub.s32 s5, s8;
	s1 =	sadd.s32 s7, s1;
	s0 =	sadd.s32 s0, s22  }
0xc: {  	s7 =	sand.u32 $0x1000, s20;
	s26 =	smax.u32 s5, $0x1;
	[dreg:$0xe] =	wrdreg s0  }
0xd: {  	s4 =	sadd.s32 s7, s4;
	s25 =	sadd.s32 $0x1EC5000, s1;
	[dreg:$0x11] =	wrdreg s26  }
0xe: {  	s7 =	sadd.s32 s21, s4;
	[dreg:$0x10] =	wrdreg s25  }
0xf: {  	s28 =	sadd.s32 $0x400, s7;
	[dreg:$0xd] =	wrdreg s7  }
0x10: {  	s29 =	sadd.s32 $0x800, s7;
	[dreg:$0x12] =	wrdreg s28  }
0x11: {  	s30 =	sadd.s32 $0xC00, s7;
	[dreg:$0x13] =	wrdreg s29  }
0x12: {  	s6 =	simm.s32 $0x1;
	s31 =	sshrl.u32 s7, $0x3;
	[dreg:$0x14] =	wrdreg s30  }
0x13: {  	s8 =	simm.s32 $0x2;
	s1 =	simm.s32 $0x0;
	[dreg:$0x15] =	wrdreg s31  }
.LBB2_1:
0x14: {  	[dreg:$0x16] =	wrdreg s1  }
0x15: {  	s31 =	rddreg [dreg:$0xe]  }
0x16: {  	s4 =	rddreg [dreg:$0xf]  }
0x17: {  	s0 =	simm.s32 $0x10;
	s5 =	rddreg [dreg:$0x15];
	s7 =	simm.s32 $0x80  }
0x18: {  	[spmem:s5@s7], [sflag:s4] =	dma.strided [hbm:s31@s0], $0x40, s6, $0x10   }
0x19: {  	_ =	swait.ge [sflag:s8], $0x40  }
0x1a: {  	[sflag:s8] =	ssyncset.done $0x0  }
0x1b: {  	s5 =	rddreg [dreg:$0xd];
	[sflag:s8] =	ssyncadd.s32 $0xFFFFFFC0  }
0x1c: {  	[smem:s2], [sflag:$0x2] =	stream.linear.gather [spmem:s5], $0x80, $0x38;
	[tilespmem:$0x10200] =	vst v63  }
0x1d: {  	s0 =	rddreg [dreg:$0x12]  }
0x1e: {  	[smem:s7], [sflag:$0x2] =	stream.linear.gather [spmem:s0], $0x80, $0x38;
	[tilespmem:$0x10200] =	vst v63  }
0x1f: {  	s6 =	simm.s32 $0x100;
	s0 =	rddreg [dreg:$0x13]  }
0x20: {  	[smem:s6], [sflag:$0x2] =	stream.linear.gather [spmem:s0], $0x80, $0x38;
	[tilespmem:$0x10200] =	vst v63  }
0x21: {  	s7 =	simm.s32 $0x180;
	s0 =	rddreg [dreg:$0x14]  }
0x22: {  	[smem:s7], [sflag:$0x2] =	stream.linear.gather [spmem:s0], $0x80, $0x38;
	[tilespmem:$0x10200] =	vst v63  }
0x23: {  	_ =	swait.ge [sflag:s8], $0x200  }
0x24: {  	[sflag:s8] =	ssyncset.done $0x0  }
0x25: {  	[sflag:s8] =	ssyncadd.s32 $0xFFFFFE00  }
0x26: {  	s1 =	sld [smem:$0xF]  }
0x27: {  	s20 =	sld [smem:$0x14]  }
0x28: {  	s21 =	sld [smem:$0x15]  }
0x29: {  	s18 =	sld [smem:$0x16]  }
0x2a: {  	s16 =	sld [smem:$0x17]  }
0x2b: {  	s14 =	sld [smem:$0x18]  }
0x2c: {  	s0 =	sld [smem:$0x19]  }
0x2d: {  	s8 =	sld [smem:$0x1]  }
0x2e: {  	s11 =	sld [smem:$0x4]  }
0x2f: {  	s13 =	sld [smem:$0x5]  }
0x30: {  	s22 =	sld [smem:$0x6]  }
0x31: {  	s23 =	sld [smem:$0x7]  }
0x32: {  	s9 =	sld [smem:$0x1A]  }
0x33: {  	s30 =	simm.s32 $0x200;
	s1 =	sshll.u32 s1, $0x4;
	s6 =	sld [smem:$0x1B]  }
0x34: {  	s19 =	simm.s32 $0x280;
	s1 =	sand.u32 $0x1FFFFFF0, s1;
	s24 =	sld [smem:$0x8]  }
0x35: {  	s31 =	simm.s32 $0x300;
	s1 =	sadd.s32 s3, s1;
	s7 =	sld [smem:$0x1C]  }
0x36: {  	s18 =	sshll.u32 s18, $0x4;
	s4 =	sshll.u32 s8, $0x4;
	s5 =	sld [smem:$0x1D]  }
0x37: {  	s4 =	sand.u32 $0x1FFFFFF0, s4;
	s9 =	sshll.u32 s9, $0x4;
	s29 =	sld [smem:$0x9]  }
0x38: {  	s4 =	sadd.s32 s3, s4;
	s9 =	sand.u32 $0x1FFFFFF0, s9;
	s10 =	sld [smem:$0xD]  }
0x39: {  	s6 =	sshll.u32 s6, $0x4;
	s7 =	sshll.u32 s7, $0x4;
	s17 =	sld [smem:$0x0]  }
0x3a: {  	s6 =	sand.u32 $0x1FFFFFF0, s6;
	s7 =	sand.u32 $0x1FFFFFF0, s7;
	s12 =	sld [smem:$0xA]  }
0x3b: {  	s5 =	sshll.u32 s5, $0x4;
	s15 =	sld [smem:$0xC];
	s10 =	sshll.u32 s10, $0x4  }
0x3c: {  	s8 =	sshll.u32 s17, $0x4;
	s25 =	sld [smem:$0x3];
	s17 =	simm.s32 $0x380  }
0x3d: {  	s10 =	sand.u32 $0x1FFFFFF0, s10;
	s8 =	sand.u32 $0x1FFFFFF0, s8;
	s26 =	sld [smem:$0x2]  }
0x3e: {  	s12 =	sshll.u32 s12, $0x4;
	s8 =	sadd.s32 s3, s8;
	s28 =	sld [smem:$0xB]  }
0x3f: {  	[tilespmem:s30], [sflag:$0x1] =	stream.linear.gather [hbm4b:s8+s2], $0x80, $0x38;
	[tilespmem:$0x10200] =	vst v63  }
0x40: {  	s10 =	sadd.s32 s3, s10;
	s25 =	sshll.u32 s25, $0x4;
	s8 =	sld [smem:$0x1E]  }
0x41: {  	[tilespmem:s19], [sflag:$0x1] =	stream.linear.gather [hbm4b:s4+s2], $0x80, $0x38;
	[tilespmem:$0x10200] =	vst v63  }
0x42: {  	s30 =	sshll.u32 s26, $0x4;
	s25 =	sand.u32 $0x1FFFFFF0, s25;
	s26 =	sshll.u32 s11, $0x4  }
0x43: {  	s4 =	sand.u32 $0x1FFFFFF0, s30;
	s19 =	sadd.s32 s3, s25;
	s30 =	sshll.u32 s13, $0x4  }
0x44: {  	s4 =	sadd.s32 s3, s4;
	s11 =	sand.u32 $0x1FFFFFF0, s30;
	s30 =	sshll.u32 s23, $0x4  }
0x45: {  	[tilespmem:s31], [sflag:$0x1] =	stream.linear.gather [hbm4b:s4+s2], $0x80, $0x38;
	[tilespmem:$0x10200] =	vst v63  }
0x46: {  	s23 =	simm.s32 $0x600;
	s4 =	sand.u32 $0x1FFFFFF0, s26;
	s31 =	simm.s32 $0x400  }
0x47: {  	s26 =	sshll.u32 s22, $0x4;
	s13 =	sand.u32 $0x1FFFFFF0, s30;
	s25 =	sld [smem:$0xE]  }
0x48: {  	[tilespmem:s17], [sflag:$0x1] =	stream.linear.gather [hbm4b:s19+s2], $0x80, $0x38;
	[tilespmem:$0x10200] =	vst v63  }
0x49: {  	s22 =	sshll.u32 s29, $0x4;
	s29 =	simm.s32 $0x4000;
	s4 =	sadd.s32 s3, s4  }
0x4a: {  	s17 =	sadd.s32 s3, s11;
	s19 =	simm.s32 $0x480;
	s13 =	sadd.s32 s3, s13  }
0x4b: {  	[tilespmem:s31], [sflag:$0x1] =	stream.linear.gather [hbm4b:s4+s2], $0x80, $0x38;
	[tilespmem:$0x10200] =	vst v63  }
0x4c: {  	s4 =	sand.u32 $0x1FFFFFF0, s26;
	s31 =	simm.s32 $0x500;
	s11 =	sld [smem:$0x1F]  }
0x4d: {  	[tilespmem:s19], [sflag:$0x1] =	stream.linear.gather [hbm4b:s17+s2], $0x80, $0x38;
	[tilespmem:$0x10200] =	vst v63  }
0x4e: {  	s4 =	sadd.s32 s3, s4;
	s17 =	simm.s32 $0x580;
	s19 =	sshll.u32 s24, $0x4  }
0x4f: {  	[tilespmem:s31], [sflag:$0x1] =	stream.linear.gather [hbm4b:s4+s2], $0x80, $0x38;
	[tilespmem:$0x10200] =	vst v63  }
0x50: {  	s24 =	simm.s32 $0x680;
	s4 =	sand.u32 $0x1FFFFFF0, s19;
	s31 =	sshll.u32 s20, $0x4  }
0x51: {  	s20 =	sshll.u32 s16, $0x4;
	s16 =	sadd.s32 s3, s6;
	s26 =	sld [smem:$0x10]  }
0x52: {  	[tilespmem:s17], [sflag:$0x1] =	stream.linear.gather [hbm4b:s13+s2], $0x80, $0x38;
	[tilespmem:$0x10200] =	vst v63  }
0x53: {  	s6 =	sadd.s32 s3, s7;
	s7 =	sadd.s32 s3, s9;
	s13 =	sand.u32 $0x1FFFFFF0, s22  }
0x54: {  	s4 =	sadd.s32 s3, s4;
	s17 =	sshll.u32 s21, $0x4;
	s19 =	sand.u32 $0x1FFFFFF0, s31  }
0x55: {  	s22 =	sand.u32 $0x1FFFFFF0, s18;
	s21 =	sshll.u32 s14, $0x4;
	s31 =	simm.s32 $0x700  }
0x56: {  	s14 =	simm.s32 $0x780;
	s18 =	sshll.u32 s15, $0x4;
	s11 =	sshll.u32 s11, $0x4  }
0x57: {  	s30 =	sadd.s32 s3, s13;
	s17 =	sand.u32 $0x1FFFFFF0, s17;
	s21 =	sand.u32 $0x1FFFFFF0, s21  }
0x58: {  	[tilespmem:s23], [sflag:$0x1] =	stream.linear.gather [hbm4b:s4+s2], $0x80, $0x38;
	[tilespmem:$0x10200] =	vst v63  }
0x59: {  	s4 =	sand.u32 $0x1FFFFFF0, s20;
	s23 =	sshll.u32 s0, $0x4;
	s13 =	sld [smem:$0x12]  }
0x5a: {  	[tilespmem:s24], [sflag:$0x1] =	stream.linear.gather [hbm4b:s30+s2], $0x80, $0x38;
	[tilespmem:$0x10200] =	vst v63  }
0x5b: {  	s20 =	simm.s32 $0x0;
	s24 =	sand.u32 $0x1FFFFFF0, s12;
	s30 =	sshll.u32 s28, $0x4  }
0x5c: {  	s28 =	simm.s32 $0x880;
	s12 =	sand.u32 $0x1FFFFFF0, s30;
	s0 =	sadd.s32 s3, s24  }
0x5d: {  	[tilespmem:s31], [sflag:$0x1] =	stream.linear.gather [hbm4b:s0+s2], $0x80, $0x38;
	[tilespmem:$0x10200] =	vst v63  }
0x5e: {  	s9 =	sadd.s32 s3, s4;
	s24 =	sand.u32 $0x1FFFFFF0, s23;
	s12 =	sadd.s32 s3, s12  }
0x5f: {  	[tilespmem:s14], [sflag:$0x1] =	stream.linear.gather [hbm4b:s12+s2], $0x80, $0x38;
	[tilespmem:$0x10200] =	vst v63  }
0x60: {  	s23 =	simm.s32 $0x800;
	s30 =	sshll.u32 s25, $0x4;
	s12 =	sand.u32 $0x1FFFFFF0, s18  }
0x61: {  	s25 =	simm.s32 $0x30;
	s0 =	simm.s32 $0xA80;
	s12 =	sadd.s32 s3, s12  }
0x62: {  	[tilespmem:s23], [sflag:$0x1] =	stream.linear.gather [hbm4b:s12+s2], $0x80, $0x38;
	[tilespmem:$0x10200] =	vst v63  }
0x63: {  	s31 =	simm.s32 $0x900;
	s13 =	sshll.u32 s13, $0x4;
	s15 =	sld [smem:$0x11]  }
0x64: {  	[tilespmem:s28], [sflag:$0x1] =	stream.linear.gather [hbm4b:s10+s2], $0x80, $0x38;
	[tilespmem:$0x10200] =	vst v63  }
0x65: {  	s14 =	sand.u32 $0x1FFFFFF0, s5;
	s23 =	simm.s32 $0xC80;
	s10 =	sand.u32 $0x1FFFFFF0, s30  }
0x66: {  	s12 =	sand.u32 $0x1FFFFFF0, s11;
	s28 =	sshll.u32 s26, $0x4;
	s10 =	sadd.s32 s3, s10  }
0x67: {  	[tilespmem:s31], [sflag:$0x1] =	stream.linear.gather [hbm4b:s10+s2], $0x80, $0x38;
	[tilespmem:$0x10200] =	vst v63  }
0x68: {  	s30 =	simm.s32 $0x980;
	s10 =	sshll.u32 s8, $0x4;
	s8 =	sand.u32 $0x1FFFFFF0, s28  }
0x69: {  	s5 =	sand.u32 $0x1FFFFFF0, s10;
	s10 =	sand.u32 $0x1FFFFFF0, s13;
	s8 =	sadd.s32 s3, s8  }
0x6a: {  	s31 =	sshll.u32 s15, $0x4;
	s18 =	sadd.s32 s3, s5;
	s5 =	sadd.s32 s3, s12  }
0x6b: {  	[tilespmem:s30], [sflag:$0x1] =	stream.linear.gather [hbm4b:s1+s2], $0x80, $0x38;
	[tilespmem:$0x10200] =	vst v63  }
0x6c: {  	s1 =	simm.s32 $0xA00;
	s12 =	sand.u32 $0x1FFFFFF0, s31;
	s11 =	sld [smem:$0x13]  }
.LBB2_2:
0x6d: {  	[tilespmem:s1], [sflag:$0x1] =	stream.linear.gather [hbm4b:s8+s2], $0x80, $0x38;
	[tilespmem:$0x10200] =	vst v63  }
0x6e: {  	s8 =	smov.u32 s29  }
0x6f: {  	s26 =	smov.u32 s25;
	s30 =	sld [smem:s25+$0xFFFFFFFF];
	s4 =	sadd.s32 s3, s12  }
0x70: {  	s12 =	sadd.s32 s3, s24;
	s13 =	sadd.s32 $0xB00, s20;
	s15 =	sld [smem:s25+$0x4]  }
0x71: {  	s10 =	sadd.s32 s3, s10;
	s31 =	sadd.s32 $0x4000, s29;
	s28 =	sld [smem:s25+$0x5]  }
0x72: {  	s1 =	sadd.s32 $0xB80, s20;
	s24 =	sadd.s32 $0xC00, s20;
	[dreg:$0x4] =	wrdreg s31  }
0x73: {  	[tilespmem:s0], [sflag:$0x1] =	stream.linear.gather [hbm4b:s4+s2], $0x80, $0x38;
	[tilespmem:$0x10200] =	vst v63  }
0x74: {  	s11 =	sshll.u32 s11, $0x4;
	[dreg:$0x5] =	wrdreg s30;
	s0 =	sshll.u32 s28, $0x4  }
0x75: {  	[tilespmem:s13], [sflag:$0x1] =	stream.linear.gather [hbm4b:s10+s2], $0x80, $0x38;
	[tilespmem:$0x10200] =	vst v63  }
0x76: {  	s11 =	sand.u32 $0x1FFFFFF0, s11;
	s0 =	sand.u32 $0x1FFFFFF0, s0;
	s10 =	sld [smem:s25+$0xFFFFFFF4]  }
0x77: {  	p0 =	sne.s32 s29, $0x3C000;
	s4 =	sadd.s32 s3, s11;
	[dreg:$0x6] =	wrdreg s0  }
0x78: {  	[tilespmem:s1], [sflag:$0x1] =	stream.linear.gather [hbm4b:s4+s2], $0x80, $0x38;
	[tilespmem:$0x10200] =	vst v63  }
0x79: {  	s31 =	sadd.s32 s3, s22;
	s30 =	sadd.s32 s3, s19;
	s1 =	sld [smem:s25+$0x7]  }
0x7a: {  	[tilespmem:s24], [sflag:$0x1] =	stream.linear.gather [hbm4b:s30+s2], $0x80, $0x38;
	[tilespmem:$0x10200] =	vst v63  }
0x7b: {  	s22 =	sadd.s32 $0xD00, s20;
	s15 =	sshll.u32 s15, $0x4;
	s30 =	sld [smem:s25+$0x6]  }
0x7c: {  	s19 =	sadd.s32 s3, s17;
	s24 =	sand.u32 $0x1FFFFFF0, s15;
	s15 =	sld [smem:s25+$0x8]  }
0x7d: {  	s28 =	sadd.s32 $0xD80, s20;
	s17 =	sadd.s32 $0xF00, s20;
	[dreg:$0x8] =	wrdreg s24  }
0x7e: {  	s11 =	sadd.s32 s3, s21;
	s13 =	sadd.s32 $0xE80, s20;
	s24 =	sld [smem:s25+$0x9]  }
0x7f: {  	[tilespmem:s23], [sflag:$0x1] =	stream.linear.gather [hbm4b:s19+s2], $0x80, $0x38;
	[tilespmem:$0x10200] =	vst v63  }
0x80: {  	s19 =	sshll.u32 s1, $0x4;
	s0 =	sshll.u32 s30, $0x4;
	s30 =	sld [smem:s25+$0xFFFFFFF1]  }
0x81: {  	[tilespmem:s22], [sflag:$0x1] =	stream.linear.gather [hbm4b:s31+s2], $0x80, $0x38;
	[tilespmem:$0x10200] =	vst v63  }
0x82: {  	s0 =	sand.u32 $0x1FFFFFF0, s0;
	s22 =	sshll.u32 s15, $0x4;
	s15 =	sld [smem:s25+$0xFFFFFFF6]  }
0x83: {  	s21 =	sadd.s32 $0xF80, s20;
	[dreg:$0xa] =	wrdreg s0;
	s0 =	sand.u32 $0x1FFFFFF0, s19  }
0x84: {  	[tilespmem:s28], [sflag:$0x1] =	stream.linear.gather [hbm4b:s9+s2], $0x80, $0x38;
	[tilespmem:$0x10200] =	vst v63  }
0x85: {  	s23 =	sadd.s32 $0x1000, s20;
	s1 =	sadd.s32 $0x1100, s20;
	[dreg:$0x7] =	wrdreg s0  }
0x86: {  	s31 =	sadd.s32 $0xE00, s20;
	s0 =	sand.u32 $0x1FFFFFF0, s22;
	s22 =	sld [smem:s25+$0xA]  }
0x87: {  	s28 =	sadd.s32 $0x1080, s20;
	[dreg:$0x9] =	wrdreg s0;
	s4 =	sshll.u32 s15, $0x4  }
0x88: {  	[tilespmem:s31], [sflag:$0x1] =	stream.linear.gather [hbm4b:s11+s2], $0x80, $0x38;
	[tilespmem:$0x10200] =	vst v63  }
0x89: {  	s31 =	sadd.s32 s3, s14;
	s11 =	sshll.u32 s24, $0x4;
	s14 =	sshll.u32 s10, $0x4  }
0x8a: {  	s4 =	sand.u32 $0x1FFFFFF0, s4;
	s24 =	sld [smem:s25+$0xFFFFFFF8];
	s0 =	sand.u32 $0x1FFFFFF0, s14  }
0x8b: {  	s19 =	sand.u32 $0x1FFFFFF0, s11;
	s10 =	sshll.u32 s22, $0x4;
	s22 =	sld [smem:s25+$0xFFFFFFF9]  }
0x8c: {  	[tilespmem:s13], [sflag:$0x1] =	stream.linear.gather [hbm4b:s12+s2], $0x80, $0x38;
	[tilespmem:$0x10200] =	vst v63  }
0x8d: {  	s12 =	sadd.s32 $0x1180, s20;
	s20 =	sshra.s32 s8, $0x2;
	s13 =	sld [smem:s25+$0xFFFFFFF5]  }
0x8e: {  	[tilespmem:s17], [sflag:$0x1] =	stream.linear.gather [hbm4b:s7+s2], $0x80, $0x38;
	[tilespmem:$0x10200] =	vst v63  }
0x8f: {  	s29 =	sadd.s32 s3, s4;
	[dreg:$0xb] =	wrdreg s19;
	s17 =	sadd.s32 $0xA80, s20  }
0x90: {  	s19 =	sshll.u32 s22, $0x4;
	s22 =	sld [smem:s25+$0xFFFFFFFC];
	s8 =	sshll.u32 s13, $0x4  }
0x91: {  	[dreg:$0xc] =	wrdreg s17;
	s19 =	sand.u32 $0x1FFFFFF0, s19;
	s13 =	sadd.s32 $0x280, s20  }
0x92: {  	[tilespmem:s21], [sflag:$0x1] =	stream.linear.gather [hbm4b:s16+s2], $0x80, $0x38;
	[tilespmem:$0x10200] =	vst v63  }
0x93: {  	s8 =	sand.u32 $0x1FFFFFF0, s8;
	s21 =	sld [smem:s25+$0xFFFFFFF7];
	s19 =	sadd.s32 s3, s19  }
0x94: {  	[tilespmem:s23], [sflag:$0x1] =	stream.linear.gather [hbm4b:s6+s2], $0x80, $0x38;
	[tilespmem:$0x10200] =	vst v63  }
0x95: {  	s7 =	sadd.s32 s3, s8;
	s8 =	sadd.s32 $0x480, s20;
	s23 =	sld [smem:s25+$0xB]  }
0x96: {  	s22 =	sshll.u32 s22, $0x4;
	s6 =	sshll.u32 s30, $0x4;
	s30 =	sld [smem:s25+$0xC]  }
0x97: {  	s16 =	sand.u32 $0x1FFFFFF0, s6;
	s6 =	sadd.s32 s3, s0;
	s9 =	sshll.u32 s21, $0x4  }
0x98: {  	[tilespmem:s28], [sflag:$0x1] =	stream.linear.gather [hbm4b:s31+s2], $0x80, $0x38;
	[tilespmem:$0x10200] =	vst v63  }
0x99: {  	s21 =	sshll.u32 s24, $0x4;
	s24 =	sld [smem:s25+$0xFFFFFFFA];
	s31 =	sadd.s32 $0x200, s20  }
0x9a: {  	s15 =	sand.u32 $0x1FFFFFF0, s9;
	s9 =	sand.u32 $0x1FFFFFF0, s10;
	s28 =	sld [smem:s25+$0xD]  }
0x9b: {  	s11 =	sand.u32 $0x1FFFFFF0, s21;
	s21 =	sld [smem:s25+$0xFFFFFFFD];
	s10 =	sadd.s32 $0x600, s20  }
0x9c: {  	[tilespmem:s1], [sflag:$0x1] =	stream.linear.gather [hbm4b:s18+s2], $0x80, $0x38;
	[tilespmem:$0x10200] =	vst v63  }
0x9d: {  	s4 =	sshll.u32 s23, $0x4;
	s23 =	sld [smem:s25+$0xFFFFFFF0];
	s18 =	sadd.s32 $0x380, s20  }
0x9e: {  	s1 =	sadd.s32 $0xC80, s20;
	s4 =	sand.u32 $0x1FFFFFF0, s4;
	s17 =	sshll.u32 s24, $0x4  }
0x9f: {  	s24 =	sadd.s32 s3, s16;
	s28 =	sshll.u32 s28, $0x4;
	s17 =	sand.u32 $0x1FFFFFF0, s17  }
0xa0: {  	s16 =	sadd.s32 s3, s4;
	s4 =	sadd.s32 $0x780, s20;
	s21 =	sshll.u32 s21, $0x4  }
0xa1: {  	[tilespmem:s12], [sflag:$0x1] =	stream.linear.gather [hbm4b:s5+s2], $0x80, $0x38;
	[tilespmem:$0x10200] =	vst v63  }
0xa2: {  	s5 =	sadd.s32 $0x400, s20;
	s14 =	sshll.u32 s23, $0x4;
	s23 =	sld [smem:s25+$0xFFFFFFF3]  }
0xa3: {  	s12 =	sshll.u32 s30, $0x4;
	s0 =	sand.u32 $0x1FFFFFF0, s28;
	s30 =	sld [smem:s26+$0xFFFFFFF2]  }
0xa4: {  	s25 =	sadd.s32 $0x20, s25;
	s28 =	sld [smem:s26+$0xFFFFFFFB];
	s14 =	sand.u32 $0x1FFFFFF0, s14  }
0xa5: {  	s21 =	sand.u32 $0x1FFFFFF0, s21;
	s12 =	sand.u32 $0x1FFFFFF0, s12;
	s14 =	sadd.s32 s3, s14  }
0xa6: {  	[tilespmem:s31], [sflag:$0x1] =	stream.linear.gather [hbm4b:s14+s2], $0x80, $0x38;
	[tilespmem:$0x10200] =	vst v63  }
0xa7: {  	s31 =	sshll.u32 s30, $0x4;
	s30 =	sld [smem:s26+$0xE];
	s14 =	sadd.s32 s3, s15  }
0xa8: {  	s15 =	sshll.u32 s28, $0x4;
	s28 =	sadd.s32 $0x300, s20;
	s23 =	sshll.u32 s23, $0x4  }
0xa9: {  	s31 =	sand.u32 $0x1FFFFFF0, s31;
	s23 =	sand.u32 $0x1FFFFFF0, s23;
	s15 =	sand.u32 $0x1FFFFFF0, s15  }
0xaa: {  	[tilespmem:s13], [sflag:$0x1] =	stream.linear.gather [hbm4b:s24+s2], $0x80, $0x38;
	[tilespmem:$0x10200] =	vst v63  }
0xab: {  	s31 =	sadd.s32 s3, s31;
	s24 =	sadd.s32 s3, s23;
	s23 =	sadd.s32 $0x680, s20  }
0xac: {  	[tilespmem:s28], [sflag:$0x1] =	stream.linear.gather [hbm4b:s31+s2], $0x80, $0x38;
	[tilespmem:$0x10200] =	vst v63  }
0xad: {  	s13 =	sand.u32 $0x1FFFFFF0, s22;
	s22 =	sadd.s32 $0x500, s20;
	s31 =	sld [smem:s26+$0xF]  }
0xae: {  	s30 =	sshll.u32 s30, $0x4;
	s13 =	sadd.s32 s3, s13;
	s28 =	sld [smem:s26+$0xFFFFFFFE]  }
0xaf: {  	[tilespmem:s18], [sflag:$0x1] =	stream.linear.gather [hbm4b:s24+s2], $0x80, $0x38;
	[tilespmem:$0x10200] =	vst v63  }
0xb0: {  	s18 =	sand.u32 $0x1FFFFFF0, s30;
	s30 =	sadd.s32 s3, s11;
	s31 =	sshll.u32 s31, $0x4  }
0xb1: {  	[tilespmem:s5], [sflag:$0x1] =	stream.linear.gather [hbm4b:s6+s2], $0x80, $0x38;
	[tilespmem:$0x10200] =	vst v63  }
0xb2: {  	s24 =	sshll.u32 s28, $0x4;
	s28 =	sand.u32 $0x1FFFFFF0, s31;
	s31 =	sld [smem:s26+$0x2]  }
0xb3: {  	[tilespmem:s8], [sflag:$0x1] =	stream.linear.gather [hbm4b:s7+s2], $0x80, $0x38;
	[tilespmem:$0x10200] =	vst v63  }
0xb4: {  	s11 =	sld [smem:s26+$0x0];
	s24 =	sand.u32 $0x1FFFFFF0, s24;
	s7 =	sadd.s32 s3, s9  }
0xb5: {  	s9 =	sshll.u32 s31, $0x4;
	s31 =	sadd.s32 s3, s24;
	s24 =	rddreg [dreg:$0xb]  }
0xb6: {  	[tilespmem:s22], [sflag:$0x1] =	stream.linear.gather [hbm4b:s29+s2], $0x80, $0x38;
	[tilespmem:$0x10200] =	vst v63  }
0xb7: {  	s18 =	sadd.s32 s3, s18;
	s5 =	sadd.s32 $0x580, s20;
	s22 =	rddreg [dreg:$0xa]  }
0xb8: {  	s6 =	sadd.s32 s3, s12;
	s12 =	sadd.s32 $0x700, s20;
	s29 =	rddreg [dreg:$0x4]  }
0xb9: {  	[tilespmem:s5], [sflag:$0x1] =	stream.linear.gather [hbm4b:s14+s2], $0x80, $0x38;
	[tilespmem:$0x10200] =	vst v63  }
0xba: {  	s14 =	sadd.s32 s3, s17;
	s5 =	sadd.s32 s3, s28;
	s17 =	sadd.s32 $0x900, s20  }
0xbb: {  	[tilespmem:s10], [sflag:$0x1] =	stream.linear.gather [hbm4b:s30+s2], $0x80, $0x38;
	[tilespmem:$0x10200] =	vst v63  }
0xbc: {  	s28 =	sadd.s32 $0x800, s20;
	s30 =	sadd.s32 s3, s15;
	s10 =	rddreg [dreg:$0x5]  }
0xbd: {  	[tilespmem:s23], [sflag:$0x1] =	stream.linear.gather [hbm4b:s19+s2], $0x80, $0x38;
	[tilespmem:$0x10200] =	vst v63  }
0xbe: {  	s15 =	sadd.s32 $0x880, s20;
	s23 =	smov.u32 s1;
	s19 =	rddreg [dreg:$0x8]  }
0xbf: {  	[tilespmem:s12], [sflag:$0x1] =	stream.linear.gather [hbm4b:s14+s2], $0x80, $0x38;
	[tilespmem:$0x10200] =	vst v63  }
0xc0: {  	s1 =	sshll.u32 s10, $0x4;
	s14 =	smov.u32 s0;
	s0 =	rddreg [dreg:$0xc]  }
0xc1: {  	s10 =	sand.u32 $0x1FFFFFF0, s9;
	s12 =	sshll.u32 s11, $0x4;
	s11 =	sld [smem:s26+$0x3]  }
0xc2: {  	[tilespmem:s4], [sflag:$0x1] =	stream.linear.gather [hbm4b:s30+s2], $0x80, $0x38;
	[tilespmem:$0x10200] =	vst v63  }
0xc3: {  	s9 =	sand.u32 $0x1FFFFFF0, s12;
	s30 =	sadd.s32 s3, s21;
	s21 =	rddreg [dreg:$0x9]  }
0xc4: {  	[tilespmem:s28], [sflag:$0x1] =	stream.linear.gather [hbm4b:s13+s2], $0x80, $0x38;
	[tilespmem:$0x10200] =	vst v63  }
0xc5: {  	s1 =	sand.u32 $0x1FFFFFF0, s1;
	s8 =	sadd.s32 s3, s9;
	s13 =	sld [smem:s26+$0x1]  }
0xc6: {  	[tilespmem:s15], [sflag:$0x1] =	stream.linear.gather [hbm4b:s30+s2], $0x80, $0x38;
	[tilespmem:$0x10200] =	vst v63  }
.Ltmp0:
0xc7: {  	s28 =	sadd.s32 s3, s1;
	s1 =	sadd.s32 $0xA00, s20;
	(pc) =	sbr.rel @p0 .LBB2_2-.Ltmp0, $4  }
0xc8: {  	[tilespmem:s17], [sflag:$0x1] =	stream.linear.gather [hbm4b:s31+s2], $0x80, $0x38;
	[tilespmem:$0x10200] =	vst v63  }
0xc9: {  	s15 =	sadd.s32 $0x980, s20;
	s30 =	sshll.u32 s13, $0x4;
	s31 =	rddreg [dreg:$0x7]  }
0xca: {  	s17 =	rddreg [dreg:$0x6];
	s12 =	sand.u32 $0x1FFFFFF0, s30;
	s9 =	sadd.s32 s3, s31  }
0xcb: {  	[tilespmem:s15], [sflag:$0x1] =	stream.linear.gather [hbm4b:s28+s2], $0x80, $0x38;
	[tilespmem:$0x10200] =	vst v63  }
0xcc: {  	[tilespmem:s1], [sflag:$0x1] =	stream.linear.gather [hbm4b:s8+s2], $0x80, $0x38;
	[tilespmem:$0x10200] =	vst v63  }
0xcd: {  	s15 =	sadd.s32 s3, s12;
	s28 =	sshll.u32 s11, $0x4  }
0xce: {  	[tilespmem:s0], [sflag:$0x1] =	stream.linear.gather [hbm4b:s15+s2], $0x80, $0x38;
	[tilespmem:$0x10200] =	vst v63  }
0xcf: {  	s25 =	sadd.s32 $0xB00, s20;
	s26 =	sadd.s32 s3, s10;
	s0 =	sand.u32 $0x1FFFFFF0, s28  }
0xd0: {  	[tilespmem:s25], [sflag:$0x1] =	stream.linear.gather [hbm4b:s26+s2], $0x80, $0x38;
	[tilespmem:$0x10200] =	vst v63  }
0xd1: {  	s29 =	sadd.s32 $0xB80, s20;
	s0 =	sadd.s32 s3, s0  }
0xd2: {  	[tilespmem:s29], [sflag:$0x1] =	stream.linear.gather [hbm4b:s0+s2], $0x80, $0x38;
	[tilespmem:$0x10200] =	vst v63  }
0xd3: {  	s30 =	sadd.s32 $0xC00, s20;
	s31 =	sadd.s32 s3, s19  }
0xd4: {  	[tilespmem:s30], [sflag:$0x1] =	stream.linear.gather [hbm4b:s31+s2], $0x80, $0x38;
	[tilespmem:$0x10200] =	vst v63  }
0xd5: {  	s4 =	sadd.s32 s3, s17  }
0xd6: {  	[tilespmem:s23], [sflag:$0x1] =	stream.linear.gather [hbm4b:s4+s2], $0x80, $0x38;
	[tilespmem:$0x10200] =	vst v63  }
0xd7: {  	s8 =	sadd.s32 s3, s22;
	s10 =	sadd.s32 $0xD00, s20  }
0xd8: {  	[tilespmem:s10], [sflag:$0x1] =	stream.linear.gather [hbm4b:s8+s2], $0x80, $0x38;
	[tilespmem:$0x10200] =	vst v63  }
0xd9: {  	s11 =	sadd.s32 $0xD80, s20  }
0xda: {  	[tilespmem:s11], [sflag:$0x1] =	stream.linear.gather [hbm4b:s9+s2], $0x80, $0x38;
	[tilespmem:$0x10200] =	vst v63  }
0xdb: {  	s12 =	sadd.s32 $0xE00, s20;
	s13 =	sadd.s32 s3, s21  }
0xdc: {  	[tilespmem:s12], [sflag:$0x1] =	stream.linear.gather [hbm4b:s13+s2], $0x80, $0x38;
	[tilespmem:$0x10200] =	vst v63  }
0xdd: {  	s17 =	sadd.s32 $0xE80, s20;
	s15 =	sadd.s32 s3, s24  }
0xde: {  	[tilespmem:s17], [sflag:$0x1] =	stream.linear.gather [hbm4b:s15+s2], $0x80, $0x38;
	[tilespmem:$0x10200] =	vst v63  }
0xdf: {  	s19 =	sadd.s32 $0xF00, s20  }
0xe0: {  	[tilespmem:s19], [sflag:$0x1] =	stream.linear.gather [hbm4b:s7+s2], $0x80, $0x38;
	[tilespmem:$0x10200] =	vst v63  }
0xe1: {  	s21 =	sadd.s32 $0xF80, s20  }
0xe2: {  	[tilespmem:s21], [sflag:$0x1] =	stream.linear.gather [hbm4b:s16+s2], $0x80, $0x38;
	[tilespmem:$0x10200] =	vst v63  }
0xe3: {  	s22 =	sadd.s32 $0x1000, s20  }
0xe4: {  	[tilespmem:s22], [sflag:$0x1] =	stream.linear.gather [hbm4b:s6+s2], $0x80, $0x38;
	[tilespmem:$0x10200] =	vst v63  }
0xe5: {  	s24 =	sadd.s32 s3, s14;
	s23 =	sadd.s32 $0x1080, s20  }
0xe6: {  	[tilespmem:s23], [sflag:$0x1] =	stream.linear.gather [hbm4b:s24+s2], $0x80, $0x38;
	[tilespmem:$0x10200] =	vst v63  }
0xe7: {  	s25 =	sadd.s32 $0x1100, s20  }
0xe8: {  	[tilespmem:s25], [sflag:$0x1] =	stream.linear.gather [hbm4b:s18+s2], $0x80, $0x38;
	[tilespmem:$0x10200] =	vst v63  }
0xe9: {  	s26 =	sadd.s32 $0x1180, s20;
	s6 =	simm.s32 $0x1  }
0xea: {  	[tilespmem:s26], [sflag:$0x1] =	stream.linear.gather [hbm4b:s5+s2], $0x80, $0x38;
	[tilespmem:$0x10200] =	vst v63  }
0xeb: {  	_ =	swait.ge [sflag:s6], $0x10000  }
0xec: {  	s29 =	simm.s32 $0x200;
	[sflag:s6] =	ssyncset.done $0x0  }
0xed: {  	s8 =	simm.s32 $0x2;
	s28 =	rddreg [dreg:$0x10];
	[sflag:s6] =	ssyncadd.s32 $0xFFFF0000  }
0xee: {  	[hbm4b:s28+s2] =	stream.linear.scatter [tilespmem:s29], [sflag:$0x2], $0x10000, $0x38;
	[tilespmem:$0x10200] =	vst v63  }
0xef: {  	_ =	swait.ge [sflag:s8], $0x10000  }
0xf0: {  	s30 =	rddreg [dreg:$0x16]  }
0xf1: {  	s31 =	rddreg [dreg:$0x11];
	s1 =	sadd.s32 $0x1, s30  }
0xf2: {  	p0 =	sne.s32 s1, s31  }
.Ltmp1:
0xf3: {  	_ = 	snop;
	(pc) =	sbr.rel @p0 .LBB2_1-.Ltmp1, $3  }
0xf4: {  	_ =	sdelay $0x1  }
0xf5: {  	[sflag:s8] =	ssyncset.done $0x0  }
0xf6: {  	[sflag:s8] =	ssyncadd.s32 $0xFFFF0000  }
0xf7: {  	_ =	sfence.sel $0x180000  }
0xf8: {  	[bflag:$0x0] =	sbarrier.arrive $0xFFFF  }
0xf9: {  	_ =	strace $0x9000004A  }
0xfa: {  	s0 =	stileid.u32;
	[bflag:$0x2] =	sbarrier.arrive $0xFFFF  }
0xfb: {  	p0 =	sne.s32 s0, $0x0;
	s0 =	rddreg [dreg:$0x3]  }
0xfc: {  	s0 =	sadd.s32 @!p0 $0x100000, s0  }
0xfd: {  	[sflag:s0] =	ssyncadd.tile.s32 @!p0 $0x1;
	_ =	shalt  }
.Lfunc_end2:
_tile_overlayer_lowered:
.L_overlay_start_2:
0xfe: {  	(tag) =	ssettag $0x2  }
0xff: {  	s0 =	rddreg [dreg:$0x0];
	s2 =	stileid.u32  }
0x100: {  	s1 =	rddreg [dreg:$0x1];
	p0 =	sne.s32 s2, $0x0  }
0x101: {  	s3 =	rddreg [dreg:$0x2];
	[bflag:$0x3] =	sbarrier.arrive $0xFFFF;
	s2 =	simm.s32 @!p0 $0x1C02  }
0x102: {  	[timem:s3], [sflag:s2] =	dma.local @!p0 [hbm:s0], s1  }
0x103: {  	s0 =	simm.s32 @!p0 $0x2  }
0x104: {  	_ =	swait.ge @!p0 [sflag:s0], s1  }
0x105: {  	s1 =	ssub.s32 @!p0 $0x0, s1;
	[sflag:s0] =	ssyncset.done @!p0 $0x0  }
0x106: {  	[sflag:s0] =	ssyncadd.s32 @!p0 s1  }
0x107: {  	[bflag:$0x3] =	sbarrier.arrive $0xFFFF  }
0x108: {  	_ =	shalt  }

</sc_bundles>
